<compile_context>
chip_gen: v7x
topology: tpu7x:2x2x1
jax: 0.10.2.dev20260603
libtpu: 0.0.44.dev20260713+nightly
codegen_flags: <defaults>
</compile_context>

<pallas_src>
import functools

import jax
import jax.numpy as jnp
from jax import lax
from jax.experimental import pallas as pl
from jax.experimental.pallas import tpu as pltpu
from jax.experimental.pallas import tpu_sc as plsc

N = 10000
E = 320000
D = 128
H = 128
C = 64

NP = 10240
NW = 32
GRP = 128
G = 80
EP = NW * G * GRP
ROWS_PER_TILE = NP // 16

_MESH = dict(core_axis_name="c", subcore_axis_name="s")



def _sc_degree(idxp, ones_hbm, zeros_hbm):
    mesh = plsc.VectorSubcoreMesh(**_MESH)

    @functools.partial(
        pl.kernel,
        out_type=jax.ShapeDtypeStruct((2, NP, 16), jnp.float32),
        mesh=mesh,
        scratch_types=[pltpu.VMEM((G, GRP), jnp.int32),
                       pltpu.VMEM((GRP, 16), jnp.float32),
                       pltpu.VMEM_SHARED((NP, 16), jnp.float32)],
        compiler_params=pltpu.CompilerParams(use_tc_tiling_on_sc=False),
    )
    def k(idx_hbm, ones_h, zeros_h, deg_hbm, sidx, ones_v, acc):
        c = lax.axis_index("c")
        s = lax.axis_index("s")
        wid = c * 16 + s
        r0 = s * ROWS_PER_TILE
        pltpu.sync_copy(zeros_h, acc.at[pl.ds(r0, ROWS_PER_TILE)])
        pltpu.sync_copy(ones_h, ones_v)
        pltpu.sync_copy(idx_hbm.at[wid], sidx)
        plsc.subcore_barrier()

        @pl.loop(0, G)
        def _(g):
            pltpu.sync_copy(ones_v, acc.at[sidx.at[g]], add=True)

        plsc.subcore_barrier()
        pltpu.sync_copy(acc.at[pl.ds(r0, ROWS_PER_TILE)],
                        deg_hbm.at[c].at[pl.ds(r0, ROWS_PER_TILE)])

    return k(idxp, ones_hbm, zeros_hbm)


def _sc_gather_scatter(hp, srcp, dstp, zeros_hbm, width):
    mesh = plsc.VectorSubcoreMesh(**_MESH)

    @functools.partial(
        pl.kernel,
        out_type=jax.ShapeDtypeStruct((2, NP, width), jnp.float32),
        mesh=mesh,
        scratch_types=[pltpu.VMEM((G // 2, GRP), jnp.int32),
                       pltpu.VMEM((G // 2, GRP), jnp.int32),
                       pltpu.VMEM((GRP, width), jnp.float32),
                       pltpu.VMEM((GRP, width), jnp.float32),
                       pltpu.VMEM_SHARED((NP, width), jnp.float32),
                       pltpu.SemaphoreType.DMA,
                       pltpu.SemaphoreType.DMA],
        compiler_params=pltpu.CompilerParams(
            use_tc_tiling_on_sc=(width == 128)),
    )
    def k(hp_hbm, src_hbm, dst_hbm, zeros_h, out_hbm,
          sidx, didx, rows_a, rows_b, acc, sem_a, sem_b):
        c = lax.axis_index("c")
        s = lax.axis_index("s")
        wid = c * 16 + s
        r0 = s * ROWS_PER_TILE
        HG = G // 2
        pltpu.sync_copy(zeros_h, acc.at[pl.ds(r0, ROWS_PER_TILE)])
        plsc.subcore_barrier()

        def start_gather(g, rows, sem):
            pltpu.async_copy(hp_hbm.at[sidx.at[g]], rows, sem)

        def wait_gather(g, rows, sem):
            pltpu.make_async_copy(hp_hbm.at[sidx.at[g]], rows, sem).wait()

        def scatter(g, rows):
            pltpu.sync_copy(rows, acc.at[didx.at[g]], add=True)

        for h in range(2):
            pltpu.sync_copy(src_hbm.at[wid].at[pl.ds(h * HG, HG)], sidx)
            pltpu.sync_copy(dst_hbm.at[wid].at[pl.ds(h * HG, HG)], didx)
            start_gather(0, rows_a, sem_a)
            start_gather(1, rows_b, sem_b)

            @pl.loop(0, HG // 2 - 1)
            def _(k2):
                g = 2 * k2
                wait_gather(g, rows_a, sem_a)
                scatter(g, rows_a)
                start_gather(g + 2, rows_a, sem_a)
                wait_gather(g + 1, rows_b, sem_b)
                scatter(g + 1, rows_b)
                start_gather(g + 3, rows_b, sem_b)

            wait_gather(HG - 2, rows_a, sem_a)
            scatter(HG - 2, rows_a)
            wait_gather(HG - 1, rows_b, sem_b)
            scatter(HG - 1, rows_b)

        plsc.subcore_barrier()
        pltpu.sync_copy(acc.at[pl.ds(r0, ROWS_PER_TILE)],
                        out_hbm.at[c].at[pl.ds(r0, ROWS_PER_TILE)])

    return k(hp, srcp, dstp, zeros_hbm)




def _dot(a, b):
    return jnp.dot(a, b, precision=lax.Precision.HIGHEST,
                   preferred_element_type=jnp.float32)


def _rsqrt_deg(d_ref):
    deg = d_ref[0][:, :1] + d_ref[1][:, :1]
    return lax.rsqrt(jnp.maximum(deg, 1.0))


def _tc_linear1(xp, W1, b1r):
    def body(x_ref, w_ref, b_ref, o_ref):
        o_ref[...] = _dot(x_ref[...], w_ref[...]) + b_ref[...]

    return pl.pallas_call(
        body,
        out_shape=jax.ShapeDtypeStruct((NP, H), jnp.float32),
    )(xp, W1, b1r)


def _tc_scale_a(h_raw, dego):
    def body(h_ref, d_ref, o_ref):
        o_ref[...] = h_ref[...] * _rsqrt_deg(d_ref)

    return pl.pallas_call(
        body,
        out_shape=jax.ShapeDtypeStruct((NP, H), jnp.float32),
    )(h_raw, dego)


def _tc_layer2(p, dego, degi, W2, b2r):
    def body(p_ref, di_ref, do_ref, w_ref, b_ref, o_ref):
        bcol = _rsqrt_deg(di_ref)
        acol = _rsqrt_deg(do_ref)
        h1 = jnp.maximum((p_ref[0] + p_ref[1]) * bcol, 0.0)
        o_ref[...] = (_dot(h1, w_ref[...]) + b_ref[...]) * acol

    RB = 2048
    pspec = pl.BlockSpec((2, RB, H), lambda i: (0, i, 0))
    dspec = pl.BlockSpec((2, RB, 16), lambda i: (0, i, 0))
    return pl.pallas_call(
        body,
        grid=(NP // RB,),
        in_specs=[pspec, dspec, dspec,
                  pl.BlockSpec((H, C), lambda i: (0, 0)),
                  pl.BlockSpec((1, C), lambda i: (0, 0))],
        out_specs=pl.BlockSpec((RB, C), lambda i: (i, 0)),
        out_shape=jax.ShapeDtypeStruct((NP, C), jnp.float32),
    )(p, degi, dego, W2, b2r)


def _tc_final(q, degi):
    def body(q_ref, di_ref, o_ref):
        b = _rsqrt_deg(di_ref)
        o_ref[...] = ((q_ref[0] + q_ref[1]) * b)[:N]

    return pl.pallas_call(
        body,
        out_shape=jax.ShapeDtypeStruct((N, C), jnp.float32),
    )(q, degi)



def kernel(x, edge_index, W1, b1, W2, b2):
    src = edge_index[0].astype(jnp.int32)
    dst = edge_index[1].astype(jnp.int32)
    pad = (N + (jnp.arange(EP - E, dtype=jnp.int32) % (NP - N)))
    srcp = jnp.concatenate([src, pad]).reshape(NW, G, GRP)
    dstp = jnp.concatenate([dst, pad]).reshape(NW, G, GRP)
    xp = jnp.zeros((NP, D), jnp.float32).at[:N].set(x)

    ones16 = jnp.ones((GRP, 16), jnp.float32)
    zeros16 = jnp.zeros((ROWS_PER_TILE, 16), jnp.float32)
    zerosH = jnp.zeros((ROWS_PER_TILE, H), jnp.float32)
    zerosC = jnp.zeros((ROWS_PER_TILE, C), jnp.float32)

    dego = _sc_degree(srcp, ones16, zeros16)
    degi = _sc_degree(dstp, ones16, zeros16)
    h_raw = _tc_linear1(xp, W1, b1.reshape(1, H))
    hp = _tc_scale_a(h_raw, dego)
    p = _sc_gather_scatter(hp, srcp, dstp, zerosH, H)
    h2p = _tc_layer2(p, dego, degi, W2, b2.reshape(1, C))
    q = _sc_gather_scatter(h2p, srcp, dstp, zerosC, C)
    return _tc_final(q, degi)

# --- scband reference (transcript-rebuilt; emitter-appended) ---
"""Pipeline reference for scband-gcn-85177791414287 (READ-ONLY COPY).

The authoritative reference and input builder live on the scoring server;
editing this copy changes nothing except your own understanding.
"""

import jax, jax.numpy as jnp
import numpy as np

N = 10000
E = 320000
D = 128
H = 128
C = 64


def setup_inputs(seed: int = 0) -> dict:
    key = jax.random.key(seed)
    k1, k2, k3, k4, k5, k6 = jax.random.split(key, 6)
    x = jax.random.normal(k1, (N, D), dtype=jnp.float32)
    edge_index = jax.random.randint(k2, (2, E), 0, N, dtype=jnp.int32)
    # GraphConvolution layer weights (glorot-like init, stddev=0.1 per the TF initializer)
    W1 = jax.random.normal(k3, (D, H), dtype=jnp.float32) * 0.1
    b1 = jnp.zeros((H,), dtype=jnp.float32)
    W2 = jax.random.normal(k4, (H, C), dtype=jnp.float32) * 0.1
    b2 = jnp.zeros((C,), dtype=jnp.float32)
    return {"x": x, "edge_index": edge_index, "W1": W1, "b1": b1, "W2": W2, "b2": b2}


def reference(x, edge_index, W1, b1, W2, b2):
    # Two-layer GCN: out = A_hat @ relu(A_hat @ (X W1) + b1) @ W2 + b2
    # The TF `support` sparse placeholder is the symmetrically normalized adjacency;
    # we materialize it as COO edges with D^{-1/2} A D^{-1/2} edge weights.
    src = edge_index[0]
    dst = edge_index[1]
    deg_out = jnp.zeros((N,), dtype=jnp.float32).at[src].add(1.0)
    deg_in = jnp.zeros((N,), dtype=jnp.float32).at[dst].add(1.0)
    norm = jax.lax.rsqrt(jnp.maximum(deg_out[src], 1.0) * jnp.maximum(deg_in[dst], 1.0))

    # Layer 1: XW -> sparse aggregate -> relu
    h = x @ W1 + b1
    msg = h[src] * norm[:, None]
    agg = jax.ops.segment_sum(msg, dst, num_segments=N)
    h1 = jax.nn.relu(agg)

    # Layer 2: HW -> sparse aggregate -> identity act
    h2 = h1 @ W2 + b2
    msg2 = h2[src] * norm[:, None]
    out = jax.ops.segment_sum(msg2, dst, num_segments=N)
    return out

if __name__ == "__main__":
    import jax
    _d = setup_inputs()
    print(jax.jit(kernel)(*tuple(_d.values())))

</pallas_src>

<mosaic_0001>
#map = affine_map<(d0, d1) -> (0, 0)>
#map1 = affine_map<(d0, d1) -> (0, 0, 0)>
module attributes {stable_mosaic.version = 14 : i64} {
  func.func @k(%arg0: i32, %arg1: i32, %arg2: memref<10240x64xf32, #tpu.memory_space<hbm>>, %arg3: memref<32x80x128xi32, #tpu.memory_space<hbm>>, %arg4: memref<32x80x128xi32, #tpu.memory_space<hbm>>, %arg5: memref<640x64xf32, #tpu.memory_space<hbm>>, %arg6: memref<2x10240x64xf32, #tpu.memory_space<hbm>>, %arg7: memref<40x128xi32, #tpu.memory_space<vmem>>, %arg8: memref<40x128xi32, #tpu.memory_space<vmem>>, %arg9: memref<128x64xf32, #tpu.memory_space<vmem>>, %arg10: memref<128x64xf32, #tpu.memory_space<vmem>>, %arg11: memref<10240x64xf32, #tpu.memory_space<vmem_shared>>, %arg12: memref<!tpu.dma_semaphore, #tpu.memory_space<semaphore_mem>>, %arg13: memref<!tpu.dma_semaphore, #tpu.memory_space<semaphore_mem>>) attributes {dimension_semantics = [#tpu.dimension_semantics<core_parallel>, #tpu.dimension_semantics<subcore_parallel>], iteration_bounds = array<i64: 2, 16>, scalar_prefetch = 0 : i64, scratch_operands = 7 : i64, tpu.core_type = #tpu.core_type<sc_vector_subcore>, window_params = [{transform_indices = #map}, {transform_indices = #map1}, {transform_indices = #map1}, {transform_indices = #map}, {transform_indices = #map1}]} {
    %mul3A = arith.constant 16 : i32
    %mul3A_0 = arith.muli %arg0, %mul3A : i32
    %add3A = arith.addi %mul3A_0, %arg1 : i32
    %mul3A_1 = arith.constant 640 : i32
    %mul3A_2 = arith.muli %arg1, %mul3A_1 : i32
    "tpu.region"() ({
      %run_scoped3A_70 = tpu.sem_alloc : memref<!tpu.dma_semaphore, #tpu.memory_space<semaphore_mem>>
      %dma_start3A_71 = arith.constant 0 : i32
      %dma_start3A_72 = tpu.memref_slice %arg11[%mul3A_2, %dma_start3A_71] : memref<10240x64xf32, #tpu.memory_space<vmem_shared>> -> memref<640x64xf32, #tpu.memory_space<vmem_shared>>
      tpu.enqueue_dma source(%arg5 : memref<640x64xf32, #tpu.memory_space<hbm>>) target(%dma_start3A_72 : memref<640x64xf32, #tpu.memory_space<vmem_shared>>) target_semaphore(%run_scoped3A_70 : memref<!tpu.dma_semaphore, #tpu.memory_space<semaphore_mem>>)
      %dma_wait3A_73 = arith.constant 0 : i32
      %dma_wait3A_74 = tpu.memref_slice %arg11[%mul3A_2, %dma_wait3A_73] : memref<10240x64xf32, #tpu.memory_space<vmem_shared>> -> memref<640x64xf32, #tpu.memory_space<vmem_shared>>
      tpu.wait_dma2 semaphore(%run_scoped3A_70 : memref<!tpu.dma_semaphore, #tpu.memory_space<semaphore_mem>>) src(%arg5 : memref<640x64xf32, #tpu.memory_space<hbm>>) dst(%dma_wait3A_74 : memref<640x64xf32, #tpu.memory_space<vmem_shared>>)
      tpu.yield
    }) : () -> ()
    %barrier3A = arith.constant 0 : index
    tpu.barrier barrier_id(%barrier3A)
    "tpu.region"() ({
      %run_scoped3A_70 = tpu.sem_alloc : memref<!tpu.dma_semaphore, #tpu.memory_space<semaphore_mem>>
      %dma_start3A_71 = arith.constant 0 : i32
      %dma_start3A_72 = arith.constant 0 : i32
      %dma_start3A_73 = tpu.memref_slice %arg3[%add3A, %dma_start3A_71, %dma_start3A_72] : memref<32x80x128xi32, #tpu.memory_space<hbm>> -> memref<1x80x128xi32, #tpu.memory_space<hbm>>
      %dma_start3A_74 = tpu.memref_squeeze %dma_start3A_73 : memref<1x80x128xi32, #tpu.memory_space<hbm>> -> memref<80x128xi32, #tpu.memory_space<hbm>>
      %dma_start3A_75 = arith.constant 0 : i32
      %dma_start3A_76 = arith.constant 0 : i32
      %dma_start3A_77 = tpu.memref_slice %dma_start3A_74[%dma_start3A_75, %dma_start3A_76] : memref<80x128xi32, #tpu.memory_space<hbm>> -> memref<40x128xi32, #tpu.memory_space<hbm>>
      %dma_start3A_78 = arith.constant 0 : i32
      %dma_start3A_79 = arith.constant 0 : i32
      %dma_start3A_80 = tpu.memref_slice %arg3[%add3A, %dma_start3A_78, %dma_start3A_79] : memref<32x80x128xi32, #tpu.memory_space<hbm>> -> memref<1x80x128xi32, #tpu.memory_space<hbm>>
      %dma_start3A_81 = tpu.memref_squeeze %dma_start3A_80 : memref<1x80x128xi32, #tpu.memory_space<hbm>> -> memref<80x128xi32, #tpu.memory_space<hbm>>
      %dma_start3A_82 = arith.constant 0 : i32
      %dma_start3A_83 = arith.constant 0 : i32
      %dma_start3A_84 = tpu.memref_slice %dma_start3A_81[%dma_start3A_82, %dma_start3A_83] : memref<80x128xi32, #tpu.memory_space<hbm>> -> memref<40x128xi32, #tpu.memory_space<hbm>>
      tpu.enqueue_dma source(%dma_start3A_84 : memref<40x128xi32, #tpu.memory_space<hbm>>) target(%arg7 : memref<40x128xi32, #tpu.memory_space<vmem>>) target_semaphore(%run_scoped3A_70 : memref<!tpu.dma_semaphore, #tpu.memory_space<semaphore_mem>>)
      %dma_wait3A_85 = arith.constant 0 : i32
      %dma_wait3A_86 = arith.constant 0 : i32
      %dma_wait3A_87 = tpu.memref_slice %arg3[%add3A, %dma_wait3A_85, %dma_wait3A_86] : memref<32x80x128xi32, #tpu.memory_space<hbm>> -> memref<1x80x128xi32, #tpu.memory_space<hbm>>
      %dma_wait3A_88 = tpu.memref_squeeze %dma_wait3A_87 : memref<1x80x128xi32, #tpu.memory_space<hbm>> -> memref<80x128xi32, #tpu.memory_space<hbm>>
      %dma_wait3A_89 = arith.constant 0 : i32
      %dma_wait3A_90 = arith.constant 0 : i32
      %dma_wait3A_91 = tpu.memref_slice %dma_wait3A_88[%dma_wait3A_89, %dma_wait3A_90] : memref<80x128xi32, #tpu.memory_space<hbm>> -> memref<40x128xi32, #tpu.memory_space<hbm>>
      %dma_wait3A_92 = arith.constant 0 : i32
      %dma_wait3A_93 = arith.constant 0 : i32
      %dma_wait3A_94 = tpu.memref_slice %arg3[%add3A, %dma_wait3A_92, %dma_wait3A_93] : memref<32x80x128xi32, #tpu.memory_space<hbm>> -> memref<1x80x128xi32, #tpu.memory_space<hbm>>
      %dma_wait3A_95 = tpu.memref_squeeze %dma_wait3A_94 : memref<1x80x128xi32, #tpu.memory_space<hbm>> -> memref<80x128xi32, #tpu.memory_space<hbm>>
      %dma_wait3A_96 = arith.constant 0 : i32
      %dma_wait3A_97 = arith.constant 0 : i32
      %dma_wait3A_98 = tpu.memref_slice %dma_wait3A_95[%dma_wait3A_96, %dma_wait3A_97] : memref<80x128xi32, #tpu.memory_space<hbm>> -> memref<40x128xi32, #tpu.memory_space<hbm>>
      tpu.wait_dma2 semaphore(%run_scoped3A_70 : memref<!tpu.dma_semaphore, #tpu.memory_space<semaphore_mem>>) src(%dma_wait3A_98 : memref<40x128xi32, #tpu.memory_space<hbm>>) dst(%arg7 : memref<40x128xi32, #tpu.memory_space<vmem>>)
      tpu.yield
    }) : () -> ()
    "tpu.region"() ({
      %run_scoped3A_70 = tpu.sem_alloc : memref<!tpu.dma_semaphore, #tpu.memory_space<semaphore_mem>>
      %dma_start3A_71 = arith.constant 0 : i32
      %dma_start3A_72 = arith.constant 0 : i32
      %dma_start3A_73 = tpu.memref_slice %arg4[%add3A, %dma_start3A_71, %dma_start3A_72] : memref<32x80x128xi32, #tpu.memory_space<hbm>> -> memref<1x80x128xi32, #tpu.memory_space<hbm>>
      %dma_start3A_74 = tpu.memref_squeeze %dma_start3A_73 : memref<1x80x128xi32, #tpu.memory_space<hbm>> -> memref<80x128xi32, #tpu.memory_space<hbm>>
      %dma_start3A_75 = arith.constant 0 : i32
      %dma_start3A_76 = arith.constant 0 : i32
      %dma_start3A_77 = tpu.memref_slice %dma_start3A_74[%dma_start3A_75, %dma_start3A_76] : memref<80x128xi32, #tpu.memory_space<hbm>> -> memref<40x128xi32, #tpu.memory_space<hbm>>
      %dma_start3A_78 = arith.constant 0 : i32
      %dma_start3A_79 = arith.constant 0 : i32
      %dma_start3A_80 = tpu.memref_slice %arg4[%add3A, %dma_start3A_78, %dma_start3A_79] : memref<32x80x128xi32, #tpu.memory_space<hbm>> -> memref<1x80x128xi32, #tpu.memory_space<hbm>>
      %dma_start3A_81 = tpu.memref_squeeze %dma_start3A_80 : memref<1x80x128xi32, #tpu.memory_space<hbm>> -> memref<80x128xi32, #tpu.memory_space<hbm>>
      %dma_start3A_82 = arith.constant 0 : i32
      %dma_start3A_83 = arith.constant 0 : i32
      %dma_start3A_84 = tpu.memref_slice %dma_start3A_81[%dma_start3A_82, %dma_start3A_83] : memref<80x128xi32, #tpu.memory_space<hbm>> -> memref<40x128xi32, #tpu.memory_space<hbm>>
      tpu.enqueue_dma source(%dma_start3A_84 : memref<40x128xi32, #tpu.memory_space<hbm>>) target(%arg8 : memref<40x128xi32, #tpu.memory_space<vmem>>) target_semaphore(%run_scoped3A_70 : memref<!tpu.dma_semaphore, #tpu.memory_space<semaphore_mem>>)
      %dma_wait3A_85 = arith.constant 0 : i32
      %dma_wait3A_86 = arith.constant 0 : i32
      %dma_wait3A_87 = tpu.memref_slice %arg4[%add3A, %dma_wait3A_85, %dma_wait3A_86] : memref<32x80x128xi32, #tpu.memory_space<hbm>> -> memref<1x80x128xi32, #tpu.memory_space<hbm>>
      %dma_wait3A_88 = tpu.memref_squeeze %dma_wait3A_87 : memref<1x80x128xi32, #tpu.memory_space<hbm>> -> memref<80x128xi32, #tpu.memory_space<hbm>>
      %dma_wait3A_89 = arith.constant 0 : i32
      %dma_wait3A_90 = arith.constant 0 : i32
      %dma_wait3A_91 = tpu.memref_slice %dma_wait3A_88[%dma_wait3A_89, %dma_wait3A_90] : memref<80x128xi32, #tpu.memory_space<hbm>> -> memref<40x128xi32, #tpu.memory_space<hbm>>
      %dma_wait3A_92 = arith.constant 0 : i32
      %dma_wait3A_93 = arith.constant 0 : i32
      %dma_wait3A_94 = tpu.memref_slice %arg4[%add3A, %dma_wait3A_92, %dma_wait3A_93] : memref<32x80x128xi32, #tpu.memory_space<hbm>> -> memref<1x80x128xi32, #tpu.memory_space<hbm>>
      %dma_wait3A_95 = tpu.memref_squeeze %dma_wait3A_94 : memref<1x80x128xi32, #tpu.memory_space<hbm>> -> memref<80x128xi32, #tpu.memory_space<hbm>>
      %dma_wait3A_96 = arith.constant 0 : i32
      %dma_wait3A_97 = arith.constant 0 : i32
      %dma_wait3A_98 = tpu.memref_slice %dma_wait3A_95[%dma_wait3A_96, %dma_wait3A_97] : memref<80x128xi32, #tpu.memory_space<hbm>> -> memref<40x128xi32, #tpu.memory_space<hbm>>
      tpu.wait_dma2 semaphore(%run_scoped3A_70 : memref<!tpu.dma_semaphore, #tpu.memory_space<semaphore_mem>>) src(%dma_wait3A_98 : memref<40x128xi32, #tpu.memory_space<hbm>>) dst(%arg8 : memref<40x128xi32, #tpu.memory_space<vmem>>)
      tpu.yield
    }) : () -> ()
    %dma_start3A = arith.constant 0 : i32
    %dma_start3A_3 = arith.constant 0 : i32
    %dma_start3A_4 = tpu.memref_slice %arg7[%dma_start3A, %dma_start3A_3] : memref<40x128xi32, #tpu.memory_space<vmem>> -> memref<1x128xi32, #tpu.memory_space<vmem>>
    %dma_start3A_5 = tpu.memref_squeeze %dma_start3A_4 : memref<1x128xi32, #tpu.memory_space<vmem>> -> memref<128xi32, #tpu.memory_space<vmem>>
    %dma_start3A_6 = arith.constant 0 : i32
    %dma_start3A_7 = arith.constant 0 : i32
    %dma_start3A_8 = tpu.memref_slice %arg2[%dma_start3A_6, %dma_start3A_7] : memref<10240x64xf32, #tpu.memory_space<hbm>> -> memref<10240x64xf32, #tpu.memory_space<hbm>>
    tpu.enqueue_indirect_dma source(%dma_start3A_8 : memref<10240x64xf32, #tpu.memory_space<hbm>>) target(%arg9 : memref<128x64xf32, #tpu.memory_space<vmem>>) offsets(%dma_start3A_5 : memref<128xi32, #tpu.memory_space<vmem>>) semaphore(%arg12 : memref<!tpu.dma_semaphore, #tpu.memory_space<semaphore_mem>>)
    %dma_start3A_9 = arith.constant 1 : i32
    %dma_start3A_10 = arith.constant 0 : i32
    %dma_start3A_11 = tpu.memref_slice %arg7[%dma_start3A_9, %dma_start3A_10] : memref<40x128xi32, #tpu.memory_space<vmem>> -> memref<1x128xi32, #tpu.memory_space<vmem>>
    %dma_start3A_12 = tpu.memref_squeeze %dma_start3A_11 : memref<1x128xi32, #tpu.memory_space<vmem>> -> memref<128xi32, #tpu.memory_space<vmem>>
    %dma_start3A_13 = arith.constant 0 : i32
    %dma_start3A_14 = arith.constant 0 : i32
    %dma_start3A_15 = tpu.memref_slice %arg2[%dma_start3A_13, %dma_start3A_14] : memref<10240x64xf32, #tpu.memory_space<hbm>> -> memref<10240x64xf32, #tpu.memory_space<hbm>>
    tpu.enqueue_indirect_dma source(%dma_start3A_15 : memref<10240x64xf32, #tpu.memory_space<hbm>>) target(%arg10 : memref<128x64xf32, #tpu.memory_space<vmem>>) offsets(%dma_start3A_12 : memref<128xi32, #tpu.memory_space<vmem>>) semaphore(%arg13 : memref<!tpu.dma_semaphore, #tpu.memory_space<semaphore_mem>>)
    %scan3A = arith.constant 0 : i32
    %scan3A_16 = arith.constant 19 : i32
    %scan3A_17 = arith.addi %scan3A, %scan3A_16 : i32
    %scan3A_18 = arith.constant 1 : i32
    scf.for %scan3A_70 = %scan3A to %scan3A_17 step %scan3A_18  : i32 {
      %mul3A_71 = arith.constant 1 : i32
      %mul3A_72 = arith.muli %scan3A_70, %mul3A_71 : i32
      %add3A_73 = arith.constant 0 : i32
      %add3A_74 = arith.addi %add3A_73, %mul3A_72 : i32
      %mul3A_75 = arith.constant 2 : i32
      %mul3A_76 = arith.muli %mul3A_75, %add3A_74 : i32
      %dma_wait3A_77 = arith.constant 0 : i32
      %dma_wait3A_78 = tpu.memref_slice %arg7[%mul3A_76, %dma_wait3A_77] : memref<40x128xi32, #tpu.memory_space<vmem>> -> memref<1x128xi32, #tpu.memory_space<vmem>>
      %dma_wait3A_79 = tpu.memref_squeeze %dma_wait3A_78 : memref<1x128xi32, #tpu.memory_space<vmem>> -> memref<128xi32, #tpu.memory_space<vmem>>
      %dma_wait3A_80 = arith.constant 0 : i32
      %dma_wait3A_81 = arith.constant 0 : i32
      %dma_wait3A_82 = tpu.memref_slice %arg2[%dma_wait3A_80, %dma_wait3A_81] : memref<10240x64xf32, #tpu.memory_space<hbm>> -> memref<10240x64xf32, #tpu.memory_space<hbm>>
      tpu.wait_indirect_dma semaphore(%arg12 : memref<!tpu.dma_semaphore, #tpu.memory_space<semaphore_mem>>) src(%dma_wait3A_82 : memref<10240x64xf32, #tpu.memory_space<hbm>>) dst(%arg9 : memref<128x64xf32, #tpu.memory_space<vmem>>)
      "tpu.region"() ({
        %run_scoped3A_109 = tpu.sem_alloc : memref<!tpu.dma_semaphore, #tpu.memory_space<semaphore_mem>>
        %dma_start3A_110 = arith.constant 0 : i32
        %dma_start3A_111 = tpu.memref_slice %arg8[%mul3A_76, %dma_start3A_110] : memref<40x128xi32, #tpu.memory_space<vmem>> -> memref<1x128xi32, #tpu.memory_space<vmem>>
        %dma_start3A_112 = tpu.memref_squeeze %dma_start3A_111 : memref<1x128xi32, #tpu.memory_space<vmem>> -> memref<128xi32, #tpu.memory_space<vmem>>
        %dma_start3A_113 = arith.constant 0 : i32
        %dma_start3A_114 = arith.constant 0 : i32
        %dma_start3A_115 = tpu.memref_slice %arg11[%dma_start3A_113, %dma_start3A_114] : memref<10240x64xf32, #tpu.memory_space<vmem_shared>> -> memref<10240x64xf32, #tpu.memory_space<vmem_shared>>
        tpu.enqueue_indirect_dma source(%arg9 : memref<128x64xf32, #tpu.memory_space<vmem>>) target(%dma_start3A_115 : memref<10240x64xf32, #tpu.memory_space<vmem_shared>>) offsets(%dma_start3A_112 : memref<128xi32, #tpu.memory_space<vmem>>) semaphore(%run_scoped3A_109 : memref<!tpu.dma_semaphore, #tpu.memory_space<semaphore_mem>>) {add = true}
        %dma_wait3A_116 = arith.constant 0 : i32
        %dma_wait3A_117 = tpu.memref_slice %arg8[%mul3A_76, %dma_wait3A_116] : memref<40x128xi32, #tpu.memory_space<vmem>> -> memref<1x128xi32, #tpu.memory_space<vmem>>
        %dma_wait3A_118 = tpu.memref_squeeze %dma_wait3A_117 : memref<1x128xi32, #tpu.memory_space<vmem>> -> memref<128xi32, #tpu.memory_space<vmem>>
        %dma_wait3A_119 = arith.constant 0 : i32
        %dma_wait3A_120 = arith.constant 0 : i32
        %dma_wait3A_121 = tpu.memref_slice %arg11[%dma_wait3A_119, %dma_wait3A_120] : memref<10240x64xf32, #tpu.memory_space<vmem_shared>> -> memref<10240x64xf32, #tpu.memory_space<vmem_shared>>
        tpu.wait_indirect_dma semaphore(%run_scoped3A_109 : memref<!tpu.dma_semaphore, #tpu.memory_space<semaphore_mem>>) src(%arg9 : memref<128x64xf32, #tpu.memory_space<vmem>>) dst(%dma_wait3A_121 : memref<10240x64xf32, #tpu.memory_space<vmem_shared>>)
        tpu.yield
      }) : () -> ()
      %add3A_83 = arith.constant 2 : i32
      %add3A_84 = arith.addi %mul3A_76, %add3A_83 : i32
      %dma_start3A_85 = arith.constant 0 : i32
      %dma_start3A_86 = tpu.memref_slice %arg7[%add3A_84, %dma_start3A_85] : memref<40x128xi32, #tpu.memory_space<vmem>> -> memref<1x128xi32, #tpu.memory_space<vmem>>
      %dma_start3A_87 = tpu.memref_squeeze %dma_start3A_86 : memref<1x128xi32, #tpu.memory_space<vmem>> -> memref<128xi32, #tpu.memory_space<vmem>>
      %dma_start3A_88 = arith.constant 0 : i32
      %dma_start3A_89 = arith.constant 0 : i32
      %dma_start3A_90 = tpu.memref_slice %arg2[%dma_start3A_88, %dma_start3A_89] : memref<10240x64xf32, #tpu.memory_space<hbm>> -> memref<10240x64xf32, #tpu.memory_space<hbm>>
      tpu.enqueue_indirect_dma source(%dma_start3A_90 : memref<10240x64xf32, #tpu.memory_space<hbm>>) target(%arg9 : memref<128x64xf32, #tpu.memory_space<vmem>>) offsets(%dma_start3A_87 : memref<128xi32, #tpu.memory_space<vmem>>) semaphore(%arg12 : memref<!tpu.dma_semaphore, #tpu.memory_space<semaphore_mem>>)
      %add3A_91 = arith.constant 1 : i32
      %add3A_92 = arith.addi %mul3A_76, %add3A_91 : i32
      %dma_wait3A_93 = arith.constant 0 : i32
      %dma_wait3A_94 = tpu.memref_slice %arg7[%add3A_92, %dma_wait3A_93] : memref<40x128xi32, #tpu.memory_space<vmem>> -> memref<1x128xi32, #tpu.memory_space<vmem>>
      %dma_wait3A_95 = tpu.memref_squeeze %dma_wait3A_94 : memref<1x128xi32, #tpu.memory_space<vmem>> -> memref<128xi32, #tpu.memory_space<vmem>>
      %dma_wait3A_96 = arith.constant 0 : i32
      %dma_wait3A_97 = arith.constant 0 : i32
      %dma_wait3A_98 = tpu.memref_slice %arg2[%dma_wait3A_96, %dma_wait3A_97] : memref<10240x64xf32, #tpu.memory_space<hbm>> -> memref<10240x64xf32, #tpu.memory_space<hbm>>
      tpu.wait_indirect_dma semaphore(%arg13 : memref<!tpu.dma_semaphore, #tpu.memory_space<semaphore_mem>>) src(%dma_wait3A_98 : memref<10240x64xf32, #tpu.memory_space<hbm>>) dst(%arg10 : memref<128x64xf32, #tpu.memory_space<vmem>>)
      %add3A_99 = arith.constant 1 : i32
      %add3A_100 = arith.addi %mul3A_76, %add3A_99 : i32
      "tpu.region"() ({
        %run_scoped3A_109 = tpu.sem_alloc : memref<!tpu.dma_semaphore, #tpu.memory_space<semaphore_mem>>
        %dma_start3A_110 = arith.constant 0 : i32
        %dma_start3A_111 = tpu.memref_slice %arg8[%add3A_100, %dma_start3A_110] : memref<40x128xi32, #tpu.memory_space<vmem>> -> memref<1x128xi32, #tpu.memory_space<vmem>>
        %dma_start3A_112 = tpu.memref_squeeze %dma_start3A_111 : memref<1x128xi32, #tpu.memory_space<vmem>> -> memref<128xi32, #tpu.memory_space<vmem>>
        %dma_start3A_113 = arith.constant 0 : i32
        %dma_start3A_114 = arith.constant 0 : i32
        %dma_start3A_115 = tpu.memref_slice %arg11[%dma_start3A_113, %dma_start3A_114] : memref<10240x64xf32, #tpu.memory_space<vmem_shared>> -> memref<10240x64xf32, #tpu.memory_space<vmem_shared>>
        tpu.enqueue_indirect_dma source(%arg10 : memref<128x64xf32, #tpu.memory_space<vmem>>) target(%dma_start3A_115 : memref<10240x64xf32, #tpu.memory_space<vmem_shared>>) offsets(%dma_start3A_112 : memref<128xi32, #tpu.memory_space<vmem>>) semaphore(%run_scoped3A_109 : memref<!tpu.dma_semaphore, #tpu.memory_space<semaphore_mem>>) {add = true}
        %dma_wait3A_116 = arith.constant 0 : i32
        %dma_wait3A_117 = tpu.memref_slice %arg8[%add3A_100, %dma_wait3A_116] : memref<40x128xi32, #tpu.memory_space<vmem>> -> memref<1x128xi32, #tpu.memory_space<vmem>>
        %dma_wait3A_118 = tpu.memref_squeeze %dma_wait3A_117 : memref<1x128xi32, #tpu.memory_space<vmem>> -> memref<128xi32, #tpu.memory_space<vmem>>
        %dma_wait3A_119 = arith.constant 0 : i32
        %dma_wait3A_120 = arith.constant 0 : i32
        %dma_wait3A_121 = tpu.memref_slice %arg11[%dma_wait3A_119, %dma_wait3A_120] : memref<10240x64xf32, #tpu.memory_space<vmem_shared>> -> memref<10240x64xf32, #tpu.memory_space<vmem_shared>>
        tpu.wait_indirect_dma semaphore(%run_scoped3A_109 : memref<!tpu.dma_semaphore, #tpu.memory_space<semaphore_mem>>) src(%arg10 : memref<128x64xf32, #tpu.memory_space<vmem>>) dst(%dma_wait3A_121 : memref<10240x64xf32, #tpu.memory_space<vmem_shared>>)
        tpu.yield
      }) : () -> ()
      %add3A_101 = arith.constant 3 : i32
      %add3A_102 = arith.addi %mul3A_76, %add3A_101 : i32
      %dma_start3A_103 = arith.constant 0 : i32
      %dma_start3A_104 = tpu.memref_slice %arg7[%add3A_102, %dma_start3A_103] : memref<40x128xi32, #tpu.memory_space<vmem>> -> memref<1x128xi32, #tpu.memory_space<vmem>>
      %dma_start3A_105 = tpu.memref_squeeze %dma_start3A_104 : memref<1x128xi32, #tpu.memory_space<vmem>> -> memref<128xi32, #tpu.memory_space<vmem>>
      %dma_start3A_106 = arith.constant 0 : i32
      %dma_start3A_107 = arith.constant 0 : i32
      %dma_start3A_108 = tpu.memref_slice %arg2[%dma_start3A_106, %dma_start3A_107] : memref<10240x64xf32, #tpu.memory_space<hbm>> -> memref<10240x64xf32, #tpu.memory_space<hbm>>
      tpu.enqueue_indirect_dma source(%dma_start3A_108 : memref<10240x64xf32, #tpu.memory_space<hbm>>) target(%arg10 : memref<128x64xf32, #tpu.memory_space<vmem>>) offsets(%dma_start3A_105 : memref<128xi32, #tpu.memory_space<vmem>>) semaphore(%arg13 : memref<!tpu.dma_semaphore, #tpu.memory_space<semaphore_mem>>)
    }
    %scan3A_19 = arith.constant 19 : i32
    %dma_wait3A = arith.constant 38 : i32
    %dma_wait3A_20 = arith.constant 0 : i32
    %dma_wait3A_21 = tpu.memref_slice %arg7[%dma_wait3A, %dma_wait3A_20] : memref<40x128xi32, #tpu.memory_space<vmem>> -> memref<1x128xi32, #tpu.memory_space<vmem>>
    %dma_wait3A_22 = tpu.memref_squeeze %dma_wait3A_21 : memref<1x128xi32, #tpu.memory_space<vmem>> -> memref<128xi32, #tpu.memory_space<vmem>>
    %dma_wait3A_23 = arith.constant 0 : i32
    %dma_wait3A_24 = arith.constant 0 : i32
    %dma_wait3A_25 = tpu.memref_slice %arg2[%dma_wait3A_23, %dma_wait3A_24] : memref<10240x64xf32, #tpu.memory_space<hbm>> -> memref<10240x64xf32, #tpu.memory_space<hbm>>
    tpu.wait_indirect_dma semaphore(%arg12 : memref<!tpu.dma_semaphore, #tpu.memory_space<semaphore_mem>>) src(%dma_wait3A_25 : memref<10240x64xf32, #tpu.memory_space<hbm>>) dst(%arg9 : memref<128x64xf32, #tpu.memory_space<vmem>>)
    %run_scoped3A = arith.constant 38 : i32
    "tpu.region"() ({
      %run_scoped3A_70 = tpu.sem_alloc : memref<!tpu.dma_semaphore, #tpu.memory_space<semaphore_mem>>
      %dma_start3A_71 = arith.constant 0 : i32
      %dma_start3A_72 = tpu.memref_slice %arg8[%run_scoped3A, %dma_start3A_71] : memref<40x128xi32, #tpu.memory_space<vmem>> -> memref<1x128xi32, #tpu.memory_space<vmem>>
      %dma_start3A_73 = tpu.memref_squeeze %dma_start3A_72 : memref<1x128xi32, #tpu.memory_space<vmem>> -> memref<128xi32, #tpu.memory_space<vmem>>
      %dma_start3A_74 = arith.constant 0 : i32
      %dma_start3A_75 = arith.constant 0 : i32
      %dma_start3A_76 = tpu.memref_slice %arg11[%dma_start3A_74, %dma_start3A_75] : memref<10240x64xf32, #tpu.memory_space<vmem_shared>> -> memref<10240x64xf32, #tpu.memory_space<vmem_shared>>
      tpu.enqueue_indirect_dma source(%arg9 : memref<128x64xf32, #tpu.memory_space<vmem>>) target(%dma_start3A_76 : memref<10240x64xf32, #tpu.memory_space<vmem_shared>>) offsets(%dma_start3A_73 : memref<128xi32, #tpu.memory_space<vmem>>) semaphore(%run_scoped3A_70 : memref<!tpu.dma_semaphore, #tpu.memory_space<semaphore_mem>>) {add = true}
      %dma_wait3A_77 = arith.constant 0 : i32
      %dma_wait3A_78 = tpu.memref_slice %arg8[%run_scoped3A, %dma_wait3A_77] : memref<40x128xi32, #tpu.memory_space<vmem>> -> memref<1x128xi32, #tpu.memory_space<vmem>>
      %dma_wait3A_79 = tpu.memref_squeeze %dma_wait3A_78 : memref<1x128xi32, #tpu.memory_space<vmem>> -> memref<128xi32, #tpu.memory_space<vmem>>
      %dma_wait3A_80 = arith.constant 0 : i32
      %dma_wait3A_81 = arith.constant 0 : i32
      %dma_wait3A_82 = tpu.memref_slice %arg11[%dma_wait3A_80, %dma_wait3A_81] : memref<10240x64xf32, #tpu.memory_space<vmem_shared>> -> memref<10240x64xf32, #tpu.memory_space<vmem_shared>>
      tpu.wait_indirect_dma semaphore(%run_scoped3A_70 : memref<!tpu.dma_semaphore, #tpu.memory_space<semaphore_mem>>) src(%arg9 : memref<128x64xf32, #tpu.memory_space<vmem>>) dst(%dma_wait3A_82 : memref<10240x64xf32, #tpu.memory_space<vmem_shared>>)
      tpu.yield
    }) : () -> ()
    %dma_wait3A_26 = arith.constant 39 : i32
    %dma_wait3A_27 = arith.constant 0 : i32
    %dma_wait3A_28 = tpu.memref_slice %arg7[%dma_wait3A_26, %dma_wait3A_27] : memref<40x128xi32, #tpu.memory_space<vmem>> -> memref<1x128xi32, #tpu.memory_space<vmem>>
    %dma_wait3A_29 = tpu.memref_squeeze %dma_wait3A_28 : memref<1x128xi32, #tpu.memory_space<vmem>> -> memref<128xi32, #tpu.memory_space<vmem>>
    %dma_wait3A_30 = arith.constant 0 : i32
    %dma_wait3A_31 = arith.constant 0 : i32
    %dma_wait3A_32 = tpu.memref_slice %arg2[%dma_wait3A_30, %dma_wait3A_31] : memref<10240x64xf32, #tpu.memory_space<hbm>> -> memref<10240x64xf32, #tpu.memory_space<hbm>>
    tpu.wait_indirect_dma semaphore(%arg13 : memref<!tpu.dma_semaphore, #tpu.memory_space<semaphore_mem>>) src(%dma_wait3A_32 : memref<10240x64xf32, #tpu.memory_space<hbm>>) dst(%arg10 : memref<128x64xf32, #tpu.memory_space<vmem>>)
    %run_scoped3A_33 = arith.constant 39 : i32
    "tpu.region"() ({
      %run_scoped3A_70 = tpu.sem_alloc : memref<!tpu.dma_semaphore, #tpu.memory_space<semaphore_mem>>
      %dma_start3A_71 = arith.constant 0 : i32
      %dma_start3A_72 = tpu.memref_slice %arg8[%run_scoped3A_33, %dma_start3A_71] : memref<40x128xi32, #tpu.memory_space<vmem>> -> memref<1x128xi32, #tpu.memory_space<vmem>>
      %dma_start3A_73 = tpu.memref_squeeze %dma_start3A_72 : memref<1x128xi32, #tpu.memory_space<vmem>> -> memref<128xi32, #tpu.memory_space<vmem>>
      %dma_start3A_74 = arith.constant 0 : i32
      %dma_start3A_75 = arith.constant 0 : i32
      %dma_start3A_76 = tpu.memref_slice %arg11[%dma_start3A_74, %dma_start3A_75] : memref<10240x64xf32, #tpu.memory_space<vmem_shared>> -> memref<10240x64xf32, #tpu.memory_space<vmem_shared>>
      tpu.enqueue_indirect_dma source(%arg10 : memref<128x64xf32, #tpu.memory_space<vmem>>) target(%dma_start3A_76 : memref<10240x64xf32, #tpu.memory_space<vmem_shared>>) offsets(%dma_start3A_73 : memref<128xi32, #tpu.memory_space<vmem>>) semaphore(%run_scoped3A_70 : memref<!tpu.dma_semaphore, #tpu.memory_space<semaphore_mem>>) {add = true}
      %dma_wait3A_77 = arith.constant 0 : i32
      %dma_wait3A_78 = tpu.memref_slice %arg8[%run_scoped3A_33, %dma_wait3A_77] : memref<40x128xi32, #tpu.memory_space<vmem>> -> memref<1x128xi32, #tpu.memory_space<vmem>>
      %dma_wait3A_79 = tpu.memref_squeeze %dma_wait3A_78 : memref<1x128xi32, #tpu.memory_space<vmem>> -> memref<128xi32, #tpu.memory_space<vmem>>
      %dma_wait3A_80 = arith.constant 0 : i32
      %dma_wait3A_81 = arith.constant 0 : i32
      %dma_wait3A_82 = tpu.memref_slice %arg11[%dma_wait3A_80, %dma_wait3A_81] : memref<10240x64xf32, #tpu.memory_space<vmem_shared>> -> memref<10240x64xf32, #tpu.memory_space<vmem_shared>>
      tpu.wait_indirect_dma semaphore(%run_scoped3A_70 : memref<!tpu.dma_semaphore, #tpu.memory_space<semaphore_mem>>) src(%arg10 : memref<128x64xf32, #tpu.memory_space<vmem>>) dst(%dma_wait3A_82 : memref<10240x64xf32, #tpu.memory_space<vmem_shared>>)
      tpu.yield
    }) : () -> ()
    "tpu.region"() ({
      %run_scoped3A_70 = tpu.sem_alloc : memref<!tpu.dma_semaphore, #tpu.memory_space<semaphore_mem>>
      %dma_start3A_71 = arith.constant 0 : i32
      %dma_start3A_72 = arith.constant 0 : i32
      %dma_start3A_73 = tpu.memref_slice %arg3[%add3A, %dma_start3A_71, %dma_start3A_72] : memref<32x80x128xi32, #tpu.memory_space<hbm>> -> memref<1x80x128xi32, #tpu.memory_space<hbm>>
      %dma_start3A_74 = tpu.memref_squeeze %dma_start3A_73 : memref<1x80x128xi32, #tpu.memory_space<hbm>> -> memref<80x128xi32, #tpu.memory_space<hbm>>
      %dma_start3A_75 = arith.constant 40 : i32
      %dma_start3A_76 = arith.constant 0 : i32
      %dma_start3A_77 = tpu.memref_slice %dma_start3A_74[%dma_start3A_75, %dma_start3A_76] : memref<80x128xi32, #tpu.memory_space<hbm>> -> memref<40x128xi32, #tpu.memory_space<hbm>>
      %dma_start3A_78 = arith.constant 0 : i32
      %dma_start3A_79 = arith.constant 0 : i32
      %dma_start3A_80 = tpu.memref_slice %arg3[%add3A, %dma_start3A_78, %dma_start3A_79] : memref<32x80x128xi32, #tpu.memory_space<hbm>> -> memref<1x80x128xi32, #tpu.memory_space<hbm>>
      %dma_start3A_81 = tpu.memref_squeeze %dma_start3A_80 : memref<1x80x128xi32, #tpu.memory_space<hbm>> -> memref<80x128xi32, #tpu.memory_space<hbm>>
      %dma_start3A_82 = arith.constant 40 : i32
      %dma_start3A_83 = arith.constant 0 : i32
      %dma_start3A_84 = tpu.memref_slice %dma_start3A_81[%dma_start3A_82, %dma_start3A_83] : memref<80x128xi32, #tpu.memory_space<hbm>> -> memref<40x128xi32, #tpu.memory_space<hbm>>
      tpu.enqueue_dma source(%dma_start3A_84 : memref<40x128xi32, #tpu.memory_space<hbm>>) target(%arg7 : memref<40x128xi32, #tpu.memory_space<vmem>>) target_semaphore(%run_scoped3A_70 : memref<!tpu.dma_semaphore, #tpu.memory_space<semaphore_mem>>)
      %dma_wait3A_85 = arith.constant 0 : i32
      %dma_wait3A_86 = arith.constant 0 : i32
      %dma_wait3A_87 = tpu.memref_slice %arg3[%add3A, %dma_wait3A_85, %dma_wait3A_86] : memref<32x80x128xi32, #tpu.memory_space<hbm>> -> memref<1x80x128xi32, #tpu.memory_space<hbm>>
      %dma_wait3A_88 = tpu.memref_squeeze %dma_wait3A_87 : memref<1x80x128xi32, #tpu.memory_space<hbm>> -> memref<80x128xi32, #tpu.memory_space<hbm>>
      %dma_wait3A_89 = arith.constant 40 : i32
      %dma_wait3A_90 = arith.constant 0 : i32
      %dma_wait3A_91 = tpu.memref_slice %dma_wait3A_88[%dma_wait3A_89, %dma_wait3A_90] : memref<80x128xi32, #tpu.memory_space<hbm>> -> memref<40x128xi32, #tpu.memory_space<hbm>>
      %dma_wait3A_92 = arith.constant 0 : i32
      %dma_wait3A_93 = arith.constant 0 : i32
      %dma_wait3A_94 = tpu.memref_slice %arg3[%add3A, %dma_wait3A_92, %dma_wait3A_93] : memref<32x80x128xi32, #tpu.memory_space<hbm>> -> memref<1x80x128xi32, #tpu.memory_space<hbm>>
      %dma_wait3A_95 = tpu.memref_squeeze %dma_wait3A_94 : memref<1x80x128xi32, #tpu.memory_space<hbm>> -> memref<80x128xi32, #tpu.memory_space<hbm>>
      %dma_wait3A_96 = arith.constant 40 : i32
      %dma_wait3A_97 = arith.constant 0 : i32
      %dma_wait3A_98 = tpu.memref_slice %dma_wait3A_95[%dma_wait3A_96, %dma_wait3A_97] : memref<80x128xi32, #tpu.memory_space<hbm>> -> memref<40x128xi32, #tpu.memory_space<hbm>>
      tpu.wait_dma2 semaphore(%run_scoped3A_70 : memref<!tpu.dma_semaphore, #tpu.memory_space<semaphore_mem>>) src(%dma_wait3A_98 : memref<40x128xi32, #tpu.memory_space<hbm>>) dst(%arg7 : memref<40x128xi32, #tpu.memory_space<vmem>>)
      tpu.yield
    }) : () -> ()
    "tpu.region"() ({
      %run_scoped3A_70 = tpu.sem_alloc : memref<!tpu.dma_semaphore, #tpu.memory_space<semaphore_mem>>
      %dma_start3A_71 = arith.constant 0 : i32
      %dma_start3A_72 = arith.constant 0 : i32
      %dma_start3A_73 = tpu.memref_slice %arg4[%add3A, %dma_start3A_71, %dma_start3A_72] : memref<32x80x128xi32, #tpu.memory_space<hbm>> -> memref<1x80x128xi32, #tpu.memory_space<hbm>>
      %dma_start3A_74 = tpu.memref_squeeze %dma_start3A_73 : memref<1x80x128xi32, #tpu.memory_space<hbm>> -> memref<80x128xi32, #tpu.memory_space<hbm>>
      %dma_start3A_75 = arith.constant 40 : i32
      %dma_start3A_76 = arith.constant 0 : i32
      %dma_start3A_77 = tpu.memref_slice %dma_start3A_74[%dma_start3A_75, %dma_start3A_76] : memref<80x128xi32, #tpu.memory_space<hbm>> -> memref<40x128xi32, #tpu.memory_space<hbm>>
      %dma_start3A_78 = arith.constant 0 : i32
      %dma_start3A_79 = arith.constant 0 : i32
      %dma_start3A_80 = tpu.memref_slice %arg4[%add3A, %dma_start3A_78, %dma_start3A_79] : memref<32x80x128xi32, #tpu.memory_space<hbm>> -> memref<1x80x128xi32, #tpu.memory_space<hbm>>
      %dma_start3A_81 = tpu.memref_squeeze %dma_start3A_80 : memref<1x80x128xi32, #tpu.memory_space<hbm>> -> memref<80x128xi32, #tpu.memory_space<hbm>>
      %dma_start3A_82 = arith.constant 40 : i32
      %dma_start3A_83 = arith.constant 0 : i32
      %dma_start3A_84 = tpu.memref_slice %dma_start3A_81[%dma_start3A_82, %dma_start3A_83] : memref<80x128xi32, #tpu.memory_space<hbm>> -> memref<40x128xi32, #tpu.memory_space<hbm>>
      tpu.enqueue_dma source(%dma_start3A_84 : memref<40x128xi32, #tpu.memory_space<hbm>>) target(%arg8 : memref<40x128xi32, #tpu.memory_space<vmem>>) target_semaphore(%run_scoped3A_70 : memref<!tpu.dma_semaphore, #tpu.memory_space<semaphore_mem>>)
      %dma_wait3A_85 = arith.constant 0 : i32
      %dma_wait3A_86 = arith.constant 0 : i32
      %dma_wait3A_87 = tpu.memref_slice %arg4[%add3A, %dma_wait3A_85, %dma_wait3A_86] : memref<32x80x128xi32, #tpu.memory_space<hbm>> -> memref<1x80x128xi32, #tpu.memory_space<hbm>>
      %dma_wait3A_88 = tpu.memref_squeeze %dma_wait3A_87 : memref<1x80x128xi32, #tpu.memory_space<hbm>> -> memref<80x128xi32, #tpu.memory_space<hbm>>
      %dma_wait3A_89 = arith.constant 40 : i32
      %dma_wait3A_90 = arith.constant 0 : i32
      %dma_wait3A_91 = tpu.memref_slice %dma_wait3A_88[%dma_wait3A_89, %dma_wait3A_90] : memref<80x128xi32, #tpu.memory_space<hbm>> -> memref<40x128xi32, #tpu.memory_space<hbm>>
      %dma_wait3A_92 = arith.constant 0 : i32
      %dma_wait3A_93 = arith.constant 0 : i32
      %dma_wait3A_94 = tpu.memref_slice %arg4[%add3A, %dma_wait3A_92, %dma_wait3A_93] : memref<32x80x128xi32, #tpu.memory_space<hbm>> -> memref<1x80x128xi32, #tpu.memory_space<hbm>>
      %dma_wait3A_95 = tpu.memref_squeeze %dma_wait3A_94 : memref<1x80x128xi32, #tpu.memory_space<hbm>> -> memref<80x128xi32, #tpu.memory_space<hbm>>
      %dma_wait3A_96 = arith.constant 40 : i32
      %dma_wait3A_97 = arith.constant 0 : i32
      %dma_wait3A_98 = tpu.memref_slice %dma_wait3A_95[%dma_wait3A_96, %dma_wait3A_97] : memref<80x128xi32, #tpu.memory_space<hbm>> -> memref<40x128xi32, #tpu.memory_space<hbm>>
      tpu.wait_dma2 semaphore(%run_scoped3A_70 : memref<!tpu.dma_semaphore, #tpu.memory_space<semaphore_mem>>) src(%dma_wait3A_98 : memref<40x128xi32, #tpu.memory_space<hbm>>) dst(%arg8 : memref<40x128xi32, #tpu.memory_space<vmem>>)
      tpu.yield
    }) : () -> ()
    %dma_start3A_34 = arith.constant 0 : i32
    %dma_start3A_35 = arith.constant 0 : i32
    %dma_start3A_36 = tpu.memref_slice %arg7[%dma_start3A_34, %dma_start3A_35] : memref<40x128xi32, #tpu.memory_space<vmem>> -> memref<1x128xi32, #tpu.memory_space<vmem>>
    %dma_start3A_37 = tpu.memref_squeeze %dma_start3A_36 : memref<1x128xi32, #tpu.memory_space<vmem>> -> memref<128xi32, #tpu.memory_space<vmem>>
    %dma_start3A_38 = arith.constant 0 : i32
    %dma_start3A_39 = arith.constant 0 : i32
    %dma_start3A_40 = tpu.memref_slice %arg2[%dma_start3A_38, %dma_start3A_39] : memref<10240x64xf32, #tpu.memory_space<hbm>> -> memref<10240x64xf32, #tpu.memory_space<hbm>>
    tpu.enqueue_indirect_dma source(%dma_start3A_40 : memref<10240x64xf32, #tpu.memory_space<hbm>>) target(%arg9 : memref<128x64xf32, #tpu.memory_space<vmem>>) offsets(%dma_start3A_37 : memref<128xi32, #tpu.memory_space<vmem>>) semaphore(%arg12 : memref<!tpu.dma_semaphore, #tpu.memory_space<semaphore_mem>>)
    %dma_start3A_41 = arith.constant 1 : i32
    %dma_start3A_42 = arith.constant 0 : i32
    %dma_start3A_43 = tpu.memref_slice %arg7[%dma_start3A_41, %dma_start3A_42] : memref<40x128xi32, #tpu.memory_space<vmem>> -> memref<1x128xi32, #tpu.memory_space<vmem>>
    %dma_start3A_44 = tpu.memref_squeeze %dma_start3A_43 : memref<1x128xi32, #tpu.memory_space<vmem>> -> memref<128xi32, #tpu.memory_space<vmem>>
    %dma_start3A_45 = arith.constant 0 : i32
    %dma_start3A_46 = arith.constant 0 : i32
    %dma_start3A_47 = tpu.memref_slice %arg2[%dma_start3A_45, %dma_start3A_46] : memref<10240x64xf32, #tpu.memory_space<hbm>> -> memref<10240x64xf32, #tpu.memory_space<hbm>>
    tpu.enqueue_indirect_dma source(%dma_start3A_47 : memref<10240x64xf32, #tpu.memory_space<hbm>>) target(%arg10 : memref<128x64xf32, #tpu.memory_space<vmem>>) offsets(%dma_start3A_44 : memref<128xi32, #tpu.memory_space<vmem>>) semaphore(%arg13 : memref<!tpu.dma_semaphore, #tpu.memory_space<semaphore_mem>>)
    %scan3A_48 = arith.constant 0 : i32
    %scan3A_49 = arith.constant 19 : i32
    %scan3A_50 = arith.addi %scan3A_48, %scan3A_49 : i32
    %scan3A_51 = arith.constant 1 : i32
    scf.for %scan3A_70 = %scan3A_48 to %scan3A_50 step %scan3A_51  : i32 {
      %mul3A_71 = arith.constant 1 : i32
      %mul3A_72 = arith.muli %scan3A_70, %mul3A_71 : i32
      %add3A_73 = arith.constant 0 : i32
      %add3A_74 = arith.addi %add3A_73, %mul3A_72 : i32
      %mul3A_75 = arith.constant 2 : i32
      %mul3A_76 = arith.muli %mul3A_75, %add3A_74 : i32
      %dma_wait3A_77 = arith.constant 0 : i32
      %dma_wait3A_78 = tpu.memref_slice %arg7[%mul3A_76, %dma_wait3A_77] : memref<40x128xi32, #tpu.memory_space<vmem>> -> memref<1x128xi32, #tpu.memory_space<vmem>>
      %dma_wait3A_79 = tpu.memref_squeeze %dma_wait3A_78 : memref<1x128xi32, #tpu.memory_space<vmem>> -> memref<128xi32, #tpu.memory_space<vmem>>
      %dma_wait3A_80 = arith.constant 0 : i32
      %dma_wait3A_81 = arith.constant 0 : i32
      %dma_wait3A_82 = tpu.memref_slice %arg2[%dma_wait3A_80, %dma_wait3A_81] : memref<10240x64xf32, #tpu.memory_space<hbm>> -> memref<10240x64xf32, #tpu.memory_space<hbm>>
      tpu.wait_indirect_dma semaphore(%arg12 : memref<!tpu.dma_semaphore, #tpu.memory_space<semaphore_mem>>) src(%dma_wait3A_82 : memref<10240x64xf32, #tpu.memory_space<hbm>>) dst(%arg9 : memref<128x64xf32, #tpu.memory_space<vmem>>)
      "tpu.region"() ({
        %run_scoped3A_109 = tpu.sem_alloc : memref<!tpu.dma_semaphore, #tpu.memory_space<semaphore_mem>>
        %dma_start3A_110 = arith.constant 0 : i32
        %dma_start3A_111 = tpu.memref_slice %arg8[%mul3A_76, %dma_start3A_110] : memref<40x128xi32, #tpu.memory_space<vmem>> -> memref<1x128xi32, #tpu.memory_space<vmem>>
        %dma_start3A_112 = tpu.memref_squeeze %dma_start3A_111 : memref<1x128xi32, #tpu.memory_space<vmem>> -> memref<128xi32, #tpu.memory_space<vmem>>
        %dma_start3A_113 = arith.constant 0 : i32
        %dma_start3A_114 = arith.constant 0 : i32
        %dma_start3A_115 = tpu.memref_slice %arg11[%dma_start3A_113, %dma_start3A_114] : memref<10240x64xf32, #tpu.memory_space<vmem_shared>> -> memref<10240x64xf32, #tpu.memory_space<vmem_shared>>
        tpu.enqueue_indirect_dma source(%arg9 : memref<128x64xf32, #tpu.memory_space<vmem>>) target(%dma_start3A_115 : memref<10240x64xf32, #tpu.memory_space<vmem_shared>>) offsets(%dma_start3A_112 : memref<128xi32, #tpu.memory_space<vmem>>) semaphore(%run_scoped3A_109 : memref<!tpu.dma_semaphore, #tpu.memory_space<semaphore_mem>>) {add = true}
        %dma_wait3A_116 = arith.constant 0 : i32
        %dma_wait3A_117 = tpu.memref_slice %arg8[%mul3A_76, %dma_wait3A_116] : memref<40x128xi32, #tpu.memory_space<vmem>> -> memref<1x128xi32, #tpu.memory_space<vmem>>
        %dma_wait3A_118 = tpu.memref_squeeze %dma_wait3A_117 : memref<1x128xi32, #tpu.memory_space<vmem>> -> memref<128xi32, #tpu.memory_space<vmem>>
        %dma_wait3A_119 = arith.constant 0 : i32
        %dma_wait3A_120 = arith.constant 0 : i32
        %dma_wait3A_121 = tpu.memref_slice %arg11[%dma_wait3A_119, %dma_wait3A_120] : memref<10240x64xf32, #tpu.memory_space<vmem_shared>> -> memref<10240x64xf32, #tpu.memory_space<vmem_shared>>
        tpu.wait_indirect_dma semaphore(%run_scoped3A_109 : memref<!tpu.dma_semaphore, #tpu.memory_space<semaphore_mem>>) src(%arg9 : memref<128x64xf32, #tpu.memory_space<vmem>>) dst(%dma_wait3A_121 : memref<10240x64xf32, #tpu.memory_space<vmem_shared>>)
        tpu.yield
      }) : () -> ()
      %add3A_83 = arith.constant 2 : i32
      %add3A_84 = arith.addi %mul3A_76, %add3A_83 : i32
      %dma_start3A_85 = arith.constant 0 : i32
      %dma_start3A_86 = tpu.memref_slice %arg7[%add3A_84, %dma_start3A_85] : memref<40x128xi32, #tpu.memory_space<vmem>> -> memref<1x128xi32, #tpu.memory_space<vmem>>
      %dma_start3A_87 = tpu.memref_squeeze %dma_start3A_86 : memref<1x128xi32, #tpu.memory_space<vmem>> -> memref<128xi32, #tpu.memory_space<vmem>>
      %dma_start3A_88 = arith.constant 0 : i32
      %dma_start3A_89 = arith.constant 0 : i32
      %dma_start3A_90 = tpu.memref_slice %arg2[%dma_start3A_88, %dma_start3A_89] : memref<10240x64xf32, #tpu.memory_space<hbm>> -> memref<10240x64xf32, #tpu.memory_space<hbm>>
      tpu.enqueue_indirect_dma source(%dma_start3A_90 : memref<10240x64xf32, #tpu.memory_space<hbm>>) target(%arg9 : memref<128x64xf32, #tpu.memory_space<vmem>>) offsets(%dma_start3A_87 : memref<128xi32, #tpu.memory_space<vmem>>) semaphore(%arg12 : memref<!tpu.dma_semaphore, #tpu.memory_space<semaphore_mem>>)
      %add3A_91 = arith.constant 1 : i32
      %add3A_92 = arith.addi %mul3A_76, %add3A_91 : i32
      %dma_wait3A_93 = arith.constant 0 : i32
      %dma_wait3A_94 = tpu.memref_slice %arg7[%add3A_92, %dma_wait3A_93] : memref<40x128xi32, #tpu.memory_space<vmem>> -> memref<1x128xi32, #tpu.memory_space<vmem>>
      %dma_wait3A_95 = tpu.memref_squeeze %dma_wait3A_94 : memref<1x128xi32, #tpu.memory_space<vmem>> -> memref<128xi32, #tpu.memory_space<vmem>>
      %dma_wait3A_96 = arith.constant 0 : i32
      %dma_wait3A_97 = arith.constant 0 : i32
      %dma_wait3A_98 = tpu.memref_slice %arg2[%dma_wait3A_96, %dma_wait3A_97] : memref<10240x64xf32, #tpu.memory_space<hbm>> -> memref<10240x64xf32, #tpu.memory_space<hbm>>
      tpu.wait_indirect_dma semaphore(%arg13 : memref<!tpu.dma_semaphore, #tpu.memory_space<semaphore_mem>>) src(%dma_wait3A_98 : memref<10240x64xf32, #tpu.memory_space<hbm>>) dst(%arg10 : memref<128x64xf32, #tpu.memory_space<vmem>>)
      %add3A_99 = arith.constant 1 : i32
      %add3A_100 = arith.addi %mul3A_76, %add3A_99 : i32
      "tpu.region"() ({
        %run_scoped3A_109 = tpu.sem_alloc : memref<!tpu.dma_semaphore, #tpu.memory_space<semaphore_mem>>
        %dma_start3A_110 = arith.constant 0 : i32
        %dma_start3A_111 = tpu.memref_slice %arg8[%add3A_100, %dma_start3A_110] : memref<40x128xi32, #tpu.memory_space<vmem>> -> memref<1x128xi32, #tpu.memory_space<vmem>>
        %dma_start3A_112 = tpu.memref_squeeze %dma_start3A_111 : memref<1x128xi32, #tpu.memory_space<vmem>> -> memref<128xi32, #tpu.memory_space<vmem>>
        %dma_start3A_113 = arith.constant 0 : i32
        %dma_start3A_114 = arith.constant 0 : i32
        %dma_start3A_115 = tpu.memref_slice %arg11[%dma_start3A_113, %dma_start3A_114] : memref<10240x64xf32, #tpu.memory_space<vmem_shared>> -> memref<10240x64xf32, #tpu.memory_space<vmem_shared>>
        tpu.enqueue_indirect_dma source(%arg10 : memref<128x64xf32, #tpu.memory_space<vmem>>) target(%dma_start3A_115 : memref<10240x64xf32, #tpu.memory_space<vmem_shared>>) offsets(%dma_start3A_112 : memref<128xi32, #tpu.memory_space<vmem>>) semaphore(%run_scoped3A_109 : memref<!tpu.dma_semaphore, #tpu.memory_space<semaphore_mem>>) {add = true}
        %dma_wait3A_116 = arith.constant 0 : i32
        %dma_wait3A_117 = tpu.memref_slice %arg8[%add3A_100, %dma_wait3A_116] : memref<40x128xi32, #tpu.memory_space<vmem>> -> memref<1x128xi32, #tpu.memory_space<vmem>>
        %dma_wait3A_118 = tpu.memref_squeeze %dma_wait3A_117 : memref<1x128xi32, #tpu.memory_space<vmem>> -> memref<128xi32, #tpu.memory_space<vmem>>
        %dma_wait3A_119 = arith.constant 0 : i32
        %dma_wait3A_120 = arith.constant 0 : i32
        %dma_wait3A_121 = tpu.memref_slice %arg11[%dma_wait3A_119, %dma_wait3A_120] : memref<10240x64xf32, #tpu.memory_space<vmem_shared>> -> memref<10240x64xf32, #tpu.memory_space<vmem_shared>>
        tpu.wait_indirect_dma semaphore(%run_scoped3A_109 : memref<!tpu.dma_semaphore, #tpu.memory_space<semaphore_mem>>) src(%arg10 : memref<128x64xf32, #tpu.memory_space<vmem>>) dst(%dma_wait3A_121 : memref<10240x64xf32, #tpu.memory_space<vmem_shared>>)
        tpu.yield
      }) : () -> ()
      %add3A_101 = arith.constant 3 : i32
      %add3A_102 = arith.addi %mul3A_76, %add3A_101 : i32
      %dma_start3A_103 = arith.constant 0 : i32
      %dma_start3A_104 = tpu.memref_slice %arg7[%add3A_102, %dma_start3A_103] : memref<40x128xi32, #tpu.memory_space<vmem>> -> memref<1x128xi32, #tpu.memory_space<vmem>>
      %dma_start3A_105 = tpu.memref_squeeze %dma_start3A_104 : memref<1x128xi32, #tpu.memory_space<vmem>> -> memref<128xi32, #tpu.memory_space<vmem>>
      %dma_start3A_106 = arith.constant 0 : i32
      %dma_start3A_107 = arith.constant 0 : i32
      %dma_start3A_108 = tpu.memref_slice %arg2[%dma_start3A_106, %dma_start3A_107] : memref<10240x64xf32, #tpu.memory_space<hbm>> -> memref<10240x64xf32, #tpu.memory_space<hbm>>
      tpu.enqueue_indirect_dma source(%dma_start3A_108 : memref<10240x64xf32, #tpu.memory_space<hbm>>) target(%arg10 : memref<128x64xf32, #tpu.memory_space<vmem>>) offsets(%dma_start3A_105 : memref<128xi32, #tpu.memory_space<vmem>>) semaphore(%arg13 : memref<!tpu.dma_semaphore, #tpu.memory_space<semaphore_mem>>)
    }
    %scan3A_52 = arith.constant 19 : i32
    %dma_wait3A_53 = arith.constant 38 : i32
    %dma_wait3A_54 = arith.constant 0 : i32
    %dma_wait3A_55 = tpu.memref_slice %arg7[%dma_wait3A_53, %dma_wait3A_54] : memref<40x128xi32, #tpu.memory_space<vmem>> -> memref<1x128xi32, #tpu.memory_space<vmem>>
    %dma_wait3A_56 = tpu.memref_squeeze %dma_wait3A_55 : memref<1x128xi32, #tpu.memory_space<vmem>> -> memref<128xi32, #tpu.memory_space<vmem>>
    %dma_wait3A_57 = arith.constant 0 : i32
    %dma_wait3A_58 = arith.constant 0 : i32
    %dma_wait3A_59 = tpu.memref_slice %arg2[%dma_wait3A_57, %dma_wait3A_58] : memref<10240x64xf32, #tpu.memory_space<hbm>> -> memref<10240x64xf32, #tpu.memory_space<hbm>>
    tpu.wait_indirect_dma semaphore(%arg12 : memref<!tpu.dma_semaphore, #tpu.memory_space<semaphore_mem>>) src(%dma_wait3A_59 : memref<10240x64xf32, #tpu.memory_space<hbm>>) dst(%arg9 : memref<128x64xf32, #tpu.memory_space<vmem>>)
    %run_scoped3A_60 = arith.constant 38 : i32
    "tpu.region"() ({
      %run_scoped3A_70 = tpu.sem_alloc : memref<!tpu.dma_semaphore, #tpu.memory_space<semaphore_mem>>
      %dma_start3A_71 = arith.constant 0 : i32
      %dma_start3A_72 = tpu.memref_slice %arg8[%run_scoped3A_60, %dma_start3A_71] : memref<40x128xi32, #tpu.memory_space<vmem>> -> memref<1x128xi32, #tpu.memory_space<vmem>>
      %dma_start3A_73 = tpu.memref_squeeze %dma_start3A_72 : memref<1x128xi32, #tpu.memory_space<vmem>> -> memref<128xi32, #tpu.memory_space<vmem>>
      %dma_start3A_74 = arith.constant 0 : i32
      %dma_start3A_75 = arith.constant 0 : i32
      %dma_start3A_76 = tpu.memref_slice %arg11[%dma_start3A_74, %dma_start3A_75] : memref<10240x64xf32, #tpu.memory_space<vmem_shared>> -> memref<10240x64xf32, #tpu.memory_space<vmem_shared>>
      tpu.enqueue_indirect_dma source(%arg9 : memref<128x64xf32, #tpu.memory_space<vmem>>) target(%dma_start3A_76 : memref<10240x64xf32, #tpu.memory_space<vmem_shared>>) offsets(%dma_start3A_73 : memref<128xi32, #tpu.memory_space<vmem>>) semaphore(%run_scoped3A_70 : memref<!tpu.dma_semaphore, #tpu.memory_space<semaphore_mem>>) {add = true}
      %dma_wait3A_77 = arith.constant 0 : i32
      %dma_wait3A_78 = tpu.memref_slice %arg8[%run_scoped3A_60, %dma_wait3A_77] : memref<40x128xi32, #tpu.memory_space<vmem>> -> memref<1x128xi32, #tpu.memory_space<vmem>>
      %dma_wait3A_79 = tpu.memref_squeeze %dma_wait3A_78 : memref<1x128xi32, #tpu.memory_space<vmem>> -> memref<128xi32, #tpu.memory_space<vmem>>
      %dma_wait3A_80 = arith.constant 0 : i32
      %dma_wait3A_81 = arith.constant 0 : i32
      %dma_wait3A_82 = tpu.memref_slice %arg11[%dma_wait3A_80, %dma_wait3A_81] : memref<10240x64xf32, #tpu.memory_space<vmem_shared>> -> memref<10240x64xf32, #tpu.memory_space<vmem_shared>>
      tpu.wait_indirect_dma semaphore(%run_scoped3A_70 : memref<!tpu.dma_semaphore, #tpu.memory_space<semaphore_mem>>) src(%arg9 : memref<128x64xf32, #tpu.memory_space<vmem>>) dst(%dma_wait3A_82 : memref<10240x64xf32, #tpu.memory_space<vmem_shared>>)
      tpu.yield
    }) : () -> ()
    %dma_wait3A_61 = arith.constant 39 : i32
    %dma_wait3A_62 = arith.constant 0 : i32
    %dma_wait3A_63 = tpu.memref_slice %arg7[%dma_wait3A_61, %dma_wait3A_62] : memref<40x128xi32, #tpu.memory_space<vmem>> -> memref<1x128xi32, #tpu.memory_space<vmem>>
    %dma_wait3A_64 = tpu.memref_squeeze %dma_wait3A_63 : memref<1x128xi32, #tpu.memory_space<vmem>> -> memref<128xi32, #tpu.memory_space<vmem>>
    %dma_wait3A_65 = arith.constant 0 : i32
    %dma_wait3A_66 = arith.constant 0 : i32
    %dma_wait3A_67 = tpu.memref_slice %arg2[%dma_wait3A_65, %dma_wait3A_66] : memref<10240x64xf32, #tpu.memory_space<hbm>> -> memref<10240x64xf32, #tpu.memory_space<hbm>>
    tpu.wait_indirect_dma semaphore(%arg13 : memref<!tpu.dma_semaphore, #tpu.memory_space<semaphore_mem>>) src(%dma_wait3A_67 : memref<10240x64xf32, #tpu.memory_space<hbm>>) dst(%arg10 : memref<128x64xf32, #tpu.memory_space<vmem>>)
    %run_scoped3A_68 = arith.constant 39 : i32
    "tpu.region"() ({
      %run_scoped3A_70 = tpu.sem_alloc : memref<!tpu.dma_semaphore, #tpu.memory_space<semaphore_mem>>
      %dma_start3A_71 = arith.constant 0 : i32
      %dma_start3A_72 = tpu.memref_slice %arg8[%run_scoped3A_68, %dma_start3A_71] : memref<40x128xi32, #tpu.memory_space<vmem>> -> memref<1x128xi32, #tpu.memory_space<vmem>>
      %dma_start3A_73 = tpu.memref_squeeze %dma_start3A_72 : memref<1x128xi32, #tpu.memory_space<vmem>> -> memref<128xi32, #tpu.memory_space<vmem>>
      %dma_start3A_74 = arith.constant 0 : i32
      %dma_start3A_75 = arith.constant 0 : i32
      %dma_start3A_76 = tpu.memref_slice %arg11[%dma_start3A_74, %dma_start3A_75] : memref<10240x64xf32, #tpu.memory_space<vmem_shared>> -> memref<10240x64xf32, #tpu.memory_space<vmem_shared>>
      tpu.enqueue_indirect_dma source(%arg10 : memref<128x64xf32, #tpu.memory_space<vmem>>) target(%dma_start3A_76 : memref<10240x64xf32, #tpu.memory_space<vmem_shared>>) offsets(%dma_start3A_73 : memref<128xi32, #tpu.memory_space<vmem>>) semaphore(%run_scoped3A_70 : memref<!tpu.dma_semaphore, #tpu.memory_space<semaphore_mem>>) {add = true}
      %dma_wait3A_77 = arith.constant 0 : i32
      %dma_wait3A_78 = tpu.memref_slice %arg8[%run_scoped3A_68, %dma_wait3A_77] : memref<40x128xi32, #tpu.memory_space<vmem>> -> memref<1x128xi32, #tpu.memory_space<vmem>>
      %dma_wait3A_79 = tpu.memref_squeeze %dma_wait3A_78 : memref<1x128xi32, #tpu.memory_space<vmem>> -> memref<128xi32, #tpu.memory_space<vmem>>
      %dma_wait3A_80 = arith.constant 0 : i32
      %dma_wait3A_81 = arith.constant 0 : i32
      %dma_wait3A_82 = tpu.memref_slice %arg11[%dma_wait3A_80, %dma_wait3A_81] : memref<10240x64xf32, #tpu.memory_space<vmem_shared>> -> memref<10240x64xf32, #tpu.memory_space<vmem_shared>>
      tpu.wait_indirect_dma semaphore(%run_scoped3A_70 : memref<!tpu.dma_semaphore, #tpu.memory_space<semaphore_mem>>) src(%arg10 : memref<128x64xf32, #tpu.memory_space<vmem>>) dst(%dma_wait3A_82 : memref<10240x64xf32, #tpu.memory_space<vmem_shared>>)
      tpu.yield
    }) : () -> ()
    %barrier3A_69 = arith.constant 0 : index
    tpu.barrier barrier_id(%barrier3A_69)
    "tpu.region"() ({
      %run_scoped3A_70 = tpu.sem_alloc : memref<!tpu.dma_semaphore, #tpu.memory_space<semaphore_mem>>
      %dma_start3A_71 = arith.constant 0 : i32
      %dma_start3A_72 = arith.constant 0 : i32
      %dma_start3A_73 = tpu.memref_slice %arg6[%arg0, %dma_start3A_71, %dma_start3A_72] : memref<2x10240x64xf32, #tpu.memory_space<hbm>> -> memref<1x10240x64xf32, #tpu.memory_space<hbm>>
      %dma_start3A_74 = tpu.memref_squeeze %dma_start3A_73 : memref<1x10240x64xf32, #tpu.memory_space<hbm>> -> memref<10240x64xf32, #tpu.memory_space<hbm>>
      %dma_start3A_75 = arith.constant 0 : i32
      %dma_start3A_76 = tpu.memref_slice %dma_start3A_74[%mul3A_2, %dma_start3A_75] : memref<10240x64xf32, #tpu.memory_space<hbm>> -> memref<640x64xf32, #tpu.memory_space<hbm>>
      %dma_start3A_77 = arith.constant 0 : i32
      %dma_start3A_78 = tpu.memref_slice %arg11[%mul3A_2, %dma_start3A_77] : memref<10240x64xf32, #tpu.memory_space<vmem_shared>> -> memref<640x64xf32, #tpu.memory_space<vmem_shared>>
      tpu.enqueue_dma source(%dma_start3A_78 : memref<640x64xf32, #tpu.memory_space<vmem_shared>>) target(%dma_start3A_76 : memref<640x64xf32, #tpu.memory_space<hbm>>) target_semaphore(%run_scoped3A_70 : memref<!tpu.dma_semaphore, #tpu.memory_space<semaphore_mem>>)
      %dma_wait3A_79 = arith.constant 0 : i32
      %dma_wait3A_80 = arith.constant 0 : i32
      %dma_wait3A_81 = tpu.memref_slice %arg6[%arg0, %dma_wait3A_79, %dma_wait3A_80] : memref<2x10240x64xf32, #tpu.memory_space<hbm>> -> memref<1x10240x64xf32, #tpu.memory_space<hbm>>
      %dma_wait3A_82 = tpu.memref_squeeze %dma_wait3A_81 : memref<1x10240x64xf32, #tpu.memory_space<hbm>> -> memref<10240x64xf32, #tpu.memory_space<hbm>>
      %dma_wait3A_83 = arith.constant 0 : i32
      %dma_wait3A_84 = tpu.memref_slice %dma_wait3A_82[%mul3A_2, %dma_wait3A_83] : memref<10240x64xf32, #tpu.memory_space<hbm>> -> memref<640x64xf32, #tpu.memory_space<hbm>>
      %dma_wait3A_85 = arith.constant 0 : i32
      %dma_wait3A_86 = tpu.memref_slice %arg11[%mul3A_2, %dma_wait3A_85] : memref<10240x64xf32, #tpu.memory_space<vmem_shared>> -> memref<640x64xf32, #tpu.memory_space<vmem_shared>>
      tpu.wait_dma2 semaphore(%run_scoped3A_70 : memref<!tpu.dma_semaphore, #tpu.memory_space<semaphore_mem>>) src(%dma_wait3A_86 : memref<640x64xf32, #tpu.memory_space<vmem_shared>>) dst(%dma_wait3A_84 : memref<640x64xf32, #tpu.memory_space<hbm>>)
      tpu.yield
    }) : () -> ()
    return
  }
}

#map = affine_map<(d0, d1) -> (0, 0)>
#map1 = affine_map<(d0, d1) -> (0, 0, 0)>
module attributes {stable_mosaic.version = 14 : i64} {
  func.func @k(%arg0: i32, %arg1: i32, %arg2: memref<10240x128xf32, #tpu.memory_space<hbm>>, %arg3: memref<32x80x128xi32, #tpu.memory_space<hbm>>, %arg4: memref<32x80x128xi32, #tpu.memory_space<hbm>>, %arg5: memref<640x128xf32, #tpu.memory_space<hbm>>, %arg6: memref<2x10240x128xf32, #tpu.memory_space<hbm>>, %arg7: memref<40x128xi32, #tpu.memory_space<vmem>>, %arg8: memref<40x128xi32, #tpu.memory_space<vmem>>, %arg9: memref<128x128xf32, #tpu.memory_space<vmem>>, %arg10: memref<128x128xf32, #tpu.memory_space<vmem>>, %arg11: memref<10240x128xf32, #tpu.memory_space<vmem_shared>>, %arg12: memref<!tpu.dma_semaphore, #tpu.memory_space<semaphore_mem>>, %arg13: memref<!tpu.dma_semaphore, #tpu.memory_space<semaphore_mem>>) attributes {dimension_semantics = [#tpu.dimension_semantics<core_parallel>, #tpu.dimension_semantics<subcore_parallel>], iteration_bounds = array<i64: 2, 16>, scalar_prefetch = 0 : i64, scratch_operands = 7 : i64, tpu.core_type = #tpu.core_type<sc_vector_subcore>, window_params = [{transform_indices = #map}, {transform_indices = #map1}, {transform_indices = #map1}, {transform_indices = #map}, {transform_indices = #map1}]} {
    %mul3A = arith.constant 16 : i32
    %mul3A_0 = arith.muli %arg0, %mul3A : i32
    %add3A = arith.addi %mul3A_0, %arg1 : i32
    %mul3A_1 = arith.constant 640 : i32
    %mul3A_2 = arith.muli %arg1, %mul3A_1 : i32
    "tpu.region"() ({
      %run_scoped3A_70 = tpu.sem_alloc : memref<!tpu.dma_semaphore, #tpu.memory_space<semaphore_mem>>
      %dma_start3A_71 = arith.constant 0 : i32
      %dma_start3A_72 = tpu.memref_slice %arg11[%mul3A_2, %dma_start3A_71] : memref<10240x128xf32, #tpu.memory_space<vmem_shared>> -> memref<640x128xf32, #tpu.memory_space<vmem_shared>>
      tpu.enqueue_dma source(%arg5 : memref<640x128xf32, #tpu.memory_space<hbm>>) target(%dma_start3A_72 : memref<640x128xf32, #tpu.memory_space<vmem_shared>>) target_semaphore(%run_scoped3A_70 : memref<!tpu.dma_semaphore, #tpu.memory_space<semaphore_mem>>)
      %dma_wait3A_73 = arith.constant 0 : i32
      %dma_wait3A_74 = tpu.memref_slice %arg11[%mul3A_2, %dma_wait3A_73] : memref<10240x128xf32, #tpu.memory_space<vmem_shared>> -> memref<640x128xf32, #tpu.memory_space<vmem_shared>>
      tpu.wait_dma2 semaphore(%run_scoped3A_70 : memref<!tpu.dma_semaphore, #tpu.memory_space<semaphore_mem>>) src(%arg5 : memref<640x128xf32, #tpu.memory_space<hbm>>) dst(%dma_wait3A_74 : memref<640x128xf32, #tpu.memory_space<vmem_shared>>)
      tpu.yield
    }) : () -> ()
    %barrier3A = arith.constant 0 : index
    tpu.barrier barrier_id(%barrier3A)
    "tpu.region"() ({
      %run_scoped3A_70 = tpu.sem_alloc : memref<!tpu.dma_semaphore, #tpu.memory_space<semaphore_mem>>
      %dma_start3A_71 = arith.constant 0 : i32
      %dma_start3A_72 = arith.constant 0 : i32
      %dma_start3A_73 = tpu.memref_slice %arg3[%add3A, %dma_start3A_71, %dma_start3A_72] : memref<32x80x128xi32, #tpu.memory_space<hbm>> -> memref<1x80x128xi32, #tpu.memory_space<hbm>>
      %dma_start3A_74 = tpu.memref_squeeze %dma_start3A_73 : memref<1x80x128xi32, #tpu.memory_space<hbm>> -> memref<80x128xi32, #tpu.memory_space<hbm>>
      %dma_start3A_75 = arith.constant 0 : i32
      %dma_start3A_76 = arith.constant 0 : i32
      %dma_start3A_77 = tpu.memref_slice %dma_start3A_74[%dma_start3A_75, %dma_start3A_76] : memref<80x128xi32, #tpu.memory_space<hbm>> -> memref<40x128xi32, #tpu.memory_space<hbm>>
      %dma_start3A_78 = arith.constant 0 : i32
      %dma_start3A_79 = arith.constant 0 : i32
      %dma_start3A_80 = tpu.memref_slice %arg3[%add3A, %dma_start3A_78, %dma_start3A_79] : memref<32x80x128xi32, #tpu.memory_space<hbm>> -> memref<1x80x128xi32, #tpu.memory_space<hbm>>
      %dma_start3A_81 = tpu.memref_squeeze %dma_start3A_80 : memref<1x80x128xi32, #tpu.memory_space<hbm>> -> memref<80x128xi32, #tpu.memory_space<hbm>>
      %dma_start3A_82 = arith.constant 0 : i32
      %dma_start3A_83 = arith.constant 0 : i32
      %dma_start3A_84 = tpu.memref_slice %dma_start3A_81[%dma_start3A_82, %dma_start3A_83] : memref<80x128xi32, #tpu.memory_space<hbm>> -> memref<40x128xi32, #tpu.memory_space<hbm>>
      tpu.enqueue_dma source(%dma_start3A_84 : memref<40x128xi32, #tpu.memory_space<hbm>>) target(%arg7 : memref<40x128xi32, #tpu.memory_space<vmem>>) target_semaphore(%run_scoped3A_70 : memref<!tpu.dma_semaphore, #tpu.memory_space<semaphore_mem>>)
      %dma_wait3A_85 = arith.constant 0 : i32
      %dma_wait3A_86 = arith.constant 0 : i32
      %dma_wait3A_87 = tpu.memref_slice %arg3[%add3A, %dma_wait3A_85, %dma_wait3A_86] : memref<32x80x128xi32, #tpu.memory_space<hbm>> -> memref<1x80x128xi32, #tpu.memory_space<hbm>>
      %dma_wait3A_88 = tpu.memref_squeeze %dma_wait3A_87 : memref<1x80x128xi32, #tpu.memory_space<hbm>> -> memref<80x128xi32, #tpu.memory_space<hbm>>
      %dma_wait3A_89 = arith.constant 0 : i32
      %dma_wait3A_90 = arith.constant 0 : i32
      %dma_wait3A_91 = tpu.memref_slice %dma_wait3A_88[%dma_wait3A_89, %dma_wait3A_90] : memref<80x128xi32, #tpu.memory_space<hbm>> -> memref<40x128xi32, #tpu.memory_space<hbm>>
      %dma_wait3A_92 = arith.constant 0 : i32
      %dma_wait3A_93 = arith.constant 0 : i32
      %dma_wait3A_94 = tpu.memref_slice %arg3[%add3A, %dma_wait3A_92, %dma_wait3A_93] : memref<32x80x128xi32, #tpu.memory_space<hbm>> -> memref<1x80x128xi32, #tpu.memory_space<hbm>>
      %dma_wait3A_95 = tpu.memref_squeeze %dma_wait3A_94 : memref<1x80x128xi32, #tpu.memory_space<hbm>> -> memref<80x128xi32, #tpu.memory_space<hbm>>
      %dma_wait3A_96 = arith.constant 0 : i32
      %dma_wait3A_97 = arith.constant 0 : i32
      %dma_wait3A_98 = tpu.memref_slice %dma_wait3A_95[%dma_wait3A_96, %dma_wait3A_97] : memref<80x128xi32, #tpu.memory_space<hbm>> -> memref<40x128xi32, #tpu.memory_space<hbm>>
      tpu.wait_dma2 semaphore(%run_scoped3A_70 : memref<!tpu.dma_semaphore, #tpu.memory_space<semaphore_mem>>) src(%dma_wait3A_98 : memref<40x128xi32, #tpu.memory_space<hbm>>) dst(%arg7 : memref<40x128xi32, #tpu.memory_space<vmem>>)
      tpu.yield
    }) : () -> ()
    "tpu.region"() ({
      %run_scoped3A_70 = tpu.sem_alloc : memref<!tpu.dma_semaphore, #tpu.memory_space<semaphore_mem>>
      %dma_start3A_71 = arith.constant 0 : i32
      %dma_start3A_72 = arith.constant 0 : i32
      %dma_start3A_73 = tpu.memref_slice %arg4[%add3A, %dma_start3A_71, %dma_start3A_72] : memref<32x80x128xi32, #tpu.memory_space<hbm>> -> memref<1x80x128xi32, #tpu.memory_space<hbm>>
      %dma_start3A_74 = tpu.memref_squeeze %dma_start3A_73 : memref<1x80x128xi32, #tpu.memory_space<hbm>> -> memref<80x128xi32, #tpu.memory_space<hbm>>
      %dma_start3A_75 = arith.constant 0 : i32
      %dma_start3A_76 = arith.constant 0 : i32
      %dma_start3A_77 = tpu.memref_slice %dma_start3A_74[%dma_start3A_75, %dma_start3A_76] : memref<80x128xi32, #tpu.memory_space<hbm>> -> memref<40x128xi32, #tpu.memory_space<hbm>>
      %dma_start3A_78 = arith.constant 0 : i32
      %dma_start3A_79 = arith.constant 0 : i32
      %dma_start3A_80 = tpu.memref_slice %arg4[%add3A, %dma_start3A_78, %dma_start3A_79] : memref<32x80x128xi32, #tpu.memory_space<hbm>> -> memref<1x80x128xi32, #tpu.memory_space<hbm>>
      %dma_start3A_81 = tpu.memref_squeeze %dma_start3A_80 : memref<1x80x128xi32, #tpu.memory_space<hbm>> -> memref<80x128xi32, #tpu.memory_space<hbm>>
      %dma_start3A_82 = arith.constant 0 : i32
      %dma_start3A_83 = arith.constant 0 : i32
      %dma_start3A_84 = tpu.memref_slice %dma_start3A_81[%dma_start3A_82, %dma_start3A_83] : memref<80x128xi32, #tpu.memory_space<hbm>> -> memref<40x128xi32, #tpu.memory_space<hbm>>
      tpu.enqueue_dma source(%dma_start3A_84 : memref<40x128xi32, #tpu.memory_space<hbm>>) target(%arg8 : memref<40x128xi32, #tpu.memory_space<vmem>>) target_semaphore(%run_scoped3A_70 : memref<!tpu.dma_semaphore, #tpu.memory_space<semaphore_mem>>)
      %dma_wait3A_85 = arith.constant 0 : i32
      %dma_wait3A_86 = arith.constant 0 : i32
      %dma_wait3A_87 = tpu.memref_slice %arg4[%add3A, %dma_wait3A_85, %dma_wait3A_86] : memref<32x80x128xi32, #tpu.memory_space<hbm>> -> memref<1x80x128xi32, #tpu.memory_space<hbm>>
      %dma_wait3A_88 = tpu.memref_squeeze %dma_wait3A_87 : memref<1x80x128xi32, #tpu.memory_space<hbm>> -> memref<80x128xi32, #tpu.memory_space<hbm>>
      %dma_wait3A_89 = arith.constant 0 : i32
      %dma_wait3A_90 = arith.constant 0 : i32
      %dma_wait3A_91 = tpu.memref_slice %dma_wait3A_88[%dma_wait3A_89, %dma_wait3A_90] : memref<80x128xi32, #tpu.memory_space<hbm>> -> memref<40x128xi32, #tpu.memory_space<hbm>>
      %dma_wait3A_92 = arith.constant 0 : i32
      %dma_wait3A_93 = arith.constant 0 : i32
      %dma_wait3A_94 = tpu.memref_slice %arg4[%add3A, %dma_wait3A_92, %dma_wait3A_93] : memref<32x80x128xi32, #tpu.memory_space<hbm>> -> memref<1x80x128xi32, #tpu.memory_space<hbm>>
      %dma_wait3A_95 = tpu.memref_squeeze %dma_wait3A_94 : memref<1x80x128xi32, #tpu.memory_space<hbm>> -> memref<80x128xi32, #tpu.memory_space<hbm>>
      %dma_wait3A_96 = arith.constant 0 : i32
      %dma_wait3A_97 = arith.constant 0 : i32
      %dma_wait3A_98 = tpu.memref_slice %dma_wait3A_95[%dma_wait3A_96, %dma_wait3A_97] : memref<80x128xi32, #tpu.memory_space<hbm>> -> memref<40x128xi32, #tpu.memory_space<hbm>>
      tpu.wait_dma2 semaphore(%run_scoped3A_70 : memref<!tpu.dma_semaphore, #tpu.memory_space<semaphore_mem>>) src(%dma_wait3A_98 : memref<40x128xi32, #tpu.memory_space<hbm>>) dst(%arg8 : memref<40x128xi32, #tpu.memory_space<vmem>>)
      tpu.yield
    }) : () -> ()
    %dma_start3A = arith.constant 0 : i32
    %dma_start3A_3 = arith.constant 0 : i32
    %dma_start3A_4 = tpu.memref_slice %arg7[%dma_start3A, %dma_start3A_3] : memref<40x128xi32, #tpu.memory_space<vmem>> -> memref<1x128xi32, #tpu.memory_space<vmem>>
    %dma_start3A_5 = tpu.memref_squeeze %dma_start3A_4 : memref<1x128xi32, #tpu.memory_space<vmem>> -> memref<128xi32, #tpu.memory_space<vmem>>
    %dma_start3A_6 = arith.constant 0 : i32
    %dma_start3A_7 = arith.constant 0 : i32
    %dma_start3A_8 = tpu.memref_slice %arg2[%dma_start3A_6, %dma_start3A_7] : memref<10240x128xf32, #tpu.memory_space<hbm>> -> memref<10240x128xf32, #tpu.memory_space<hbm>>
    tpu.enqueue_indirect_dma source(%dma_start3A_8 : memref<10240x128xf32, #tpu.memory_space<hbm>>) target(%arg9 : memref<128x128xf32, #tpu.memory_space<vmem>>) offsets(%dma_start3A_5 : memref<128xi32, #tpu.memory_space<vmem>>) semaphore(%arg12 : memref<!tpu.dma_semaphore, #tpu.memory_space<semaphore_mem>>)
    %dma_start3A_9 = arith.constant 1 : i32
    %dma_start3A_10 = arith.constant 0 : i32
    %dma_start3A_11 = tpu.memref_slice %arg7[%dma_start3A_9, %dma_start3A_10] : memref<40x128xi32, #tpu.memory_space<vmem>> -> memref<1x128xi32, #tpu.memory_space<vmem>>
    %dma_start3A_12 = tpu.memref_squeeze %dma_start3A_11 : memref<1x128xi32, #tpu.memory_space<vmem>> -> memref<128xi32, #tpu.memory_space<vmem>>
    %dma_start3A_13 = arith.constant 0 : i32
    %dma_start3A_14 = arith.constant 0 : i32
    %dma_start3A_15 = tpu.memref_slice %arg2[%dma_start3A_13, %dma_start3A_14] : memref<10240x128xf32, #tpu.memory_space<hbm>> -> memref<10240x128xf32, #tpu.memory_space<hbm>>
    tpu.enqueue_indirect_dma source(%dma_start3A_15 : memref<10240x128xf32, #tpu.memory_space<hbm>>) target(%arg10 : memref<128x128xf32, #tpu.memory_space<vmem>>) offsets(%dma_start3A_12 : memref<128xi32, #tpu.memory_space<vmem>>) semaphore(%arg13 : memref<!tpu.dma_semaphore, #tpu.memory_space<semaphore_mem>>)
    %scan3A = arith.constant 0 : i32
    %scan3A_16 = arith.constant 19 : i32
    %scan3A_17 = arith.addi %scan3A, %scan3A_16 : i32
    %scan3A_18 = arith.constant 1 : i32
    scf.for %scan3A_70 = %scan3A to %scan3A_17 step %scan3A_18  : i32 {
      %mul3A_71 = arith.constant 1 : i32
      %mul3A_72 = arith.muli %scan3A_70, %mul3A_71 : i32
      %add3A_73 = arith.constant 0 : i32
      %add3A_74 = arith.addi %add3A_73, %mul3A_72 : i32
      %mul3A_75 = arith.constant 2 : i32
      %mul3A_76 = arith.muli %mul3A_75, %add3A_74 : i32
      %dma_wait3A_77 = arith.constant 0 : i32
      %dma_wait3A_78 = tpu.memref_slice %arg7[%mul3A_76, %dma_wait3A_77] : memref<40x128xi32, #tpu.memory_space<vmem>> -> memref<1x128xi32, #tpu.memory_space<vmem>>
      %dma_wait3A_79 = tpu.memref_squeeze %dma_wait3A_78 : memref<1x128xi32, #tpu.memory_space<vmem>> -> memref<128xi32, #tpu.memory_space<vmem>>
      %dma_wait3A_80 = arith.constant 0 : i32
      %dma_wait3A_81 = arith.constant 0 : i32
      %dma_wait3A_82 = tpu.memref_slice %arg2[%dma_wait3A_80, %dma_wait3A_81] : memref<10240x128xf32, #tpu.memory_space<hbm>> -> memref<10240x128xf32, #tpu.memory_space<hbm>>
      tpu.wait_indirect_dma semaphore(%arg12 : memref<!tpu.dma_semaphore, #tpu.memory_space<semaphore_mem>>) src(%dma_wait3A_82 : memref<10240x128xf32, #tpu.memory_space<hbm>>) dst(%arg9 : memref<128x128xf32, #tpu.memory_space<vmem>>)
      "tpu.region"() ({
        %run_scoped3A_109 = tpu.sem_alloc : memref<!tpu.dma_semaphore, #tpu.memory_space<semaphore_mem>>
        %dma_start3A_110 = arith.constant 0 : i32
        %dma_start3A_111 = tpu.memref_slice %arg8[%mul3A_76, %dma_start3A_110] : memref<40x128xi32, #tpu.memory_space<vmem>> -> memref<1x128xi32, #tpu.memory_space<vmem>>
        %dma_start3A_112 = tpu.memref_squeeze %dma_start3A_111 : memref<1x128xi32, #tpu.memory_space<vmem>> -> memref<128xi32, #tpu.memory_space<vmem>>
        %dma_start3A_113 = arith.constant 0 : i32
        %dma_start3A_114 = arith.constant 0 : i32
        %dma_start3A_115 = tpu.memref_slice %arg11[%dma_start3A_113, %dma_start3A_114] : memref<10240x128xf32, #tpu.memory_space<vmem_shared>> -> memref<10240x128xf32, #tpu.memory_space<vmem_shared>>
        tpu.enqueue_indirect_dma source(%arg9 : memref<128x128xf32, #tpu.memory_space<vmem>>) target(%dma_start3A_115 : memref<10240x128xf32, #tpu.memory_space<vmem_shared>>) offsets(%dma_start3A_112 : memref<128xi32, #tpu.memory_space<vmem>>) semaphore(%run_scoped3A_109 : memref<!tpu.dma_semaphore, #tpu.memory_space<semaphore_mem>>) {add = true}
        %dma_wait3A_116 = arith.constant 0 : i32
        %dma_wait3A_117 = tpu.memref_slice %arg8[%mul3A_76, %dma_wait3A_116] : memref<40x128xi32, #tpu.memory_space<vmem>> -> memref<1x128xi32, #tpu.memory_space<vmem>>
        %dma_wait3A_118 = tpu.memref_squeeze %dma_wait3A_117 : memref<1x128xi32, #tpu.memory_space<vmem>> -> memref<128xi32, #tpu.memory_space<vmem>>
        %dma_wait3A_119 = arith.constant 0 : i32
        %dma_wait3A_120 = arith.constant 0 : i32
        %dma_wait3A_121 = tpu.memref_slice %arg11[%dma_wait3A_119, %dma_wait3A_120] : memref<10240x128xf32, #tpu.memory_space<vmem_shared>> -> memref<10240x128xf32, #tpu.memory_space<vmem_shared>>
        tpu.wait_indirect_dma semaphore(%run_scoped3A_109 : memref<!tpu.dma_semaphore, #tpu.memory_space<semaphore_mem>>) src(%arg9 : memref<128x128xf32, #tpu.memory_space<vmem>>) dst(%dma_wait3A_121 : memref<10240x128xf32, #tpu.memory_space<vmem_shared>>)
        tpu.yield
      }) : () -> ()
      %add3A_83 = arith.constant 2 : i32
      %add3A_84 = arith.addi %mul3A_76, %add3A_83 : i32
      %dma_start3A_85 = arith.constant 0 : i32
      %dma_start3A_86 = tpu.memref_slice %arg7[%add3A_84, %dma_start3A_85] : memref<40x128xi32, #tpu.memory_space<vmem>> -> memref<1x128xi32, #tpu.memory_space<vmem>>
      %dma_start3A_87 = tpu.memref_squeeze %dma_start3A_86 : memref<1x128xi32, #tpu.memory_space<vmem>> -> memref<128xi32, #tpu.memory_space<vmem>>
      %dma_start3A_88 = arith.constant 0 : i32
      %dma_start3A_89 = arith.constant 0 : i32
      %dma_start3A_90 = tpu.memref_slice %arg2[%dma_start3A_88, %dma_start3A_89] : memref<10240x128xf32, #tpu.memory_space<hbm>> -> memref<10240x128xf32, #tpu.memory_space<hbm>>
      tpu.enqueue_indirect_dma source(%dma_start3A_90 : memref<10240x128xf32, #tpu.memory_space<hbm>>) target(%arg9 : memref<128x128xf32, #tpu.memory_space<vmem>>) offsets(%dma_start3A_87 : memref<128xi32, #tpu.memory_space<vmem>>) semaphore(%arg12 : memref<!tpu.dma_semaphore, #tpu.memory_space<semaphore_mem>>)
      %add3A_91 = arith.constant 1 : i32
      %add3A_92 = arith.addi %mul3A_76, %add3A_91 : i32
      %dma_wait3A_93 = arith.constant 0 : i32
      %dma_wait3A_94 = tpu.memref_slice %arg7[%add3A_92, %dma_wait3A_93] : memref<40x128xi32, #tpu.memory_space<vmem>> -> memref<1x128xi32, #tpu.memory_space<vmem>>
      %dma_wait3A_95 = tpu.memref_squeeze %dma_wait3A_94 : memref<1x128xi32, #tpu.memory_space<vmem>> -> memref<128xi32, #tpu.memory_space<vmem>>
      %dma_wait3A_96 = arith.constant 0 : i32
      %dma_wait3A_97 = arith.constant 0 : i32
      %dma_wait3A_98 = tpu.memref_slice %arg2[%dma_wait3A_96, %dma_wait3A_97] : memref<10240x128xf32, #tpu.memory_space<hbm>> -> memref<10240x128xf32, #tpu.memory_space<hbm>>
      tpu.wait_indirect_dma semaphore(%arg13 : memref<!tpu.dma_semaphore, #tpu.memory_space<semaphore_mem>>) src(%dma_wait3A_98 : memref<10240x128xf32, #tpu.memory_space<hbm>>) dst(%arg10 : memref<128x128xf32, #tpu.memory_space<vmem>>)
      %add3A_99 = arith.constant 1 : i32
      %add3A_100 = arith.addi %mul3A_76, %add3A_99 : i32
      "tpu.region"() ({
        %run_scoped3A_109 = tpu.sem_alloc : memref<!tpu.dma_semaphore, #tpu.memory_space<semaphore_mem>>
        %dma_start3A_110 = arith.constant 0 : i32
        %dma_start3A_111 = tpu.memref_slice %arg8[%add3A_100, %dma_start3A_110] : memref<40x128xi32, #tpu.memory_space<vmem>> -> memref<1x128xi32, #tpu.memory_space<vmem>>
        %dma_start3A_112 = tpu.memref_squeeze %dma_start3A_111 : memref<1x128xi32, #tpu.memory_space<vmem>> -> memref<128xi32, #tpu.memory_space<vmem>>
        %dma_start3A_113 = arith.constant 0 : i32
        %dma_start3A_114 = arith.constant 0 : i32
        %dma_start3A_115 = tpu.memref_slice %arg11[%dma_start3A_113, %dma_start3A_114] : memref<10240x128xf32, #tpu.memory_space<vmem_shared>> -> memref<10240x128xf32, #tpu.memory_space<vmem_shared>>
        tpu.enqueue_indirect_dma source(%arg10 : memref<128x128xf32, #tpu.memory_space<vmem>>) target(%dma_start3A_115 : memref<10240x128xf32, #tpu.memory_space<vmem_shared>>) offsets(%dma_start3A_112 : memref<128xi32, #tpu.memory_space<vmem>>) semaphore(%run_scoped3A_109 : memref<!tpu.dma_semaphore, #tpu.memory_space<semaphore_mem>>) {add = true}
        %dma_wait3A_116 = arith.constant 0 : i32
        %dma_wait3A_117 = tpu.memref_slice %arg8[%add3A_100, %dma_wait3A_116] : memref<40x128xi32, #tpu.memory_space<vmem>> -> memref<1x128xi32, #tpu.memory_space<vmem>>
        %dma_wait3A_118 = tpu.memref_squeeze %dma_wait3A_117 : memref<1x128xi32, #tpu.memory_space<vmem>> -> memref<128xi32, #tpu.memory_space<vmem>>
        %dma_wait3A_119 = arith.constant 0 : i32
        %dma_wait3A_120 = arith.constant 0 : i32
        %dma_wait3A_121 = tpu.memref_slice %arg11[%dma_wait3A_119, %dma_wait3A_120] : memref<10240x128xf32, #tpu.memory_space<vmem_shared>> -> memref<10240x128xf32, #tpu.memory_space<vmem_shared>>
        tpu.wait_indirect_dma semaphore(%run_scoped3A_109 : memref<!tpu.dma_semaphore, #tpu.memory_space<semaphore_mem>>) src(%arg10 : memref<128x128xf32, #tpu.memory_space<vmem>>) dst(%dma_wait3A_121 : memref<10240x128xf32, #tpu.memory_space<vmem_shared>>)
        tpu.yield
      }) : () -> ()
      %add3A_101 = arith.constant 3 : i32
      %add3A_102 = arith.addi %mul3A_76, %add3A_101 : i32
      %dma_start3A_103 = arith.constant 0 : i32
      %dma_start3A_104 = tpu.memref_slice %arg7[%add3A_102, %dma_start3A_103] : memref<40x128xi32, #tpu.memory_space<vmem>> -> memref<1x128xi32, #tpu.memory_space<vmem>>
      %dma_start3A_105 = tpu.memref_squeeze %dma_start3A_104 : memref<1x128xi32, #tpu.memory_space<vmem>> -> memref<128xi32, #tpu.memory_space<vmem>>
      %dma_start3A_106 = arith.constant 0 : i32
      %dma_start3A_107 = arith.constant 0 : i32
      %dma_start3A_108 = tpu.memref_slice %arg2[%dma_start3A_106, %dma_start3A_107] : memref<10240x128xf32, #tpu.memory_space<hbm>> -> memref<10240x128xf32, #tpu.memory_space<hbm>>
      tpu.enqueue_indirect_dma source(%dma_start3A_108 : memref<10240x128xf32, #tpu.memory_space<hbm>>) target(%arg10 : memref<128x128xf32, #tpu.memory_space<vmem>>) offsets(%dma_start3A_105 : memref<128xi32, #tpu.memory_space<vmem>>) semaphore(%arg13 : memref<!tpu.dma_semaphore, #tpu.memory_space<semaphore_mem>>)
    }
    %scan3A_19 = arith.constant 19 : i32
    %dma_wait3A = arith.constant 38 : i32
    %dma_wait3A_20 = arith.constant 0 : i32
    %dma_wait3A_21 = tpu.memref_slice %arg7[%dma_wait3A, %dma_wait3A_20] : memref<40x128xi32, #tpu.memory_space<vmem>> -> memref<1x128xi32, #tpu.memory_space<vmem>>
    %dma_wait3A_22 = tpu.memref_squeeze %dma_wait3A_21 : memref<1x128xi32, #tpu.memory_space<vmem>> -> memref<128xi32, #tpu.memory_space<vmem>>
    %dma_wait3A_23 = arith.constant 0 : i32
    %dma_wait3A_24 = arith.constant 0 : i32
    %dma_wait3A_25 = tpu.memref_slice %arg2[%dma_wait3A_23, %dma_wait3A_24] : memref<10240x128xf32, #tpu.memory_space<hbm>> -> memref<10240x128xf32, #tpu.memory_space<hbm>>
    tpu.wait_indirect_dma semaphore(%arg12 : memref<!tpu.dma_semaphore, #tpu.memory_space<semaphore_mem>>) src(%dma_wait3A_25 : memref<10240x128xf32, #tpu.memory_space<hbm>>) dst(%arg9 : memref<128x128xf32, #tpu.memory_space<vmem>>)
    %run_scoped3A = arith.constant 38 : i32
    "tpu.region"() ({
      %run_scoped3A_70 = tpu.sem_alloc : memref<!tpu.dma_semaphore, #tpu.memory_space<semaphore_mem>>
      %dma_start3A_71 = arith.constant 0 : i32
      %dma_start3A_72 = tpu.memref_slice %arg8[%run_scoped3A, %dma_start3A_71] : memref<40x128xi32, #tpu.memory_space<vmem>> -> memref<1x128xi32, #tpu.memory_space<vmem>>
      %dma_start3A_73 = tpu.memref_squeeze %dma_start3A_72 : memref<1x128xi32, #tpu.memory_space<vmem>> -> memref<128xi32, #tpu.memory_space<vmem>>
      %dma_start3A_74 = arith.constant 0 : i32
      %dma_start3A_75 = arith.constant 0 : i32
      %dma_start3A_76 = tpu.memref_slice %arg11[%dma_start3A_74, %dma_start3A_75] : memref<10240x128xf32, #tpu.memory_space<vmem_shared>> -> memref<10240x128xf32, #tpu.memory_space<vmem_shared>>
      tpu.enqueue_indirect_dma source(%arg9 : memref<128x128xf32, #tpu.memory_space<vmem>>) target(%dma_start3A_76 : memref<10240x128xf32, #tpu.memory_space<vmem_shared>>) offsets(%dma_start3A_73 : memref<128xi32, #tpu.memory_space<vmem>>) semaphore(%run_scoped3A_70 : memref<!tpu.dma_semaphore, #tpu.memory_space<semaphore_mem>>) {add = true}
      %dma_wait3A_77 = arith.constant 0 : i32
      %dma_wait3A_78 = tpu.memref_slice %arg8[%run_scoped3A, %dma_wait3A_77] : memref<40x128xi32, #tpu.memory_space<vmem>> -> memref<1x128xi32, #tpu.memory_space<vmem>>
      %dma_wait3A_79 = tpu.memref_squeeze %dma_wait3A_78 : memref<1x128xi32, #tpu.memory_space<vmem>> -> memref<128xi32, #tpu.memory_space<vmem>>
      %dma_wait3A_80 = arith.constant 0 : i32
      %dma_wait3A_81 = arith.constant 0 : i32
      %dma_wait3A_82 = tpu.memref_slice %arg11[%dma_wait3A_80, %dma_wait3A_81] : memref<10240x128xf32, #tpu.memory_space<vmem_shared>> -> memref<10240x128xf32, #tpu.memory_space<vmem_shared>>
      tpu.wait_indirect_dma semaphore(%run_scoped3A_70 : memref<!tpu.dma_semaphore, #tpu.memory_space<semaphore_mem>>) src(%arg9 : memref<128x128xf32, #tpu.memory_space<vmem>>) dst(%dma_wait3A_82 : memref<10240x128xf32, #tpu.memory_space<vmem_shared>>)
      tpu.yield
    }) : () -> ()
    %dma_wait3A_26 = arith.constant 39 : i32
    %dma_wait3A_27 = arith.constant 0 : i32
    %dma_wait3A_28 = tpu.memref_slice %arg7[%dma_wait3A_26, %dma_wait3A_27] : memref<40x128xi32, #tpu.memory_space<vmem>> -> memref<1x128xi32, #tpu.memory_space<vmem>>
    %dma_wait3A_29 = tpu.memref_squeeze %dma_wait3A_28 : memref<1x128xi32, #tpu.memory_space<vmem>> -> memref<128xi32, #tpu.memory_space<vmem>>
    %dma_wait3A_30 = arith.constant 0 : i32
    %dma_wait3A_31 = arith.constant 0 : i32
    %dma_wait3A_32 = tpu.memref_slice %arg2[%dma_wait3A_30, %dma_wait3A_31] : memref<10240x128xf32, #tpu.memory_space<hbm>> -> memref<10240x128xf32, #tpu.memory_space<hbm>>
    tpu.wait_indirect_dma semaphore(%arg13 : memref<!tpu.dma_semaphore, #tpu.memory_space<semaphore_mem>>) src(%dma_wait3A_32 : memref<10240x128xf32, #tpu.memory_space<hbm>>) dst(%arg10 : memref<128x128xf32, #tpu.memory_space<vmem>>)
    %run_scoped3A_33 = arith.constant 39 : i32
    "tpu.region"() ({
      %run_scoped3A_70 = tpu.sem_alloc : memref<!tpu.dma_semaphore, #tpu.memory_space<semaphore_mem>>
      %dma_start3A_71 = arith.constant 0 : i32
      %dma_start3A_72 = tpu.memref_slice %arg8[%run_scoped3A_33, %dma_start3A_71] : memref<40x128xi32, #tpu.memory_space<vmem>> -> memref<1x128xi32, #tpu.memory_space<vmem>>
      %dma_start3A_73 = tpu.memref_squeeze %dma_start3A_72 : memref<1x128xi32, #tpu.memory_space<vmem>> -> memref<128xi32, #tpu.memory_space<vmem>>
      %dma_start3A_74 = arith.constant 0 : i32
      %dma_start3A_75 = arith.constant 0 : i32
      %dma_start3A_76 = tpu.memref_slice %arg11[%dma_start3A_74, %dma_start3A_75] : memref<10240x128xf32, #tpu.memory_space<vmem_shared>> -> memref<10240x128xf32, #tpu.memory_space<vmem_shared>>
      tpu.enqueue_indirect_dma source(%arg10 : memref<128x128xf32, #tpu.memory_space<vmem>>) target(%dma_start3A_76 : memref<10240x128xf32, #tpu.memory_space<vmem_shared>>) offsets(%dma_start3A_73 : memref<128xi32, #tpu.memory_space<vmem>>) semaphore(%run_scoped3A_70 : memref<!tpu.dma_semaphore, #tpu.memory_space<semaphore_mem>>) {add = true}
      %dma_wait3A_77 = arith.constant 0 : i32
      %dma_wait3A_78 = tpu.memref_slice %arg8[%run_scoped3A_33, %dma_wait3A_77] : memref<40x128xi32, #tpu.memory_space<vmem>> -> memref<1x128xi32, #tpu.memory_space<vmem>>
      %dma_wait3A_79 = tpu.memref_squeeze %dma_wait3A_78 : memref<1x128xi32, #tpu.memory_space<vmem>> -> memref<128xi32, #tpu.memory_space<vmem>>
      %dma_wait3A_80 = arith.constant 0 : i32
      %dma_wait3A_81 = arith.constant 0 : i32
      %dma_wait3A_82 = tpu.memref_slice %arg11[%dma_wait3A_80, %dma_wait3A_81] : memref<10240x128xf32, #tpu.memory_space<vmem_shared>> -> memref<10240x128xf32, #tpu.memory_space<vmem_shared>>
      tpu.wait_indirect_dma semaphore(%run_scoped3A_70 : memref<!tpu.dma_semaphore, #tpu.memory_space<semaphore_mem>>) src(%arg10 : memref<128x128xf32, #tpu.memory_space<vmem>>) dst(%dma_wait3A_82 : memref<10240x128xf32, #tpu.memory_space<vmem_shared>>)
      tpu.yield
    }) : () -> ()
    "tpu.region"() ({
      %run_scoped3A_70 = tpu.sem_alloc : memref<!tpu.dma_semaphore, #tpu.memory_space<semaphore_mem>>
      %dma_start3A_71 = arith.constant 0 : i32
      %dma_start3A_72 = arith.constant 0 : i32
      %dma_start3A_73 = tpu.memref_slice %arg3[%add3A, %dma_start3A_71, %dma_start3A_72] : memref<32x80x128xi32, #tpu.memory_space<hbm>> -> memref<1x80x128xi32, #tpu.memory_space<hbm>>
      %dma_start3A_74 = tpu.memref_squeeze %dma_start3A_73 : memref<1x80x128xi32, #tpu.memory_space<hbm>> -> memref<80x128xi32, #tpu.memory_space<hbm>>
      %dma_start3A_75 = arith.constant 40 : i32
      %dma_start3A_76 = arith.constant 0 : i32
      %dma_start3A_77 = tpu.memref_slice %dma_start3A_74[%dma_start3A_75, %dma_start3A_76] : memref<80x128xi32, #tpu.memory_space<hbm>> -> memref<40x128xi32, #tpu.memory_space<hbm>>
      %dma_start3A_78 = arith.constant 0 : i32
      %dma_start3A_79 = arith.constant 0 : i32
      %dma_start3A_80 = tpu.memref_slice %arg3[%add3A, %dma_start3A_78, %dma_start3A_79] : memref<32x80x128xi32, #tpu.memory_space<hbm>> -> memref<1x80x128xi32, #tpu.memory_space<hbm>>
      %dma_start3A_81 = tpu.memref_squeeze %dma_start3A_80 : memref<1x80x128xi32, #tpu.memory_space<hbm>> -> memref<80x128xi32, #tpu.memory_space<hbm>>
      %dma_start3A_82 = arith.constant 40 : i32
      %dma_start3A_83 = arith.constant 0 : i32
      %dma_start3A_84 = tpu.memref_slice %dma_start3A_81[%dma_start3A_82, %dma_start3A_83] : memref<80x128xi32, #tpu.memory_space<hbm>> -> memref<40x128xi32, #tpu.memory_space<hbm>>
      tpu.enqueue_dma source(%dma_start3A_84 : memref<40x128xi32, #tpu.memory_space<hbm>>) target(%arg7 : memref<40x128xi32, #tpu.memory_space<vmem>>) target_semaphore(%run_scoped3A_70 : memref<!tpu.dma_semaphore, #tpu.memory_space<semaphore_mem>>)
      %dma_wait3A_85 = arith.constant 0 : i32
      %dma_wait3A_86 = arith.constant 0 : i32
      %dma_wait3A_87 = tpu.memref_slice %arg3[%add3A, %dma_wait3A_85, %dma_wait3A_86] : memref<32x80x128xi32, #tpu.memory_space<hbm>> -> memref<1x80x128xi32, #tpu.memory_space<hbm>>
      %dma_wait3A_88 = tpu.memref_squeeze %dma_wait3A_87 : memref<1x80x128xi32, #tpu.memory_space<hbm>> -> memref<80x128xi32, #tpu.memory_space<hbm>>
      %dma_wait3A_89 = arith.constant 40 : i32
      %dma_wait3A_90 = arith.constant 0 : i32
      %dma_wait3A_91 = tpu.memref_slice %dma_wait3A_88[%dma_wait3A_89, %dma_wait3A_90] : memref<80x128xi32, #tpu.memory_space<hbm>> -> memref<40x128xi32, #tpu.memory_space<hbm>>
      %dma_wait3A_92 = arith.constant 0 : i32
      %dma_wait3A_93 = arith.constant 0 : i32
      %dma_wait3A_94 = tpu.memref_slice %arg3[%add3A, %dma_wait3A_92, %dma_wait3A_93] : memref<32x80x128xi32, #tpu.memory_space<hbm>> -> memref<1x80x128xi32, #tpu.memory_space<hbm>>
      %dma_wait3A_95 = tpu.memref_squeeze %dma_wait3A_94 : memref<1x80x128xi32, #tpu.memory_space<hbm>> -> memref<80x128xi32, #tpu.memory_space<hbm>>
      %dma_wait3A_96 = arith.constant 40 : i32
      %dma_wait3A_97 = arith.constant 0 : i32
      %dma_wait3A_98 = tpu.memref_slice %dma_wait3A_95[%dma_wait3A_96, %dma_wait3A_97] : memref<80x128xi32, #tpu.memory_space<hbm>> -> memref<40x128xi32, #tpu.memory_space<hbm>>
      tpu.wait_dma2 semaphore(%run_scoped3A_70 : memref<!tpu.dma_semaphore, #tpu.memory_space<semaphore_mem>>) src(%dma_wait3A_98 : memref<40x128xi32, #tpu.memory_space<hbm>>) dst(%arg7 : memref<40x128xi32, #tpu.memory_space<vmem>>)
      tpu.yield
    }) : () -> ()
    "tpu.region"() ({
      %run_scoped3A_70 = tpu.sem_alloc : memref<!tpu.dma_semaphore, #tpu.memory_space<semaphore_mem>>
      %dma_start3A_71 = arith.constant 0 : i32
      %dma_start3A_72 = arith.constant 0 : i32
      %dma_start3A_73 = tpu.memref_slice %arg4[%add3A, %dma_start3A_71, %dma_start3A_72] : memref<32x80x128xi32, #tpu.memory_space<hbm>> -> memref<1x80x128xi32, #tpu.memory_space<hbm>>
      %dma_start3A_74 = tpu.memref_squeeze %dma_start3A_73 : memref<1x80x128xi32, #tpu.memory_space<hbm>> -> memref<80x128xi32, #tpu.memory_space<hbm>>
      %dma_start3A_75 = arith.constant 40 : i32
      %dma_start3A_76 = arith.constant 0 : i32
      %dma_start3A_77 = tpu.memref_slice %dma_start3A_74[%dma_start3A_75, %dma_start3A_76] : memref<80x128xi32, #tpu.memory_space<hbm>> -> memref<40x128xi32, #tpu.memory_space<hbm>>
      %dma_start3A_78 = arith.constant 0 : i32
      %dma_start3A_79 = arith.constant 0 : i32
      %dma_start3A_80 = tpu.memref_slice %arg4[%add3A, %dma_start3A_78, %dma_start3A_79] : memref<32x80x128xi32, #tpu.memory_space<hbm>> -> memref<1x80x128xi32, #tpu.memory_space<hbm>>
      %dma_start3A_81 = tpu.memref_squeeze %dma_start3A_80 : memref<1x80x128xi32, #tpu.memory_space<hbm>> -> memref<80x128xi32, #tpu.memory_space<hbm>>
      %dma_start3A_82 = arith.constant 40 : i32
      %dma_start3A_83 = arith.constant 0 : i32
      %dma_start3A_84 = tpu.memref_slice %dma_start3A_81[%dma_start3A_82, %dma_start3A_83] : memref<80x128xi32, #tpu.memory_space<hbm>> -> memref<40x128xi32, #tpu.memory_space<hbm>>
      tpu.enqueue_dma source(%dma_start3A_84 : memref<40x128xi32, #tpu.memory_space<hbm>>) target(%arg8 : memref<40x128xi32, #tpu.memory_space<vmem>>) target_semaphore(%run_scoped3A_70 : memref<!tpu.dma_semaphore, #tpu.memory_space<semaphore_mem>>)
      %dma_wait3A_85 = arith.constant 0 : i32
      %dma_wait3A_86 = arith.constant 0 : i32
      %dma_wait3A_87 = tpu.memref_slice %arg4[%add3A, %dma_wait3A_85, %dma_wait3A_86] : memref<32x80x128xi32, #tpu.memory_space<hbm>> -> memref<1x80x128xi32, #tpu.memory_space<hbm>>
      %dma_wait3A_88 = tpu.memref_squeeze %dma_wait3A_87 : memref<1x80x128xi32, #tpu.memory_space<hbm>> -> memref<80x128xi32, #tpu.memory_space<hbm>>
      %dma_wait3A_89 = arith.constant 40 : i32
      %dma_wait3A_90 = arith.constant 0 : i32
      %dma_wait3A_91 = tpu.memref_slice %dma_wait3A_88[%dma_wait3A_89, %dma_wait3A_90] : memref<80x128xi32, #tpu.memory_space<hbm>> -> memref<40x128xi32, #tpu.memory_space<hbm>>
      %dma_wait3A_92 = arith.constant 0 : i32
      %dma_wait3A_93 = arith.constant 0 : i32
      %dma_wait3A_94 = tpu.memref_slice %arg4[%add3A, %dma_wait3A_92, %dma_wait3A_93] : memref<32x80x128xi32, #tpu.memory_space<hbm>> -> memref<1x80x128xi32, #tpu.memory_space<hbm>>
      %dma_wait3A_95 = tpu.memref_squeeze %dma_wait3A_94 : memref<1x80x128xi32, #tpu.memory_space<hbm>> -> memref<80x128xi32, #tpu.memory_space<hbm>>
      %dma_wait3A_96 = arith.constant 40 : i32
      %dma_wait3A_97 = arith.constant 0 : i32
      %dma_wait3A_98 = tpu.memref_slice %dma_wait3A_95[%dma_wait3A_96, %dma_wait3A_97] : memref<80x128xi32, #tpu.memory_space<hbm>> -> memref<40x128xi32, #tpu.memory_space<hbm>>
      tpu.wait_dma2 semaphore(%run_scoped3A_70 : memref<!tpu.dma_semaphore, #tpu.memory_space<semaphore_mem>>) src(%dma_wait3A_98 : memref<40x128xi32, #tpu.memory_space<hbm>>) dst(%arg8 : memref<40x128xi32, #tpu.memory_space<vmem>>)
      tpu.yield
    }) : () -> ()
    %dma_start3A_34 = arith.constant 0 : i32
    %dma_start3A_35 = arith.constant 0 : i32
    %dma_start3A_36 = tpu.memref_slice %arg7[%dma_start3A_34, %dma_start3A_35] : memref<40x128xi32, #tpu.memory_space<vmem>> -> memref<1x128xi32, #tpu.memory_space<vmem>>
    %dma_start3A_37 = tpu.memref_squeeze %dma_start3A_36 : memref<1x128xi32, #tpu.memory_space<vmem>> -> memref<128xi32, #tpu.memory_space<vmem>>
    %dma_start3A_38 = arith.constant 0 : i32
    %dma_start3A_39 = arith.constant 0 : i32
    %dma_start3A_40 = tpu.memref_slice %arg2[%dma_start3A_38, %dma_start3A_39] : memref<10240x128xf32, #tpu.memory_space<hbm>> -> memref<10240x128xf32, #tpu.memory_space<hbm>>
    tpu.enqueue_indirect_dma source(%dma_start3A_40 : memref<10240x128xf32, #tpu.memory_space<hbm>>) target(%arg9 : memref<128x128xf32, #tpu.memory_space<vmem>>) offsets(%dma_start3A_37 : memref<128xi32, #tpu.memory_space<vmem>>) semaphore(%arg12 : memref<!tpu.dma_semaphore, #tpu.memory_space<semaphore_mem>>)
    %dma_start3A_41 = arith.constant 1 : i32
    %dma_start3A_42 = arith.constant 0 : i32
    %dma_start3A_43 = tpu.memref_slice %arg7[%dma_start3A_41, %dma_start3A_42] : memref<40x128xi32, #tpu.memory_space<vmem>> -> memref<1x128xi32, #tpu.memory_space<vmem>>
    %dma_start3A_44 = tpu.memref_squeeze %dma_start3A_43 : memref<1x128xi32, #tpu.memory_space<vmem>> -> memref<128xi32, #tpu.memory_space<vmem>>
    %dma_start3A_45 = arith.constant 0 : i32
    %dma_start3A_46 = arith.constant 0 : i32
    %dma_start3A_47 = tpu.memref_slice %arg2[%dma_start3A_45, %dma_start3A_46] : memref<10240x128xf32, #tpu.memory_space<hbm>> -> memref<10240x128xf32, #tpu.memory_space<hbm>>
    tpu.enqueue_indirect_dma source(%dma_start3A_47 : memref<10240x128xf32, #tpu.memory_space<hbm>>) target(%arg10 : memref<128x128xf32, #tpu.memory_space<vmem>>) offsets(%dma_start3A_44 : memref<128xi32, #tpu.memory_space<vmem>>) semaphore(%arg13 : memref<!tpu.dma_semaphore, #tpu.memory_space<semaphore_mem>>)
    %scan3A_48 = arith.constant 0 : i32
    %scan3A_49 = arith.constant 19 : i32
    %scan3A_50 = arith.addi %scan3A_48, %scan3A_49 : i32
    %scan3A_51 = arith.constant 1 : i32
    scf.for %scan3A_70 = %scan3A_48 to %scan3A_50 step %scan3A_51  : i32 {
      %mul3A_71 = arith.constant 1 : i32
      %mul3A_72 = arith.muli %scan3A_70, %mul3A_71 : i32
      %add3A_73 = arith.constant 0 : i32
      %add3A_74 = arith.addi %add3A_73, %mul3A_72 : i32
      %mul3A_75 = arith.constant 2 : i32
      %mul3A_76 = arith.muli %mul3A_75, %add3A_74 : i32
      %dma_wait3A_77 = arith.constant 0 : i32
      %dma_wait3A_78 = tpu.memref_slice %arg7[%mul3A_76, %dma_wait3A_77] : memref<40x128xi32, #tpu.memory_space<vmem>> -> memref<1x128xi32, #tpu.memory_space<vmem>>
      %dma_wait3A_79 = tpu.memref_squeeze %dma_wait3A_78 : memref<1x128xi32, #tpu.memory_space<vmem>> -> memref<128xi32, #tpu.memory_space<vmem>>
      %dma_wait3A_80 = arith.constant 0 : i32
      %dma_wait3A_81 = arith.constant 0 : i32
      %dma_wait3A_82 = tpu.memref_slice %arg2[%dma_wait3A_80, %dma_wait3A_81] : memref<10240x128xf32, #tpu.memory_space<hbm>> -> memref<10240x128xf32, #tpu.memory_space<hbm>>
      tpu.wait_indirect_dma semaphore(%arg12 : memref<!tpu.dma_semaphore, #tpu.memory_space<semaphore_mem>>) src(%dma_wait3A_82 : memref<10240x128xf32, #tpu.memory_space<hbm>>) dst(%arg9 : memref<128x128xf32, #tpu.memory_space<vmem>>)
      "tpu.region"() ({
        %run_scoped3A_109 = tpu.sem_alloc : memref<!tpu.dma_semaphore, #tpu.memory_space<semaphore_mem>>
        %dma_start3A_110 = arith.constant 0 : i32
        %dma_start3A_111 = tpu.memref_slice %arg8[%mul3A_76, %dma_start3A_110] : memref<40x128xi32, #tpu.memory_space<vmem>> -> memref<1x128xi32, #tpu.memory_space<vmem>>
        %dma_start3A_112 = tpu.memref_squeeze %dma_start3A_111 : memref<1x128xi32, #tpu.memory_space<vmem>> -> memref<128xi32, #tpu.memory_space<vmem>>
        %dma_start3A_113 = arith.constant 0 : i32
        %dma_start3A_114 = arith.constant 0 : i32
        %dma_start3A_115 = tpu.memref_slice %arg11[%dma_start3A_113, %dma_start3A_114] : memref<10240x128xf32, #tpu.memory_space<vmem_shared>> -> memref<10240x128xf32, #tpu.memory_space<vmem_shared>>
        tpu.enqueue_indirect_dma source(%arg9 : memref<128x128xf32, #tpu.memory_space<vmem>>) target(%dma_start3A_115 : memref<10240x128xf32, #tpu.memory_space<vmem_shared>>) offsets(%dma_start3A_112 : memref<128xi32, #tpu.memory_space<vmem>>) semaphore(%run_scoped3A_109 : memref<!tpu.dma_semaphore, #tpu.memory_space<semaphore_mem>>) {add = true}
        %dma_wait3A_116 = arith.constant 0 : i32
        %dma_wait3A_117 = tpu.memref_slice %arg8[%mul3A_76, %dma_wait3A_116] : memref<40x128xi32, #tpu.memory_space<vmem>> -> memref<1x128xi32, #tpu.memory_space<vmem>>
        %dma_wait3A_118 = tpu.memref_squeeze %dma_wait3A_117 : memref<1x128xi32, #tpu.memory_space<vmem>> -> memref<128xi32, #tpu.memory_space<vmem>>
        %dma_wait3A_119 = arith.constant 0 : i32
        %dma_wait3A_120 = arith.constant 0 : i32
        %dma_wait3A_121 = tpu.memref_slice %arg11[%dma_wait3A_119, %dma_wait3A_120] : memref<10240x128xf32, #tpu.memory_space<vmem_shared>> -> memref<10240x128xf32, #tpu.memory_space<vmem_shared>>
        tpu.wait_indirect_dma semaphore(%run_scoped3A_109 : memref<!tpu.dma_semaphore, #tpu.memory_space<semaphore_mem>>) src(%arg9 : memref<128x128xf32, #tpu.memory_space<vmem>>) dst(%dma_wait3A_121 : memref<10240x128xf32, #tpu.memory_space<vmem_shared>>)
        tpu.yield
      }) : () -> ()
      %add3A_83 = arith.constant 2 : i32
      %add3A_84 = arith.addi %mul3A_76, %add3A_83 : i32
      %dma_start3A_85 = arith.constant 0 : i32
      %dma_start3A_86 = tpu.memref_slice %arg7[%add3A_84, %dma_start3A_85] : memref<40x128xi32, #tpu.memory_space<vmem>> -> memref<1x128xi32, #tpu.memory_space<vmem>>
      %dma_start3A_87 = tpu.memref_squeeze %dma_start3A_86 : memref<1x128xi32, #tpu.memory_space<vmem>> -> memref<128xi32, #tpu.memory_space<vmem>>
      %dma_start3A_88 = arith.constant 0 : i32
      %dma_start3A_89 = arith.constant 0 : i32
      %dma_start3A_90 = tpu.memref_slice %arg2[%dma_start3A_88, %dma_start3A_89] : memref<10240x128xf32, #tpu.memory_space<hbm>> -> memref<10240x128xf32, #tpu.memory_space<hbm>>
      tpu.enqueue_indirect_dma source(%dma_start3A_90 : memref<10240x128xf32, #tpu.memory_space<hbm>>) target(%arg9 : memref<128x128xf32, #tpu.memory_space<vmem>>) offsets(%dma_start3A_87 : memref<128xi32, #tpu.memory_space<vmem>>) semaphore(%arg12 : memref<!tpu.dma_semaphore, #tpu.memory_space<semaphore_mem>>)
      %add3A_91 = arith.constant 1 : i32
      %add3A_92 = arith.addi %mul3A_76, %add3A_91 : i32
      %dma_wait3A_93 = arith.constant 0 : i32
      %dma_wait3A_94 = tpu.memref_slice %arg7[%add3A_92, %dma_wait3A_93] : memref<40x128xi32, #tpu.memory_space<vmem>> -> memref<1x128xi32, #tpu.memory_space<vmem>>
      %dma_wait3A_95 = tpu.memref_squeeze %dma_wait3A_94 : memref<1x128xi32, #tpu.memory_space<vmem>> -> memref<128xi32, #tpu.memory_space<vmem>>
      %dma_wait3A_96 = arith.constant 0 : i32
      %dma_wait3A_97 = arith.constant 0 : i32
      %dma_wait3A_98 = tpu.memref_slice %arg2[%dma_wait3A_96, %dma_wait3A_97] : memref<10240x128xf32, #tpu.memory_space<hbm>> -> memref<10240x128xf32, #tpu.memory_space<hbm>>
      tpu.wait_indirect_dma semaphore(%arg13 : memref<!tpu.dma_semaphore, #tpu.memory_space<semaphore_mem>>) src(%dma_wait3A_98 : memref<10240x128xf32, #tpu.memory_space<hbm>>) dst(%arg10 : memref<128x128xf32, #tpu.memory_space<vmem>>)
      %add3A_99 = arith.constant 1 : i32
      %add3A_100 = arith.addi %mul3A_76, %add3A_99 : i32
      "tpu.region"() ({
        %run_scoped3A_109 = tpu.sem_alloc : memref<!tpu.dma_semaphore, #tpu.memory_space<semaphore_mem>>
        %dma_start3A_110 = arith.constant 0 : i32
        %dma_start3A_111 = tpu.memref_slice %arg8[%add3A_100, %dma_start3A_110] : memref<40x128xi32, #tpu.memory_space<vmem>> -> memref<1x128xi32, #tpu.memory_space<vmem>>
        %dma_start3A_112 = tpu.memref_squeeze %dma_start3A_111 : memref<1x128xi32, #tpu.memory_space<vmem>> -> memref<128xi32, #tpu.memory_space<vmem>>
        %dma_start3A_113 = arith.constant 0 : i32
        %dma_start3A_114 = arith.constant 0 : i32
        %dma_start3A_115 = tpu.memref_slice %arg11[%dma_start3A_113, %dma_start3A_114] : memref<10240x128xf32, #tpu.memory_space<vmem_shared>> -> memref<10240x128xf32, #tpu.memory_space<vmem_shared>>
        tpu.enqueue_indirect_dma source(%arg10 : memref<128x128xf32, #tpu.memory_space<vmem>>) target(%dma_start3A_115 : memref<10240x128xf32, #tpu.memory_space<vmem_shared>>) offsets(%dma_start3A_112 : memref<128xi32, #tpu.memory_space<vmem>>) semaphore(%run_scoped3A_109 : memref<!tpu.dma_semaphore, #tpu.memory_space<semaphore_mem>>) {add = true}
        %dma_wait3A_116 = arith.constant 0 : i32
        %dma_wait3A_117 = tpu.memref_slice %arg8[%add3A_100, %dma_wait3A_116] : memref<40x128xi32, #tpu.memory_space<vmem>> -> memref<1x128xi32, #tpu.memory_space<vmem>>
        %dma_wait3A_118 = tpu.memref_squeeze %dma_wait3A_117 : memref<1x128xi32, #tpu.memory_space<vmem>> -> memref<128xi32, #tpu.memory_space<vmem>>
        %dma_wait3A_119 = arith.constant 0 : i32
        %dma_wait3A_120 = arith.constant 0 : i32
        %dma_wait3A_121 = tpu.memref_slice %arg11[%dma_wait3A_119, %dma_wait3A_120] : memref<10240x128xf32, #tpu.memory_space<vmem_shared>> -> memref<10240x128xf32, #tpu.memory_space<vmem_shared>>
        tpu.wait_indirect_dma semaphore(%run_scoped3A_109 : memref<!tpu.dma_semaphore, #tpu.memory_space<semaphore_mem>>) src(%arg10 : memref<128x128xf32, #tpu.memory_space<vmem>>) dst(%dma_wait3A_121 : memref<10240x128xf32, #tpu.memory_space<vmem_shared>>)
        tpu.yield
      }) : () -> ()
      %add3A_101 = arith.constant 3 : i32
      %add3A_102 = arith.addi %mul3A_76, %add3A_101 : i32
      %dma_start3A_103 = arith.constant 0 : i32
      %dma_start3A_104 = tpu.memref_slice %arg7[%add3A_102, %dma_start3A_103] : memref<40x128xi32, #tpu.memory_space<vmem>> -> memref<1x128xi32, #tpu.memory_space<vmem>>
      %dma_start3A_105 = tpu.memref_squeeze %dma_start3A_104 : memref<1x128xi32, #tpu.memory_space<vmem>> -> memref<128xi32, #tpu.memory_space<vmem>>
      %dma_start3A_106 = arith.constant 0 : i32
      %dma_start3A_107 = arith.constant 0 : i32
      %dma_start3A_108 = tpu.memref_slice %arg2[%dma_start3A_106, %dma_start3A_107] : memref<10240x128xf32, #tpu.memory_space<hbm>> -> memref<10240x128xf32, #tpu.memory_space<hbm>>
      tpu.enqueue_indirect_dma source(%dma_start3A_108 : memref<10240x128xf32, #tpu.memory_space<hbm>>) target(%arg10 : memref<128x128xf32, #tpu.memory_space<vmem>>) offsets(%dma_start3A_105 : memref<128xi32, #tpu.memory_space<vmem>>) semaphore(%arg13 : memref<!tpu.dma_semaphore, #tpu.memory_space<semaphore_mem>>)
    }
    %scan3A_52 = arith.constant 19 : i32
    %dma_wait3A_53 = arith.constant 38 : i32
    %dma_wait3A_54 = arith.constant 0 : i32
    %dma_wait3A_55 = tpu.memref_slice %arg7[%dma_wait3A_53, %dma_wait3A_54] : memref<40x128xi32, #tpu.memory_space<vmem>> -> memref<1x128xi32, #tpu.memory_space<vmem>>
    %dma_wait3A_56 = tpu.memref_squeeze %dma_wait3A_55 : memref<1x128xi32, #tpu.memory_space<vmem>> -> memref<128xi32, #tpu.memory_space<vmem>>
    %dma_wait3A_57 = arith.constant 0 : i32
    %dma_wait3A_58 = arith.constant 0 : i32
    %dma_wait3A_59 = tpu.memref_slice %arg2[%dma_wait3A_57, %dma_wait3A_58] : memref<10240x128xf32, #tpu.memory_space<hbm>> -> memref<10240x128xf32, #tpu.memory_space<hbm>>
    tpu.wait_indirect_dma semaphore(%arg12 : memref<!tpu.dma_semaphore, #tpu.memory_space<semaphore_mem>>) src(%dma_wait3A_59 : memref<10240x128xf32, #tpu.memory_space<hbm>>) dst(%arg9 : memref<128x128xf32, #tpu.memory_space<vmem>>)
    %run_scoped3A_60 = arith.constant 38 : i32
    "tpu.region"() ({
      %run_scoped3A_70 = tpu.sem_alloc : memref<!tpu.dma_semaphore, #tpu.memory_space<semaphore_mem>>
      %dma_start3A_71 = arith.constant 0 : i32
      %dma_start3A_72 = tpu.memref_slice %arg8[%run_scoped3A_60, %dma_start3A_71] : memref<40x128xi32, #tpu.memory_space<vmem>> -> memref<1x128xi32, #tpu.memory_space<vmem>>
      %dma_start3A_73 = tpu.memref_squeeze %dma_start3A_72 : memref<1x128xi32, #tpu.memory_space<vmem>> -> memref<128xi32, #tpu.memory_space<vmem>>
      %dma_start3A_74 = arith.constant 0 : i32
      %dma_start3A_75 = arith.constant 0 : i32
      %dma_start3A_76 = tpu.memref_slice %arg11[%dma_start3A_74, %dma_start3A_75] : memref<10240x128xf32, #tpu.memory_space<vmem_shared>> -> memref<10240x128xf32, #tpu.memory_space<vmem_shared>>
      tpu.enqueue_indirect_dma source(%arg9 : memref<128x128xf32, #tpu.memory_space<vmem>>) target(%dma_start3A_76 : memref<10240x128xf32, #tpu.memory_space<vmem_shared>>) offsets(%dma_start3A_73 : memref<128xi32, #tpu.memory_space<vmem>>) semaphore(%run_scoped3A_70 : memref<!tpu.dma_semaphore, #tpu.memory_space<semaphore_mem>>) {add = true}
      %dma_wait3A_77 = arith.constant 0 : i32
      %dma_wait3A_78 = tpu.memref_slice %arg8[%run_scoped3A_60, %dma_wait3A_77] : memref<40x128xi32, #tpu.memory_space<vmem>> -> memref<1x128xi32, #tpu.memory_space<vmem>>
      %dma_wait3A_79 = tpu.memref_squeeze %dma_wait3A_78 : memref<1x128xi32, #tpu.memory_space<vmem>> -> memref<128xi32, #tpu.memory_space<vmem>>
      %dma_wait3A_80 = arith.constant 0 : i32
      %dma_wait3A_81 = arith.constant 0 : i32
      %dma_wait3A_82 = tpu.memref_slice %arg11[%dma_wait3A_80, %dma_wait3A_81] : memref<10240x128xf32, #tpu.memory_space<vmem_shared>> -> memref<10240x128xf32, #tpu.memory_space<vmem_shared>>
      tpu.wait_indirect_dma semaphore(%run_scoped3A_70 : memref<!tpu.dma_semaphore, #tpu.memory_space<semaphore_mem>>) src(%arg9 : memref<128x128xf32, #tpu.memory_space<vmem>>) dst(%dma_wait3A_82 : memref<10240x128xf32, #tpu.memory_space<vmem_shared>>)
      tpu.yield
    }) : () -> ()
    %dma_wait3A_61 = arith.constant 39 : i32
    %dma_wait3A_62 = arith.constant 0 : i32
    %dma_wait3A_63 = tpu.memref_slice %arg7[%dma_wait3A_61, %dma_wait3A_62] : memref<40x128xi32, #tpu.memory_space<vmem>> -> memref<1x128xi32, #tpu.memory_space<vmem>>
    %dma_wait3A_64 = tpu.memref_squeeze %dma_wait3A_63 : memref<1x128xi32, #tpu.memory_space<vmem>> -> memref<128xi32, #tpu.memory_space<vmem>>
    %dma_wait3A_65 = arith.constant 0 : i32
    %dma_wait3A_66 = arith.constant 0 : i32
    %dma_wait3A_67 = tpu.memref_slice %arg2[%dma_wait3A_65, %dma_wait3A_66] : memref<10240x128xf32, #tpu.memory_space<hbm>> -> memref<10240x128xf32, #tpu.memory_space<hbm>>
    tpu.wait_indirect_dma semaphore(%arg13 : memref<!tpu.dma_semaphore, #tpu.memory_space<semaphore_mem>>) src(%dma_wait3A_67 : memref<10240x128xf32, #tpu.memory_space<hbm>>) dst(%arg10 : memref<128x128xf32, #tpu.memory_space<vmem>>)
    %run_scoped3A_68 = arith.constant 39 : i32
    "tpu.region"() ({
      %run_scoped3A_70 = tpu.sem_alloc : memref<!tpu.dma_semaphore, #tpu.memory_space<semaphore_mem>>
      %dma_start3A_71 = arith.constant 0 : i32
      %dma_start3A_72 = tpu.memref_slice %arg8[%run_scoped3A_68, %dma_start3A_71] : memref<40x128xi32, #tpu.memory_space<vmem>> -> memref<1x128xi32, #tpu.memory_space<vmem>>
      %dma_start3A_73 = tpu.memref_squeeze %dma_start3A_72 : memref<1x128xi32, #tpu.memory_space<vmem>> -> memref<128xi32, #tpu.memory_space<vmem>>
      %dma_start3A_74 = arith.constant 0 : i32
      %dma_start3A_75 = arith.constant 0 : i32
      %dma_start3A_76 = tpu.memref_slice %arg11[%dma_start3A_74, %dma_start3A_75] : memref<10240x128xf32, #tpu.memory_space<vmem_shared>> -> memref<10240x128xf32, #tpu.memory_space<vmem_shared>>
      tpu.enqueue_indirect_dma source(%arg10 : memref<128x128xf32, #tpu.memory_space<vmem>>) target(%dma_start3A_76 : memref<10240x128xf32, #tpu.memory_space<vmem_shared>>) offsets(%dma_start3A_73 : memref<128xi32, #tpu.memory_space<vmem>>) semaphore(%run_scoped3A_70 : memref<!tpu.dma_semaphore, #tpu.memory_space<semaphore_mem>>) {add = true}
      %dma_wait3A_77 = arith.constant 0 : i32
      %dma_wait3A_78 = tpu.memref_slice %arg8[%run_scoped3A_68, %dma_wait3A_77] : memref<40x128xi32, #tpu.memory_space<vmem>> -> memref<1x128xi32, #tpu.memory_space<vmem>>
      %dma_wait3A_79 = tpu.memref_squeeze %dma_wait3A_78 : memref<1x128xi32, #tpu.memory_space<vmem>> -> memref<128xi32, #tpu.memory_space<vmem>>
      %dma_wait3A_80 = arith.constant 0 : i32
      %dma_wait3A_81 = arith.constant 0 : i32
      %dma_wait3A_82 = tpu.memref_slice %arg11[%dma_wait3A_80, %dma_wait3A_81] : memref<10240x128xf32, #tpu.memory_space<vmem_shared>> -> memref<10240x128xf32, #tpu.memory_space<vmem_shared>>
      tpu.wait_indirect_dma semaphore(%run_scoped3A_70 : memref<!tpu.dma_semaphore, #tpu.memory_space<semaphore_mem>>) src(%arg10 : memref<128x128xf32, #tpu.memory_space<vmem>>) dst(%dma_wait3A_82 : memref<10240x128xf32, #tpu.memory_space<vmem_shared>>)
      tpu.yield
    }) : () -> ()
    %barrier3A_69 = arith.constant 0 : index
    tpu.barrier barrier_id(%barrier3A_69)
    "tpu.region"() ({
      %run_scoped3A_70 = tpu.sem_alloc : memref<!tpu.dma_semaphore, #tpu.memory_space<semaphore_mem>>
      %dma_start3A_71 = arith.constant 0 : i32
      %dma_start3A_72 = arith.constant 0 : i32
      %dma_start3A_73 = tpu.memref_slice %arg6[%arg0, %dma_start3A_71, %dma_start3A_72] : memref<2x10240x128xf32, #tpu.memory_space<hbm>> -> memref<1x10240x128xf32, #tpu.memory_space<hbm>>
      %dma_start3A_74 = tpu.memref_squeeze %dma_start3A_73 : memref<1x10240x128xf32, #tpu.memory_space<hbm>> -> memref<10240x128xf32, #tpu.memory_space<hbm>>
      %dma_start3A_75 = arith.constant 0 : i32
      %dma_start3A_76 = tpu.memref_slice %dma_start3A_74[%mul3A_2, %dma_start3A_75] : memref<10240x128xf32, #tpu.memory_space<hbm>> -> memref<640x128xf32, #tpu.memory_space<hbm>>
      %dma_start3A_77 = arith.constant 0 : i32
      %dma_start3A_78 = tpu.memref_slice %arg11[%mul3A_2, %dma_start3A_77] : memref<10240x128xf32, #tpu.memory_space<vmem_shared>> -> memref<640x128xf32, #tpu.memory_space<vmem_shared>>
      tpu.enqueue_dma source(%dma_start3A_78 : memref<640x128xf32, #tpu.memory_space<vmem_shared>>) target(%dma_start3A_76 : memref<640x128xf32, #tpu.memory_space<hbm>>) target_semaphore(%run_scoped3A_70 : memref<!tpu.dma_semaphore, #tpu.memory_space<semaphore_mem>>)
      %dma_wait3A_79 = arith.constant 0 : i32
      %dma_wait3A_80 = arith.constant 0 : i32
      %dma_wait3A_81 = tpu.memref_slice %arg6[%arg0, %dma_wait3A_79, %dma_wait3A_80] : memref<2x10240x128xf32, #tpu.memory_space<hbm>> -> memref<1x10240x128xf32, #tpu.memory_space<hbm>>
      %dma_wait3A_82 = tpu.memref_squeeze %dma_wait3A_81 : memref<1x10240x128xf32, #tpu.memory_space<hbm>> -> memref<10240x128xf32, #tpu.memory_space<hbm>>
      %dma_wait3A_83 = arith.constant 0 : i32
      %dma_wait3A_84 = tpu.memref_slice %dma_wait3A_82[%mul3A_2, %dma_wait3A_83] : memref<10240x128xf32, #tpu.memory_space<hbm>> -> memref<640x128xf32, #tpu.memory_space<hbm>>
      %dma_wait3A_85 = arith.constant 0 : i32
      %dma_wait3A_86 = tpu.memref_slice %arg11[%mul3A_2, %dma_wait3A_85] : memref<10240x128xf32, #tpu.memory_space<vmem_shared>> -> memref<640x128xf32, #tpu.memory_space<vmem_shared>>
      tpu.wait_dma2 semaphore(%run_scoped3A_70 : memref<!tpu.dma_semaphore, #tpu.memory_space<semaphore_mem>>) src(%dma_wait3A_86 : memref<640x128xf32, #tpu.memory_space<vmem_shared>>) dst(%dma_wait3A_84 : memref<640x128xf32, #tpu.memory_space<hbm>>)
      tpu.yield
    }) : () -> ()
    return
  }
}

#map = affine_map<(d0, d1) -> (0, 0, 0)>
#map1 = affine_map<(d0, d1) -> (0, 0)>
module attributes {stable_mosaic.version = 14 : i64} {
  func.func @k(%arg0: i32, %arg1: i32, %arg2: memref<32x80x128xi32, #tpu.memory_space<hbm>>, %arg3: memref<128x16xf32, #tpu.memory_space<hbm>>, %arg4: memref<640x16xf32, #tpu.memory_space<hbm>>, %arg5: memref<2x10240x16xf32, #tpu.memory_space<hbm>>, %arg6: memref<80x128xi32, #tpu.memory_space<vmem>>, %arg7: memref<128x16xf32, #tpu.memory_space<vmem>>, %arg8: memref<10240x16xf32, #tpu.memory_space<vmem_shared>>) attributes {dimension_semantics = [#tpu.dimension_semantics<core_parallel>, #tpu.dimension_semantics<subcore_parallel>], iteration_bounds = array<i64: 2, 16>, scalar_prefetch = 0 : i64, scratch_operands = 3 : i64, tpu.core_type = #tpu.core_type<sc_vector_subcore>, window_params = [{transform_indices = #map}, {transform_indices = #map1}, {transform_indices = #map1}, {transform_indices = #map}]} {
    %mul3A = arith.constant 16 : i32
    %mul3A_0 = arith.muli %arg0, %mul3A : i32
    %add3A = arith.addi %mul3A_0, %arg1 : i32
    %mul3A_1 = arith.constant 640 : i32
    %mul3A_2 = arith.muli %arg1, %mul3A_1 : i32
    "tpu.region"() ({
      %run_scoped3A = tpu.sem_alloc : memref<!tpu.dma_semaphore, #tpu.memory_space<semaphore_mem>>
      %dma_start3A = arith.constant 0 : i32
      %dma_start3A_8 = tpu.memref_slice %arg8[%mul3A_2, %dma_start3A] : memref<10240x16xf32, #tpu.memory_space<vmem_shared>> -> memref<640x16xf32, #tpu.memory_space<vmem_shared>>
      tpu.enqueue_dma source(%arg4 : memref<640x16xf32, #tpu.memory_space<hbm>>) target(%dma_start3A_8 : memref<640x16xf32, #tpu.memory_space<vmem_shared>>) target_semaphore(%run_scoped3A : memref<!tpu.dma_semaphore, #tpu.memory_space<semaphore_mem>>)
      %dma_wait3A = arith.constant 0 : i32
      %dma_wait3A_9 = tpu.memref_slice %arg8[%mul3A_2, %dma_wait3A] : memref<10240x16xf32, #tpu.memory_space<vmem_shared>> -> memref<640x16xf32, #tpu.memory_space<vmem_shared>>
      tpu.wait_dma2 semaphore(%run_scoped3A : memref<!tpu.dma_semaphore, #tpu.memory_space<semaphore_mem>>) src(%arg4 : memref<640x16xf32, #tpu.memory_space<hbm>>) dst(%dma_wait3A_9 : memref<640x16xf32, #tpu.memory_space<vmem_shared>>)
      tpu.yield
    }) : () -> ()
    "tpu.region"() ({
      %run_scoped3A = tpu.sem_alloc : memref<!tpu.dma_semaphore, #tpu.memory_space<semaphore_mem>>
      tpu.enqueue_dma source(%arg3 : memref<128x16xf32, #tpu.memory_space<hbm>>) target(%arg7 : memref<128x16xf32, #tpu.memory_space<vmem>>) target_semaphore(%run_scoped3A : memref<!tpu.dma_semaphore, #tpu.memory_space<semaphore_mem>>)
      tpu.wait_dma2 semaphore(%run_scoped3A : memref<!tpu.dma_semaphore, #tpu.memory_space<semaphore_mem>>) src(%arg3 : memref<128x16xf32, #tpu.memory_space<hbm>>) dst(%arg7 : memref<128x16xf32, #tpu.memory_space<vmem>>)
      tpu.yield
    }) : () -> ()
    "tpu.region"() ({
      %run_scoped3A = tpu.sem_alloc : memref<!tpu.dma_semaphore, #tpu.memory_space<semaphore_mem>>
      %dma_start3A = arith.constant 0 : i32
      %dma_start3A_8 = arith.constant 0 : i32
      %dma_start3A_9 = tpu.memref_slice %arg2[%add3A, %dma_start3A, %dma_start3A_8] : memref<32x80x128xi32, #tpu.memory_space<hbm>> -> memref<1x80x128xi32, #tpu.memory_space<hbm>>
      %dma_start3A_10 = tpu.memref_squeeze %dma_start3A_9 : memref<1x80x128xi32, #tpu.memory_space<hbm>> -> memref<80x128xi32, #tpu.memory_space<hbm>>
      %dma_start3A_11 = arith.constant 0 : i32
      %dma_start3A_12 = arith.constant 0 : i32
      %dma_start3A_13 = tpu.memref_slice %arg2[%add3A, %dma_start3A_11, %dma_start3A_12] : memref<32x80x128xi32, #tpu.memory_space<hbm>> -> memref<1x80x128xi32, #tpu.memory_space<hbm>>
      %dma_start3A_14 = tpu.memref_squeeze %dma_start3A_13 : memref<1x80x128xi32, #tpu.memory_space<hbm>> -> memref<80x128xi32, #tpu.memory_space<hbm>>
      tpu.enqueue_dma source(%dma_start3A_14 : memref<80x128xi32, #tpu.memory_space<hbm>>) target(%arg6 : memref<80x128xi32, #tpu.memory_space<vmem>>) target_semaphore(%run_scoped3A : memref<!tpu.dma_semaphore, #tpu.memory_space<semaphore_mem>>)
      %dma_wait3A = arith.constant 0 : i32
      %dma_wait3A_15 = arith.constant 0 : i32
      %dma_wait3A_16 = tpu.memref_slice %arg2[%add3A, %dma_wait3A, %dma_wait3A_15] : memref<32x80x128xi32, #tpu.memory_space<hbm>> -> memref<1x80x128xi32, #tpu.memory_space<hbm>>
      %dma_wait3A_17 = tpu.memref_squeeze %dma_wait3A_16 : memref<1x80x128xi32, #tpu.memory_space<hbm>> -> memref<80x128xi32, #tpu.memory_space<hbm>>
      %dma_wait3A_18 = arith.constant 0 : i32
      %dma_wait3A_19 = arith.constant 0 : i32
      %dma_wait3A_20 = tpu.memref_slice %arg2[%add3A, %dma_wait3A_18, %dma_wait3A_19] : memref<32x80x128xi32, #tpu.memory_space<hbm>> -> memref<1x80x128xi32, #tpu.memory_space<hbm>>
      %dma_wait3A_21 = tpu.memref_squeeze %dma_wait3A_20 : memref<1x80x128xi32, #tpu.memory_space<hbm>> -> memref<80x128xi32, #tpu.memory_space<hbm>>
      tpu.wait_dma2 semaphore(%run_scoped3A : memref<!tpu.dma_semaphore, #tpu.memory_space<semaphore_mem>>) src(%dma_wait3A_21 : memref<80x128xi32, #tpu.memory_space<hbm>>) dst(%arg6 : memref<80x128xi32, #tpu.memory_space<vmem>>)
      tpu.yield
    }) : () -> ()
    %barrier3A = arith.constant 0 : index
    tpu.barrier barrier_id(%barrier3A)
    %scan3A = arith.constant 0 : i32
    %scan3A_3 = arith.constant 80 : i32
    %scan3A_4 = arith.addi %scan3A, %scan3A_3 : i32
    %scan3A_5 = arith.constant 1 : i32
    scf.for %scan3A_8 = %scan3A to %scan3A_4 step %scan3A_5  : i32 {
      %mul3A_9 = arith.constant 1 : i32
      %mul3A_10 = arith.muli %scan3A_8, %mul3A_9 : i32
      %add3A_11 = arith.constant 0 : i32
      %add3A_12 = arith.addi %add3A_11, %mul3A_10 : i32
      "tpu.region"() ({
        %run_scoped3A = tpu.sem_alloc : memref<!tpu.dma_semaphore, #tpu.memory_space<semaphore_mem>>
        %dma_start3A = arith.constant 0 : i32
        %dma_start3A_13 = tpu.memref_slice %arg6[%add3A_12, %dma_start3A] : memref<80x128xi32, #tpu.memory_space<vmem>> -> memref<1x128xi32, #tpu.memory_space<vmem>>
        %dma_start3A_14 = tpu.memref_squeeze %dma_start3A_13 : memref<1x128xi32, #tpu.memory_space<vmem>> -> memref<128xi32, #tpu.memory_space<vmem>>
        %dma_start3A_15 = arith.constant 0 : i32
        %dma_start3A_16 = arith.constant 0 : i32
        %dma_start3A_17 = tpu.memref_slice %arg8[%dma_start3A_15, %dma_start3A_16] : memref<10240x16xf32, #tpu.memory_space<vmem_shared>> -> memref<10240x16xf32, #tpu.memory_space<vmem_shared>>
        tpu.enqueue_indirect_dma source(%arg7 : memref<128x16xf32, #tpu.memory_space<vmem>>) target(%dma_start3A_17 : memref<10240x16xf32, #tpu.memory_space<vmem_shared>>) offsets(%dma_start3A_14 : memref<128xi32, #tpu.memory_space<vmem>>) semaphore(%run_scoped3A : memref<!tpu.dma_semaphore, #tpu.memory_space<semaphore_mem>>) {add = true}
        %dma_wait3A = arith.constant 0 : i32
        %dma_wait3A_18 = tpu.memref_slice %arg6[%add3A_12, %dma_wait3A] : memref<80x128xi32, #tpu.memory_space<vmem>> -> memref<1x128xi32, #tpu.memory_space<vmem>>
        %dma_wait3A_19 = tpu.memref_squeeze %dma_wait3A_18 : memref<1x128xi32, #tpu.memory_space<vmem>> -> memref<128xi32, #tpu.memory_space<vmem>>
        %dma_wait3A_20 = arith.constant 0 : i32
        %dma_wait3A_21 = arith.constant 0 : i32
        %dma_wait3A_22 = tpu.memref_slice %arg8[%dma_wait3A_20, %dma_wait3A_21] : memref<10240x16xf32, #tpu.memory_space<vmem_shared>> -> memref<10240x16xf32, #tpu.memory_space<vmem_shared>>
        tpu.wait_indirect_dma semaphore(%run_scoped3A : memref<!tpu.dma_semaphore, #tpu.memory_space<semaphore_mem>>) src(%arg7 : memref<128x16xf32, #tpu.memory_space<vmem>>) dst(%dma_wait3A_22 : memref<10240x16xf32, #tpu.memory_space<vmem_shared>>)
        tpu.yield
      }) : () -> ()
    }
    %scan3A_6 = arith.constant 80 : i32
    %barrier3A_7 = arith.constant 0 : index
    tpu.barrier barrier_id(%barrier3A_7)
    "tpu.region"() ({
      %run_scoped3A = tpu.sem_alloc : memref<!tpu.dma_semaphore, #tpu.memory_space<semaphore_mem>>
      %dma_start3A = arith.constant 0 : i32
      %dma_start3A_8 = arith.constant 0 : i32
      %dma_start3A_9 = tpu.memref_slice %arg5[%arg0, %dma_start3A, %dma_start3A_8] : memref<2x10240x16xf32, #tpu.memory_space<hbm>> -> memref<1x10240x16xf32, #tpu.memory_space<hbm>>
      %dma_start3A_10 = tpu.memref_squeeze %dma_start3A_9 : memref<1x10240x16xf32, #tpu.memory_space<hbm>> -> memref<10240x16xf32, #tpu.memory_space<hbm>>
      %dma_start3A_11 = arith.constant 0 : i32
      %dma_start3A_12 = tpu.memref_slice %dma_start3A_10[%mul3A_2, %dma_start3A_11] : memref<10240x16xf32, #tpu.memory_space<hbm>> -> memref<640x16xf32, #tpu.memory_space<hbm>>
      %dma_start3A_13 = arith.constant 0 : i32
      %dma_start3A_14 = tpu.memref_slice %arg8[%mul3A_2, %dma_start3A_13] : memref<10240x16xf32, #tpu.memory_space<vmem_shared>> -> memref<640x16xf32, #tpu.memory_space<vmem_shared>>
      tpu.enqueue_dma source(%dma_start3A_14 : memref<640x16xf32, #tpu.memory_space<vmem_shared>>) target(%dma_start3A_12 : memref<640x16xf32, #tpu.memory_space<hbm>>) target_semaphore(%run_scoped3A : memref<!tpu.dma_semaphore, #tpu.memory_space<semaphore_mem>>)
      %dma_wait3A = arith.constant 0 : i32
      %dma_wait3A_15 = arith.constant 0 : i32
      %dma_wait3A_16 = tpu.memref_slice %arg5[%arg0, %dma_wait3A, %dma_wait3A_15] : memref<2x10240x16xf32, #tpu.memory_space<hbm>> -> memref<1x10240x16xf32, #tpu.memory_space<hbm>>
      %dma_wait3A_17 = tpu.memref_squeeze %dma_wait3A_16 : memref<1x10240x16xf32, #tpu.memory_space<hbm>> -> memref<10240x16xf32, #tpu.memory_space<hbm>>
      %dma_wait3A_18 = arith.constant 0 : i32
      %dma_wait3A_19 = tpu.memref_slice %dma_wait3A_17[%mul3A_2, %dma_wait3A_18] : memref<10240x16xf32, #tpu.memory_space<hbm>> -> memref<640x16xf32, #tpu.memory_space<hbm>>
      %dma_wait3A_20 = arith.constant 0 : i32
      %dma_wait3A_21 = tpu.memref_slice %arg8[%mul3A_2, %dma_wait3A_20] : memref<10240x16xf32, #tpu.memory_space<vmem_shared>> -> memref<640x16xf32, #tpu.memory_space<vmem_shared>>
      tpu.wait_dma2 semaphore(%run_scoped3A : memref<!tpu.dma_semaphore, #tpu.memory_space<semaphore_mem>>) src(%dma_wait3A_21 : memref<640x16xf32, #tpu.memory_space<vmem_shared>>) dst(%dma_wait3A_19 : memref<640x16xf32, #tpu.memory_space<hbm>>)
      tpu.yield
    }) : () -> ()
    return
  }
}

#map = affine_map<(d0, d1) -> (0, 0, 0)>
#map1 = affine_map<(d0, d1) -> (0, 0)>
module attributes {stable_mosaic.version = 14 : i64} {
  func.func @k(%arg0: i32, %arg1: i32, %arg2: memref<32x80x128xi32, #tpu.memory_space<hbm>>, %arg3: memref<128x16xf32, #tpu.memory_space<hbm>>, %arg4: memref<640x16xf32, #tpu.memory_space<hbm>>, %arg5: memref<2x10240x16xf32, #tpu.memory_space<hbm>>, %arg6: memref<80x128xi32, #tpu.memory_space<vmem>>, %arg7: memref<128x16xf32, #tpu.memory_space<vmem>>, %arg8: memref<10240x16xf32, #tpu.memory_space<vmem_shared>>) attributes {dimension_semantics = [#tpu.dimension_semantics<core_parallel>, #tpu.dimension_semantics<subcore_parallel>], iteration_bounds = array<i64: 2, 16>, scalar_prefetch = 0 : i64, scratch_operands = 3 : i64, tpu.core_type = #tpu.core_type<sc_vector_subcore>, window_params = [{transform_indices = #map}, {transform_indices = #map1}, {transform_indices = #map1}, {transform_indices = #map}]} {
    %mul3A = arith.constant 16 : i32
    %mul3A_0 = arith.muli %arg0, %mul3A : i32
    %add3A = arith.addi %mul3A_0, %arg1 : i32
    %mul3A_1 = arith.constant 640 : i32
    %mul3A_2 = arith.muli %arg1, %mul3A_1 : i32
    "tpu.region"() ({
      %run_scoped3A = tpu.sem_alloc : memref<!tpu.dma_semaphore, #tpu.memory_space<semaphore_mem>>
      %dma_start3A = arith.constant 0 : i32
      %dma_start3A_8 = tpu.memref_slice %arg8[%mul3A_2, %dma_start3A] : memref<10240x16xf32, #tpu.memory_space<vmem_shared>> -> memref<640x16xf32, #tpu.memory_space<vmem_shared>>
      tpu.enqueue_dma source(%arg4 : memref<640x16xf32, #tpu.memory_space<hbm>>) target(%dma_start3A_8 : memref<640x16xf32, #tpu.memory_space<vmem_shared>>) target_semaphore(%run_scoped3A : memref<!tpu.dma_semaphore, #tpu.memory_space<semaphore_mem>>)
      %dma_wait3A = arith.constant 0 : i32
      %dma_wait3A_9 = tpu.memref_slice %arg8[%mul3A_2, %dma_wait3A] : memref<10240x16xf32, #tpu.memory_space<vmem_shared>> -> memref<640x16xf32, #tpu.memory_space<vmem_shared>>
      tpu.wait_dma2 semaphore(%run_scoped3A : memref<!tpu.dma_semaphore, #tpu.memory_space<semaphore_mem>>) src(%arg4 : memref<640x16xf32, #tpu.memory_space<hbm>>) dst(%dma_wait3A_9 : memref<640x16xf32, #tpu.memory_space<vmem_shared>>)
      tpu.yield
    }) : () -> ()
    "tpu.region"() ({
      %run_scoped3A = tpu.sem_alloc : memref<!tpu.dma_semaphore, #tpu.memory_space<semaphore_mem>>
      tpu.enqueue_dma source(%arg3 : memref<128x16xf32, #tpu.memory_space<hbm>>) target(%arg7 : memref<128x16xf32, #tpu.memory_space<vmem>>) target_semaphore(%run_scoped3A : memref<!tpu.dma_semaphore, #tpu.memory_space<semaphore_mem>>)
      tpu.wait_dma2 semaphore(%run_scoped3A : memref<!tpu.dma_semaphore, #tpu.memory_space<semaphore_mem>>) src(%arg3 : memref<128x16xf32, #tpu.memory_space<hbm>>) dst(%arg7 : memref<128x16xf32, #tpu.memory_space<vmem>>)
      tpu.yield
    }) : () -> ()
    "tpu.region"() ({
      %run_scoped3A = tpu.sem_alloc : memref<!tpu.dma_semaphore, #tpu.memory_space<semaphore_mem>>
      %dma_start3A = arith.constant 0 : i32
      %dma_start3A_8 = arith.constant 0 : i32
      %dma_start3A_9 = tpu.memref_slice %arg2[%add3A, %dma_start3A, %dma_start3A_8] : memref<32x80x128xi32, #tpu.memory_space<hbm>> -> memref<1x80x128xi32, #tpu.memory_space<hbm>>
      %dma_start3A_10 = tpu.memref_squeeze %dma_start3A_9 : memref<1x80x128xi32, #tpu.memory_space<hbm>> -> memref<80x128xi32, #tpu.memory_space<hbm>>
      %dma_start3A_11 = arith.constant 0 : i32
      %dma_start3A_12 = arith.constant 0 : i32
      %dma_start3A_13 = tpu.memref_slice %arg2[%add3A, %dma_start3A_11, %dma_start3A_12] : memref<32x80x128xi32, #tpu.memory_space<hbm>> -> memref<1x80x128xi32, #tpu.memory_space<hbm>>
      %dma_start3A_14 = tpu.memref_squeeze %dma_start3A_13 : memref<1x80x128xi32, #tpu.memory_space<hbm>> -> memref<80x128xi32, #tpu.memory_space<hbm>>
      tpu.enqueue_dma source(%dma_start3A_14 : memref<80x128xi32, #tpu.memory_space<hbm>>) target(%arg6 : memref<80x128xi32, #tpu.memory_space<vmem>>) target_semaphore(%run_scoped3A : memref<!tpu.dma_semaphore, #tpu.memory_space<semaphore_mem>>)
      %dma_wait3A = arith.constant 0 : i32
      %dma_wait3A_15 = arith.constant 0 : i32
      %dma_wait3A_16 = tpu.memref_slice %arg2[%add3A, %dma_wait3A, %dma_wait3A_15] : memref<32x80x128xi32, #tpu.memory_space<hbm>> -> memref<1x80x128xi32, #tpu.memory_space<hbm>>
      %dma_wait3A_17 = tpu.memref_squeeze %dma_wait3A_16 : memref<1x80x128xi32, #tpu.memory_space<hbm>> -> memref<80x128xi32, #tpu.memory_space<hbm>>
      %dma_wait3A_18 = arith.constant 0 : i32
      %dma_wait3A_19 = arith.constant 0 : i32
      %dma_wait3A_20 = tpu.memref_slice %arg2[%add3A, %dma_wait3A_18, %dma_wait3A_19] : memref<32x80x128xi32, #tpu.memory_space<hbm>> -> memref<1x80x128xi32, #tpu.memory_space<hbm>>
      %dma_wait3A_21 = tpu.memref_squeeze %dma_wait3A_20 : memref<1x80x128xi32, #tpu.memory_space<hbm>> -> memref<80x128xi32, #tpu.memory_space<hbm>>
      tpu.wait_dma2 semaphore(%run_scoped3A : memref<!tpu.dma_semaphore, #tpu.memory_space<semaphore_mem>>) src(%dma_wait3A_21 : memref<80x128xi32, #tpu.memory_space<hbm>>) dst(%arg6 : memref<80x128xi32, #tpu.memory_space<vmem>>)
      tpu.yield
    }) : () -> ()
    %barrier3A = arith.constant 0 : index
    tpu.barrier barrier_id(%barrier3A)
    %scan3A = arith.constant 0 : i32
    %scan3A_3 = arith.constant 80 : i32
    %scan3A_4 = arith.addi %scan3A, %scan3A_3 : i32
    %scan3A_5 = arith.constant 1 : i32
    scf.for %scan3A_8 = %scan3A to %scan3A_4 step %scan3A_5  : i32 {
      %mul3A_9 = arith.constant 1 : i32
      %mul3A_10 = arith.muli %scan3A_8, %mul3A_9 : i32
      %add3A_11 = arith.constant 0 : i32
      %add3A_12 = arith.addi %add3A_11, %mul3A_10 : i32
      "tpu.region"() ({
        %run_scoped3A = tpu.sem_alloc : memref<!tpu.dma_semaphore, #tpu.memory_space<semaphore_mem>>
        %dma_start3A = arith.constant 0 : i32
        %dma_start3A_13 = tpu.memref_slice %arg6[%add3A_12, %dma_start3A] : memref<80x128xi32, #tpu.memory_space<vmem>> -> memref<1x128xi32, #tpu.memory_space<vmem>>
        %dma_start3A_14 = tpu.memref_squeeze %dma_start3A_13 : memref<1x128xi32, #tpu.memory_space<vmem>> -> memref<128xi32, #tpu.memory_space<vmem>>
        %dma_start3A_15 = arith.constant 0 : i32
        %dma_start3A_16 = arith.constant 0 : i32
        %dma_start3A_17 = tpu.memref_slice %arg8[%dma_start3A_15, %dma_start3A_16] : memref<10240x16xf32, #tpu.memory_space<vmem_shared>> -> memref<10240x16xf32, #tpu.memory_space<vmem_shared>>
        tpu.enqueue_indirect_dma source(%arg7 : memref<128x16xf32, #tpu.memory_space<vmem>>) target(%dma_start3A_17 : memref<10240x16xf32, #tpu.memory_space<vmem_shared>>) offsets(%dma_start3A_14 : memref<128xi32, #tpu.memory_space<vmem>>) semaphore(%run_scoped3A : memref<!tpu.dma_semaphore, #tpu.memory_space<semaphore_mem>>) {add = true}
        %dma_wait3A = arith.constant 0 : i32
        %dma_wait3A_18 = tpu.memref_slice %arg6[%add3A_12, %dma_wait3A] : memref<80x128xi32, #tpu.memory_space<vmem>> -> memref<1x128xi32, #tpu.memory_space<vmem>>
        %dma_wait3A_19 = tpu.memref_squeeze %dma_wait3A_18 : memref<1x128xi32, #tpu.memory_space<vmem>> -> memref<128xi32, #tpu.memory_space<vmem>>
        %dma_wait3A_20 = arith.constant 0 : i32
        %dma_wait3A_21 = arith.constant 0 : i32
        %dma_wait3A_22 = tpu.memref_slice %arg8[%dma_wait3A_20, %dma_wait3A_21] : memref<10240x16xf32, #tpu.memory_space<vmem_shared>> -> memref<10240x16xf32, #tpu.memory_space<vmem_shared>>
        tpu.wait_indirect_dma semaphore(%run_scoped3A : memref<!tpu.dma_semaphore, #tpu.memory_space<semaphore_mem>>) src(%arg7 : memref<128x16xf32, #tpu.memory_space<vmem>>) dst(%dma_wait3A_22 : memref<10240x16xf32, #tpu.memory_space<vmem_shared>>)
        tpu.yield
      }) : () -> ()
    }
    %scan3A_6 = arith.constant 80 : i32
    %barrier3A_7 = arith.constant 0 : index
    tpu.barrier barrier_id(%barrier3A_7)
    "tpu.region"() ({
      %run_scoped3A = tpu.sem_alloc : memref<!tpu.dma_semaphore, #tpu.memory_space<semaphore_mem>>
      %dma_start3A = arith.constant 0 : i32
      %dma_start3A_8 = arith.constant 0 : i32
      %dma_start3A_9 = tpu.memref_slice %arg5[%arg0, %dma_start3A, %dma_start3A_8] : memref<2x10240x16xf32, #tpu.memory_space<hbm>> -> memref<1x10240x16xf32, #tpu.memory_space<hbm>>
      %dma_start3A_10 = tpu.memref_squeeze %dma_start3A_9 : memref<1x10240x16xf32, #tpu.memory_space<hbm>> -> memref<10240x16xf32, #tpu.memory_space<hbm>>
      %dma_start3A_11 = arith.constant 0 : i32
      %dma_start3A_12 = tpu.memref_slice %dma_start3A_10[%mul3A_2, %dma_start3A_11] : memref<10240x16xf32, #tpu.memory_space<hbm>> -> memref<640x16xf32, #tpu.memory_space<hbm>>
      %dma_start3A_13 = arith.constant 0 : i32
      %dma_start3A_14 = tpu.memref_slice %arg8[%mul3A_2, %dma_start3A_13] : memref<10240x16xf32, #tpu.memory_space<vmem_shared>> -> memref<640x16xf32, #tpu.memory_space<vmem_shared>>
      tpu.enqueue_dma source(%dma_start3A_14 : memref<640x16xf32, #tpu.memory_space<vmem_shared>>) target(%dma_start3A_12 : memref<640x16xf32, #tpu.memory_space<hbm>>) target_semaphore(%run_scoped3A : memref<!tpu.dma_semaphore, #tpu.memory_space<semaphore_mem>>)
      %dma_wait3A = arith.constant 0 : i32
      %dma_wait3A_15 = arith.constant 0 : i32
      %dma_wait3A_16 = tpu.memref_slice %arg5[%arg0, %dma_wait3A, %dma_wait3A_15] : memref<2x10240x16xf32, #tpu.memory_space<hbm>> -> memref<1x10240x16xf32, #tpu.memory_space<hbm>>
      %dma_wait3A_17 = tpu.memref_squeeze %dma_wait3A_16 : memref<1x10240x16xf32, #tpu.memory_space<hbm>> -> memref<10240x16xf32, #tpu.memory_space<hbm>>
      %dma_wait3A_18 = arith.constant 0 : i32
      %dma_wait3A_19 = tpu.memref_slice %dma_wait3A_17[%mul3A_2, %dma_wait3A_18] : memref<10240x16xf32, #tpu.memory_space<hbm>> -> memref<640x16xf32, #tpu.memory_space<hbm>>
      %dma_wait3A_20 = arith.constant 0 : i32
      %dma_wait3A_21 = tpu.memref_slice %arg8[%mul3A_2, %dma_wait3A_20] : memref<10240x16xf32, #tpu.memory_space<vmem_shared>> -> memref<640x16xf32, #tpu.memory_space<vmem_shared>>
      tpu.wait_dma2 semaphore(%run_scoped3A : memref<!tpu.dma_semaphore, #tpu.memory_space<semaphore_mem>>) src(%dma_wait3A_21 : memref<640x16xf32, #tpu.memory_space<vmem_shared>>) dst(%dma_wait3A_19 : memref<640x16xf32, #tpu.memory_space<hbm>>)
      tpu.yield
    }) : () -> ()
    return
  }
}

module attributes {stable_mosaic.version = 14 : i64} {
  func.func @body(%arg0: memref<10240x128xf32, #tpu.memory_space<vmem>>, %arg1: memref<128x128xf32, #tpu.memory_space<vmem>>, %arg2: memref<1x128xf32, #tpu.memory_space<vmem>>, %arg3: memref<10240x128xf32, #tpu.memory_space<vmem>>) attributes {dimension_semantics = [], scalar_prefetch = 0 : i64, scratch_operands = 0 : i64, tpu.core_type = #tpu.core_type<tc>} {
    %get3A = arith.constant 0 : index
    %get3A_0 = arith.constant 0 : index
    %get3A_1 = vector.load %arg0[%get3A, %get3A_0] : memref<10240x128xf32, #tpu.memory_space<vmem>>, vector<10240x128xf32>
    %get3A_2 = arith.constant 0 : index
    %get3A_3 = arith.constant 0 : index
    %get3A_4 = vector.load %arg1[%get3A_2, %get3A_3] : memref<128x128xf32, #tpu.memory_space<vmem>>, vector<128x128xf32>
    %dot_general3A = arith.constant dense<0.000000e+00> : vector<10240x128xf32>
    %dot_general3A_5 = tpu.matmul %get3A_1, %get3A_4, %dot_general3A {dimension_numbers = #tpu.dot_dimension_numbers<[1], [0], [0], [1], [0, 0, 1, 1], [], []>, precision = #tpu.contract_precision<fp32>, transpose_lhs_hint = false} : vector<10240x128xf32>, vector<128x128xf32>, vector<10240x128xf32> -> vector<10240x128xf32>
    %get3A_6 = arith.constant 0 : index
    %get3A_7 = arith.constant 0 : index
    %get3A_8 = vector.load %arg2[%get3A_6, %get3A_7] : memref<1x128xf32, #tpu.memory_space<vmem>>, vector<1x128xf32>
    %add3A = vector.broadcast %get3A_8 : vector<1x128xf32> to vector<10240x128xf32>
    %add3A_9 = arith.addf %dot_general3A_5, %add3A : vector<10240x128xf32>
    %swap3A = arith.constant 0 : index
    %swap3A_10 = arith.constant 0 : index
    %swap3A_11 = vector.load %arg3[%swap3A, %swap3A_10] : memref<10240x128xf32, #tpu.memory_space<vmem>>, vector<10240x128xf32>
    tpu.vector_store %arg3[%swap3A, %swap3A_10], %add3A_9 {strides = array<i32>} : memref<10240x128xf32, #tpu.memory_space<vmem>>, vector<10240x128xf32>,
    return
  }
}

module attributes {stable_mosaic.version = 14 : i64} {
  func.func @body(%arg0: memref<10240x128xf32, #tpu.memory_space<vmem>>, %arg1: memref<2x10240x16xf32, #tpu.memory_space<vmem>>, %arg2: memref<10240x128xf32, #tpu.memory_space<vmem>>) attributes {dimension_semantics = [], scalar_prefetch = 0 : i64, scratch_operands = 0 : i64, tpu.core_type = #tpu.core_type<tc>} {
    %get3A = arith.constant 0 : index
    %get3A_0 = arith.constant 0 : index
    %get3A_1 = vector.load %arg0[%get3A, %get3A_0] : memref<10240x128xf32, #tpu.memory_space<vmem>>, vector<10240x128xf32>
    %get3A_2 = arith.constant 0 : index
    %get3A_3 = arith.constant 0 : index
    %get3A_4 = arith.constant 0 : index
    %get3A_5 = vector.load %arg1[%get3A_2, %get3A_3, %get3A_4] : memref<2x10240x16xf32, #tpu.memory_space<vmem>>, vector<1x10240x16xf32>
    %get3A_6 = vector.shape_cast %get3A_5 : vector<1x10240x16xf32> to vector<10240x16xf32>
    %slice3A = vector.extract_strided_slice %get3A_6 {offsets = [0, 0], sizes = [10240, 1], strides = [1, 1]} : vector<10240x16xf32> to vector<10240x1xf32>
    %get3A_7 = arith.constant 1 : index
    %get3A_8 = arith.constant 0 : index
    %get3A_9 = arith.constant 0 : index
    %get3A_10 = vector.load %arg1[%get3A_7, %get3A_8, %get3A_9] : memref<2x10240x16xf32, #tpu.memory_space<vmem>>, vector<1x10240x16xf32>
    %get3A_11 = vector.shape_cast %get3A_10 : vector<1x10240x16xf32> to vector<10240x16xf32>
    %slice3A_12 = vector.extract_strided_slice %get3A_11 {offsets = [0, 0], sizes = [10240, 1], strides = [1, 1]} : vector<10240x16xf32> to vector<10240x1xf32>
    %add3A = arith.addf %slice3A, %slice3A_12 : vector<10240x1xf32>
    %max3A = arith.constant 1.000000e+00 : f32
    %max3A_13 = vector.broadcast %max3A : f32 to vector<10240x1xf32>
    %max3A_14 = arith.maximumf %add3A, %max3A_13 : vector<10240x1xf32>
    %rsqrt3A = math.rsqrt %max3A_14 : vector<10240x1xf32>
    %mul3A = vector.broadcast %rsqrt3A : vector<10240x1xf32> to vector<10240x128xf32>
    %mul3A_15 = arith.mulf %get3A_1, %mul3A : vector<10240x128xf32>
    %swap3A = arith.constant 0 : index
    %swap3A_16 = arith.constant 0 : index
    %swap3A_17 = vector.load %arg2[%swap3A, %swap3A_16] : memref<10240x128xf32, #tpu.memory_space<vmem>>, vector<10240x128xf32>
    tpu.vector_store %arg2[%swap3A, %swap3A_16], %mul3A_15 {strides = array<i32>} : memref<10240x128xf32, #tpu.memory_space<vmem>>, vector<10240x128xf32>,
    return
  }
}

module attributes {stable_mosaic.version = 14 : i64} {
  func.func @body(%arg0: i32, %arg1: memref<2x2048x128xf32, #tpu.memory_space<vmem>>, %arg2: memref<2x2048x16xf32, #tpu.memory_space<vmem>>, %arg3: memref<2x2048x16xf32, #tpu.memory_space<vmem>>, %arg4: memref<128x64xf32, #tpu.memory_space<vmem>>, %arg5: memref<1x64xf32, #tpu.memory_space<vmem>>, %arg6: memref<2048x64xf32, #tpu.memory_space<vmem>>) attributes {dimension_semantics = [#tpu.dimension_semantics<arbitrary>], iteration_bounds = array<i64: 5>, scalar_prefetch = 0 : i64, scratch_operands = 0 : i64, tpu.core_type = #tpu.core_type<tc>, window_params = [{transform_indices = @transform_0, window_bounds = array<i64: 2, 2048, 128>}, {transform_indices = @transform_1, window_bounds = array<i64: 2, 2048, 16>}, {transform_indices = @transform_2, window_bounds = array<i64: 2, 2048, 16>}, {pipeline_mode = #tpu.pipeline_mode<synchronous>, transform_indices = @transform_3, window_bounds = array<i64: 128, 64>}, {pipeline_mode = #tpu.pipeline_mode<synchronous>, transform_indices = @transform_4, window_bounds = array<i64: 1, 64>}, {transform_indices = @transform_5, window_bounds = array<i64: 2048, 64>}]} {
    %get3A = arith.constant 0 : index
    %get3A_0 = arith.constant 0 : index
    %get3A_1 = arith.constant 0 : index
    %get3A_2 = vector.load %arg2[%get3A, %get3A_0, %get3A_1] : memref<2x2048x16xf32, #tpu.memory_space<vmem>>, vector<1x2048x16xf32>
    %get3A_3 = vector.shape_cast %get3A_2 : vector<1x2048x16xf32> to vector<2048x16xf32>
    %slice3A = vector.extract_strided_slice %get3A_3 {offsets = [0, 0], sizes = [2048, 1], strides = [1, 1]} : vector<2048x16xf32> to vector<2048x1xf32>
    %get3A_4 = arith.constant 1 : index
    %get3A_5 = arith.constant 0 : index
    %get3A_6 = arith.constant 0 : index
    %get3A_7 = vector.load %arg2[%get3A_4, %get3A_5, %get3A_6] : memref<2x2048x16xf32, #tpu.memory_space<vmem>>, vector<1x2048x16xf32>
    %get3A_8 = vector.shape_cast %get3A_7 : vector<1x2048x16xf32> to vector<2048x16xf32>
    %slice3A_9 = vector.extract_strided_slice %get3A_8 {offsets = [0, 0], sizes = [2048, 1], strides = [1, 1]} : vector<2048x16xf32> to vector<2048x1xf32>
    %add3A = arith.addf %slice3A, %slice3A_9 : vector<2048x1xf32>
    %max3A = arith.constant 1.000000e+00 : f32
    %max3A_10 = vector.broadcast %max3A : f32 to vector<2048x1xf32>
    %max3A_11 = arith.maximumf %add3A, %max3A_10 : vector<2048x1xf32>
    %rsqrt3A = math.rsqrt %max3A_11 : vector<2048x1xf32>
    %get3A_12 = arith.constant 0 : index
    %get3A_13 = arith.constant 0 : index
    %get3A_14 = arith.constant 0 : index
    %get3A_15 = vector.load %arg3[%get3A_12, %get3A_13, %get3A_14] : memref<2x2048x16xf32, #tpu.memory_space<vmem>>, vector<1x2048x16xf32>
    %get3A_16 = vector.shape_cast %get3A_15 : vector<1x2048x16xf32> to vector<2048x16xf32>
    %slice3A_17 = vector.extract_strided_slice %get3A_16 {offsets = [0, 0], sizes = [2048, 1], strides = [1, 1]} : vector<2048x16xf32> to vector<2048x1xf32>
    %get3A_18 = arith.constant 1 : index
    %get3A_19 = arith.constant 0 : index
    %get3A_20 = arith.constant 0 : index
    %get3A_21 = vector.load %arg3[%get3A_18, %get3A_19, %get3A_20] : memref<2x2048x16xf32, #tpu.memory_space<vmem>>, vector<1x2048x16xf32>
    %get3A_22 = vector.shape_cast %get3A_21 : vector<1x2048x16xf32> to vector<2048x16xf32>
    %slice3A_23 = vector.extract_strided_slice %get3A_22 {offsets = [0, 0], sizes = [2048, 1], strides = [1, 1]} : vector<2048x16xf32> to vector<2048x1xf32>
    %add3A_24 = arith.addf %slice3A_17, %slice3A_23 : vector<2048x1xf32>
    %max3A_25 = arith.constant 1.000000e+00 : f32
    %max3A_26 = vector.broadcast %max3A_25 : f32 to vector<2048x1xf32>
    %max3A_27 = arith.maximumf %add3A_24, %max3A_26 : vector<2048x1xf32>
    %rsqrt3A_28 = math.rsqrt %max3A_27 : vector<2048x1xf32>
    %get3A_29 = arith.constant 0 : index
    %get3A_30 = arith.constant 0 : index
    %get3A_31 = arith.constant 0 : index
    %get3A_32 = vector.load %arg1[%get3A_29, %get3A_30, %get3A_31] : memref<2x2048x128xf32, #tpu.memory_space<vmem>>, vector<1x2048x128xf32>
    %get3A_33 = vector.shape_cast %get3A_32 : vector<1x2048x128xf32> to vector<2048x128xf32>
    %get3A_34 = arith.constant 1 : index
    %get3A_35 = arith.constant 0 : index
    %get3A_36 = arith.constant 0 : index
    %get3A_37 = vector.load %arg1[%get3A_34, %get3A_35, %get3A_36] : memref<2x2048x128xf32, #tpu.memory_space<vmem>>, vector<1x2048x128xf32>
    %get3A_38 = vector.shape_cast %get3A_37 : vector<1x2048x128xf32> to vector<2048x128xf32>
    %add3A_39 = arith.addf %get3A_33, %get3A_38 : vector<2048x128xf32>
    %mul3A = vector.broadcast %rsqrt3A : vector<2048x1xf32> to vector<2048x128xf32>
    %mul3A_40 = arith.mulf %add3A_39, %mul3A : vector<2048x128xf32>
    %max3A_41 = arith.constant 0.000000e+00 : f32
    %max3A_42 = vector.broadcast %max3A_41 : f32 to vector<2048x128xf32>
    %max3A_43 = arith.maximumf %mul3A_40, %max3A_42 : vector<2048x128xf32>
    %get3A_44 = arith.constant 0 : index
    %get3A_45 = arith.constant 0 : index
    %get3A_46 = vector.load %arg4[%get3A_44, %get3A_45] : memref<128x64xf32, #tpu.memory_space<vmem>>, vector<128x64xf32>
    %dot_general3A = arith.constant dense<0.000000e+00> : vector<2048x64xf32>
    %dot_general3A_47 = tpu.matmul %max3A_43, %get3A_46, %dot_general3A {dimension_numbers = #tpu.dot_dimension_numbers<[1], [0], [0], [1], [0, 0, 1, 1], [], []>, precision = #tpu.contract_precision<fp32>, transpose_lhs_hint = false} : vector<2048x128xf32>, vector<128x64xf32>, vector<2048x64xf32> -> vector<2048x64xf32>
    %get3A_48 = arith.constant 0 : index
    %get3A_49 = arith.constant 0 : index
    %get3A_50 = vector.load %arg5[%get3A_48, %get3A_49] : memref<1x64xf32, #tpu.memory_space<vmem>>, vector<1x64xf32>
    %add3A_51 = vector.broadcast %get3A_50 : vector<1x64xf32> to vector<2048x64xf32>
    %add3A_52 = arith.addf %dot_general3A_47, %add3A_51 : vector<2048x64xf32>
    %mul3A_53 = vector.broadcast %rsqrt3A_28 : vector<2048x1xf32> to vector<2048x64xf32>
    %mul3A_54 = arith.mulf %add3A_52, %mul3A_53 : vector<2048x64xf32>
    %swap3A = arith.constant 0 : index
    %swap3A_55 = arith.constant 0 : index
    %swap3A_56 = vector.load %arg6[%swap3A, %swap3A_55] : memref<2048x64xf32, #tpu.memory_space<vmem>>, vector<2048x64xf32>
    tpu.vector_store %arg6[%swap3A, %swap3A_55], %mul3A_54 {strides = array<i32>} : memref<2048x64xf32, #tpu.memory_space<vmem>>, vector<2048x64xf32>,
    return
  }
  func.func @transform_0(%arg0: i32) -> (i32, i32, i32) {
    %c0_i32 = arith.constant 0 : i32
    %c0_i32_0 = arith.constant 0 : i32
    %c0_i32_1 = arith.constant 0 : i32
    return %c0_i32, %arg0, %c0_i32_0 : i32, i32, i32
  }
  func.func @transform_1(%arg0: i32) -> (i32, i32, i32) {
    %c0_i32 = arith.constant 0 : i32
    %c0_i32_0 = arith.constant 0 : i32
    %c0_i32_1 = arith.constant 0 : i32
    return %c0_i32, %arg0, %c0_i32_0 : i32, i32, i32
  }
  func.func @transform_2(%arg0: i32) -> (i32, i32, i32) {
    %c0_i32 = arith.constant 0 : i32
    %c0_i32_0 = arith.constant 0 : i32
    %c0_i32_1 = arith.constant 0 : i32
    return %c0_i32, %arg0, %c0_i32_0 : i32, i32, i32
  }
  func.func @transform_3(%arg0: i32) -> (i32, i32) {
    %c0_i32 = arith.constant 0 : i32
    %c0_i32_0 = arith.constant 0 : i32
    %c0_i32_1 = arith.constant 0 : i32
    return %c0_i32, %c0_i32_0 : i32, i32
  }
  func.func @transform_4(%arg0: i32) -> (i32, i32) {
    %c0_i32 = arith.constant 0 : i32
    %c0_i32_0 = arith.constant 0 : i32
    %c0_i32_1 = arith.constant 0 : i32
    return %c0_i32, %c0_i32_0 : i32, i32
  }
  func.func @transform_5(%arg0: i32) -> (i32, i32) {
    %c0_i32 = arith.constant 0 : i32
    %c0_i32_0 = arith.constant 0 : i32
    return %arg0, %c0_i32 : i32, i32
  }
}

module attributes {stable_mosaic.version = 14 : i64} {
  func.func @body(%arg0: memref<2x10240x64xf32, #tpu.memory_space<vmem>>, %arg1: memref<2x10240x16xf32, #tpu.memory_space<vmem>>, %arg2: memref<10000x64xf32, #tpu.memory_space<vmem>>) attributes {dimension_semantics = [], scalar_prefetch = 0 : i64, scratch_operands = 0 : i64, tpu.core_type = #tpu.core_type<tc>} {
    %get3A = arith.constant 0 : index
    %get3A_0 = arith.constant 0 : index
    %get3A_1 = arith.constant 0 : index
    %get3A_2 = vector.load %arg1[%get3A, %get3A_0, %get3A_1] : memref<2x10240x16xf32, #tpu.memory_space<vmem>>, vector<1x10240x16xf32>
    %get3A_3 = vector.shape_cast %get3A_2 : vector<1x10240x16xf32> to vector<10240x16xf32>
    %slice3A = vector.extract_strided_slice %get3A_3 {offsets = [0, 0], sizes = [10240, 1], strides = [1, 1]} : vector<10240x16xf32> to vector<10240x1xf32>
    %get3A_4 = arith.constant 1 : index
    %get3A_5 = arith.constant 0 : index
    %get3A_6 = arith.constant 0 : index
    %get3A_7 = vector.load %arg1[%get3A_4, %get3A_5, %get3A_6] : memref<2x10240x16xf32, #tpu.memory_space<vmem>>, vector<1x10240x16xf32>
    %get3A_8 = vector.shape_cast %get3A_7 : vector<1x10240x16xf32> to vector<10240x16xf32>
    %slice3A_9 = vector.extract_strided_slice %get3A_8 {offsets = [0, 0], sizes = [10240, 1], strides = [1, 1]} : vector<10240x16xf32> to vector<10240x1xf32>
    %add3A = arith.addf %slice3A, %slice3A_9 : vector<10240x1xf32>
    %max3A = arith.constant 1.000000e+00 : f32
    %max3A_10 = vector.broadcast %max3A : f32 to vector<10240x1xf32>
    %max3A_11 = arith.maximumf %add3A, %max3A_10 : vector<10240x1xf32>
    %rsqrt3A = math.rsqrt %max3A_11 : vector<10240x1xf32>
    %get3A_12 = arith.constant 0 : index
    %get3A_13 = arith.constant 0 : index
    %get3A_14 = arith.constant 0 : index
    %get3A_15 = vector.load %arg0[%get3A_12, %get3A_13, %get3A_14] : memref<2x10240x64xf32, #tpu.memory_space<vmem>>, vector<1x10240x64xf32>
    %get3A_16 = vector.shape_cast %get3A_15 : vector<1x10240x64xf32> to vector<10240x64xf32>
    %get3A_17 = arith.constant 1 : index
    %get3A_18 = arith.constant 0 : index
    %get3A_19 = arith.constant 0 : index
    %get3A_20 = vector.load %arg0[%get3A_17, %get3A_18, %get3A_19] : memref<2x10240x64xf32, #tpu.memory_space<vmem>>, vector<1x10240x64xf32>
    %get3A_21 = vector.shape_cast %get3A_20 : vector<1x10240x64xf32> to vector<10240x64xf32>
    %add3A_22 = arith.addf %get3A_16, %get3A_21 : vector<10240x64xf32>
    %mul3A = vector.broadcast %rsqrt3A : vector<10240x1xf32> to vector<10240x64xf32>
    %mul3A_23 = arith.mulf %add3A_22, %mul3A : vector<10240x64xf32>
    %slice3A_24 = vector.extract_strided_slice %mul3A_23 {offsets = [0, 0], sizes = [10000, 64], strides = [1, 1]} : vector<10240x64xf32> to vector<10000x64xf32>
    %swap3A = arith.constant 0 : index
    %swap3A_25 = arith.constant 0 : index
    %swap3A_26 = vector.load %arg2[%swap3A, %swap3A_25] : memref<10000x64xf32, #tpu.memory_space<vmem>>, vector<10000x64xf32>
    tpu.vector_store %arg2[%swap3A, %swap3A_25], %slice3A_24 {strides = array<i32>} : memref<10000x64xf32, #tpu.memory_space<vmem>>, vector<10000x64xf32>,
    return
  }
}

</mosaic_0001>

<sc_bundles>
// kernel: kernel.10.cloned.1.call-start
scs
__scs_entry_jumppad:
0x0: {  	(pc) =	sbr.rel $0x88, $3  }
0x1: {  	(tag) =	ssettag $0x0;
	lr =	simm.s32 $0x1  }
0x2: {  	[smem:$0x3F9B] =	sst lr;
	_ =	strace $0xD0000000  }
0x3: {  	_ = 	snop  }
0x4: {  	_ = 	snop  }
0x5: {  	_ = 	snop  }
0x6: {  	_ = 	snop  }
0x7: {  	_ = 	snop  }
__scs_overlays_trampoline_lowered:
0x8: {  	[smem:$0x3FAA] =	sst s0  }
0x9: {  	[smem:$0x3FAB] =	sst s1  }
0xa: {  	[smem:$0x3FAC] =	sst s2  }
0xb: {  	[smem:$0x3FAD] =	sst s3  }
0xc: {  	[smem:$0x3FAE] =	sst s4  }
0xd: {  	[smem:$0x3FAF] =	sst s5  }
0xe: {  	[smem:$0x3FB0] =	sst s6  }
0xf: {  	[smem:$0x3FB1] =	sst s7  }
0x10: {  	[smem:$0x3FB2] =	sst s8  }
0x11: {  	[smem:$0x3FB3] =	sst s9;
	s0 =	simm.s32 @!p0 $0x0  }
0x12: {  	s1 =	sld [smem:$0x3F99];
	s0 =	simm.s32 @p0 $0x1  }
0x13: {  	[smem:$0x3FB4] =	sst s0;
	s0 =	simm.s32 @!p1 $0x0  }
0x14: {  	s2 =	sld [smem:$0x3F98];
	s0 =	simm.s32 @p1 $0x1  }
0x15: {  	[smem:$0x3FB5] =	sst s0;
	s0 =	simm.s32 @!p2 $0x0  }
0x16: {  	s3 =	sld [smem:$0x3FDB];
	s0 =	simm.s32 @p2 $0x1  }
0x17: {  	s4 =	simm.s32 $0x1BF5;
	[smem:$0x3FB7] =	sst s0  }
0x18: {  	s0 =	sld [smem:$0x3F9A];
	_ =	swait.ge [sflag:s4], $0x0  }
0x19: {  	s7 =	sld [smem:$0x3F9B]  }
0x1a: {  	s8 =	sadd.s32 $0xFFFFE003, lr  }
0x1b: {  	s9 =	sadd.s32 $0xFFFFFEF7, lr;
	s5 =	simm.s32 $0xFFFFFFFF;
	p2 =	slt.u32 s8, $0xFFFFF086  }
0x1c: {  	p1 =	slt.u32 s9, $0xF7A;
	s5 =	simm.s32 @!p2 $0x0  }
0x1d: {  	s5 =	simm.s32 @p1 $0x1;
	p0 =	seq.s32 s7, s2  }
0x1e: {  	s7 =	smul.u32 @!p0 $0xF7A, s2;
	p2 =	seq.s32 @!p0 s5, $0x0  }
0x1f: {  	s9 =	smul.u32 $0xF7A, s1;
	s8 =	simm.s32 @!p0 $0x1BF5;
	p2 =	por !p2, p0  }
0x20: {  	[sflag:s8] =	ssyncset.s32 @!p0 $0xFFFFF086;
	s6 =	sadd.s32 @!p0 s3, s7;
	s7 =	simm.s32 @!p0 $0x108  }
0x21: {  	s3 =	sadd.s32 s3, s9;
	s6 =	sadd.s32 @!p0 $0x88, s6;
	s7 =	simm.s32 @p2 $0x1082  }
0x22: {  	[simem:s7], [sflag:s8] =	dma.local @!p0 [hbm:s6], $0xF7A  }
0x23: {  	s9 =	sor.u32 $0xD0000000, s2;
	s6 =	simm.s32 $0x108;
	_ =	swait.ge @!p0 [sflag:s8], $0x0  }
0x24: {  	s3 =	sadd.s32 $0x88, s3;
	s6 =	simm.s32 @!p1 $0x1082;
	[sflag:s4] =	ssyncset.s32 $0xFFFFF086  }
0x25: {  	[simem:s6], [sflag:s4] =	dma.local [hbm:s3], $0xF7A  }
0x26: {  	[smem:$0x3F9B] =	sst s1;
	(tag) =	ssettag s2;
	_ =	strace s9  }
0x27: {  	s1 =	sld [smem:$0x3FAB]  }
0x28: {  	s2 =	sld [smem:$0x3FAC]  }
0x29: {  	s4 =	sld [smem:$0x3FAE]  }
0x2a: {  	p0 =	seq.s32 s5, $0x0;
	s5 =	sld [smem:$0x3FAF]  }
0x2b: {  	s6 =	sld [smem:$0x3FB0]  }
0x2c: {  	s7 =	sld [smem:$0x3FB1]  }
0x2d: {  	s3 =	simm.s32 $0x108;
	s8 =	sld [smem:$0x3FB2]  }
0x2e: {  	s3 =	simm.s32 @!p0 $0x1082;
	s9 =	sld [smem:$0x3FB3]  }
0x2f: {  	lr =	sadd.s32 s0, s3;
	s0 =	sld [smem:$0x3FAA]  }
0x30: {  	s3 =	sld [smem:$0x3FAD]  }
0x31: {  	[smem:$0x3FB6] =	sst s10  }
0x32: {  	s10 =	sld [smem:$0x3FB4];
	_ =	sdelay $0x3  }
0x33: {  	p0 =	seq.s32 s10, $0x1;
	s10 =	sld [smem:$0x3FB6];
	_ =	sdelay $0x3  }
0x34: {  	[smem:$0x3FB6] =	sst s10  }
0x35: {  	s10 =	sld [smem:$0x3FB5];
	_ =	sdelay $0x3  }
0x36: {  	p1 =	seq.s32 s10, $0x1;
	s10 =	sld [smem:$0x3FB6];
	_ =	sdelay $0x3  }
0x37: {  	[smem:$0x3FB6] =	sst s10  }
0x38: {  	s10 =	sld [smem:$0x3FB7]  }
0x39: {  	_ = 	snop;
	(pc) =	sbr.ind lr, $3  }
0x3a: {  	_ = 	snop  }
0x3b: {  	_ = 	snop  }
0x3c: {  	p2 =	seq.s32 s10, $0x1;
	s10 =	sld [smem:$0x3FB6]  }
0x3d: {  	_ =	shalt  }
0x3e: {  	_ =	shalt  }
0x3f: {  	_ =	shalt  }
0x40: {  	_ =	shalt  }
0x41: {  	_ =	shalt  }
0x42: {  	_ =	shalt  }
0x43: {  	_ =	shalt  }
0x44: {  	_ =	shalt  }
0x45: {  	_ =	shalt  }
0x46: {  	_ =	shalt  }
0x47: {  	_ =	shalt  }
0x48: {  	_ =	shalt  }
0x49: {  	_ =	shalt  }
0x4a: {  	_ =	shalt  }
0x4b: {  	_ =	shalt  }
0x4c: {  	_ =	shalt  }
0x4d: {  	_ =	shalt  }
0x4e: {  	_ =	shalt  }
0x4f: {  	_ =	shalt  }
0x50: {  	_ =	shalt  }
0x51: {  	_ =	shalt  }
0x52: {  	_ =	shalt  }
0x53: {  	_ =	shalt  }
0x54: {  	_ =	shalt  }
0x55: {  	_ =	shalt  }
0x56: {  	_ =	shalt  }
0x57: {  	_ =	shalt  }
0x58: {  	_ =	shalt  }
0x59: {  	_ =	shalt  }
0x5a: {  	_ =	shalt  }
0x5b: {  	_ =	shalt  }
0x5c: {  	_ =	shalt  }
0x5d: {  	_ =	shalt  }
0x5e: {  	_ =	shalt  }
0x5f: {  	_ =	shalt  }
0x60: {  	_ =	shalt  }
0x61: {  	_ =	shalt  }
0x62: {  	_ =	shalt  }
0x63: {  	_ =	shalt  }
0x64: {  	_ =	shalt  }
0x65: {  	_ =	shalt  }
0x66: {  	_ =	shalt  }
0x67: {  	_ =	shalt  }
0x68: {  	_ =	shalt  }
0x69: {  	_ =	shalt  }
0x6a: {  	_ =	shalt  }
0x6b: {  	_ =	shalt  }
0x6c: {  	_ =	shalt  }
0x6d: {  	_ =	shalt  }
0x6e: {  	_ =	shalt  }
0x6f: {  	_ =	shalt  }
0x70: {  	_ =	shalt  }
0x71: {  	_ =	shalt  }
0x72: {  	_ =	shalt  }
0x73: {  	_ =	shalt  }
0x74: {  	_ =	shalt  }
0x75: {  	_ =	shalt  }
0x76: {  	_ =	shalt  }
0x77: {  	_ =	shalt  }
0x78: {  	_ =	shalt  }
0x79: {  	_ =	shalt  }
0x7a: {  	_ =	shalt  }
0x7b: {  	_ =	shalt  }
0x7c: {  	_ =	shalt  }
0x7d: {  	_ =	shalt  }
0x7e: {  	_ =	shalt  }
0x7f: {  	_ =	shalt  }
0x80: {  	_ =	shalt  }
0x81: {  	_ =	shalt  }
0x82: {  	_ =	shalt  }
0x83: {  	_ =	shalt  }
0x84: {  	_ =	shalt  }
0x85: {  	_ =	shalt  }
0x86: {  	_ =	shalt  }
0x87: {  	_ =	shalt  }
.Lfunc_end0:
.L_simem_size_0:
called_computation_lowered:
.L_overlay_start_0:
0x88: {  	s2 =	sld [smem:$0x3FD9]  }
0x89: {  	s3 =	sld [smem:$0x3FFE];
	_ =	sdelay $0x1  }
0x8a: {  	s1 =	srdreg.scid  }
0x8b: {  	s0 =	sand.u32 $0x1, s1  }
0x8c: {  	s16 =	sshll.u32 s0, $0xA;
	s2 =	sadd.s32 s3, s2  }
0x8d: {  	s2 =	sadd.s32 s2, s16  }
0x8e: {  	[smem:$0x3FC2] =	sst s2  }
0x8f: {  	_ = 	snop  }
0x90: {  	(tm) =	ssettm $0x1  }
0x91: {  	s17 =	sld [smem:$0x3FFB];
	_ =	sdelay $0x3  }
0x92: {  	_ =	strace s17  }
0x93: {  	s2 =	sld [smem:$0x3FFC];
	_ =	sdelay $0x3  }
0x94: {  	_ =	strace s2  }
0x95: {  	s2 =	sld [smem:$0x3FFD];
	_ =	sdelay $0x3  }
0x96: {  	_ =	strace s2  }
0x97: {  	_ =	strace $0x8FFFFFFF  }
0x98: {  	s18 =	sld [smem:$0x3FDB];
	_ =	sdelay $0x1  }
0x99: {  	s19 =	simm.s32 $_scs_section_size  }
0x9a: {  	s4 =	simm.s32 $_size__tile_overlayer_lowered;
	s5 =	simm.s32 $_tile_overlayer_lowered  }
0x9b: {  	s22 =	simm.s32 $0x1BFF;
	s21 =	sshll.u32 s5, $0x1;
	s2 =	sadd.s32 s19, s18  }
0x9c: {  	s6 =	simm.s32 $0x0;
	s20 =	sshll.u32 s4, $0x1;
	s4 =	sadd.s32 s21, s2  }
0x9d: {  	[timem:s6], [sflag:s22] =	dma.local [hbm:s4], s20  }
0x9e: {  	_ =	swait.ge [sflag:s22], s20  }
0x9f: {  	s3 =	ssub.s32 $0x0, s20;
	[sflag:s22] =	ssyncset.done $0x0  }
0xa0: {  	[sflag:s22] =	ssyncadd.s32 s3;
	_ =	sdelay $0x1  }
0xa1: {  	s23 =	simm.s32 $0x1B8B  }
0xa2: {  	_ =	swait.ge [sflag:s23], $0x1  }
0xa3: {  	[sflag:s23] =	ssyncset.done $0x0  }
0xa4: {  	s25 =	simm.s32 $0x1B8E;
	s24 =	sld [smem:$0x3FFE];
	[sflag:s23] =	ssyncadd.s32 $0xFFFFFFFF  }
0xa5: {  	s26 =	simm.s32 $execute0_lowered;
	[smem:$0x3FD2] =	sst s25  }
0xa6: {  	s4 =	sshll.u32 s26, $0x1;
	_ =	strace $0x80000046;
	[dreg:$0x1] =	wrdreg $0xFFFFFFFF  }
0xa7: {  	s28 =	simm.s32 $_size_execute0_lowered;
	s2 =	sadd.s32 s2, s4;
	[dreg:$0x0] =	wrdreg $0x0  }
0xa8: {  	s4 =	sshll.u32 s28, $0x1;
	[dreg:$0x2] =	wrdreg s2  }
0xa9: {  	[dreg:$0x3] =	wrdreg s4  }
0xaa: {  	[dreg:$0x4] =	wrdreg $0xC0  }
0xab: {  	_ =	task [dreg:s6], $0x5FFFF  }
0xac: {  	[dreg:$0x1] =	wrdreg $0xFFFFFFFF  }
0xad: {  	[dreg:$0x0] =	wrdreg $0x60  }
0xae: {  	[dreg:$0x2] =	wrdreg s24  }
0xaf: {  	[dreg:$0x3] =	wrdreg $0x30000  }
0xb0: {  	[dreg:$0x4] =	wrdreg $0xA  }
0xb1: {  	_ =	task.clear_ibuf [dreg:s6], $0x5FFFF;
	_ =	strace $0x90000046  }
0xb2: {  	s29 =	simm.s32 $0xA;
	_ =	strace $0x80000048  }
0xb3: {  	_ =	swait.ge [sflag:s29], $0x1  }
0xb4: {  	[sflag:s29] =	ssyncadd.s32 $0xFFFFFFFF  }
0xb5: {  	_ =	strace $0x90000048  }
0xb6: {  	_ =	sfence  }
0xb7: {  	s30 =	sld [smem:$0x0];
	_ =	sdelay $0x2  }
0xb8: {  	s31 =	sshll.u32 s1, $0xD;
	s1 =	sshrl.u32 s1, $0x2  }
0xb9: {  	s3 =	sand.u32 $0x4000, s31;
	s1 =	sadd.s32 s1, s30  }
0xba: {  	s0 =	sor.u32 s3, s0;
	s1 =	sshll.u32 s1, $0x11  }
0xbb: {  	s0 =	sor.u32 s1, s0  }
0xbc: {  	s0 =	sadd.s32 $0x8F2B, s0  }
0xbd: {  	[sflag:s0] =	ssyncadd.remote.s32 $0x1  }
0xbe: {  	_ =	sfence.sel $0xFFFF  }
0xbf: {  	[dreg:$0x0] =	wrdreg $0xFFFFFFFF;
	(pc) =	sbr.abs _section_cstart, $3  }
0xc0: {  	[dreg:$0x1] =	wrdreg $0xFFFFFFFF  }
0xc1: {  	_ =	task.clear_ibuf [dreg:s6], $0x2FFFF;
	_ =	strace $0x9FFFFFFF  }
0xc2: {  	(tm) =	ssettm $0x7FFFFFFF  }
0xc3: {  	_ =	shalt  }
tec
execute0_lowered:
.L_overlay_start_1:
0x0: {  	(tag) =	ssettag $0x1  }
0x1: {  	s6 =	rddreg [dreg:$0x0]  }
0x2: {  	s0 =	srdreg.scid;
	s2 =	rddreg [dreg:$0x1];
	s3 =	simm.s32 $0x0  }
0x3: {  	s12 =	simm.s32 $0x80;
	s5 =	sand.u32 $0x1, s0;
	s0 =	stileid.u32  }
0x4: {  	[smem:$0x7FF] =	sst s3;
	s1 =	sshll.u32 s5, $0x4;
	s8 =	smul.u32 $0x5000, s5  }
0x5: {  	s9 =	ssub.s32 $0x2, s5;
	s5 =	sadd.s32 $0xC000, s6;
	s11 =	smul.u32 $0x2800, s0  }
0x6: {  	s30 =	sshll.u32 s0, $0x6;
	s4 =	sor.u32 s0, s1;
	s1 =	rddreg [dreg:$0x2]  }
0x7: {  	_ =	strace $0x80000047;
	s10 =	sshrl.u32 s9, $0x1;
	s4 =	smul.u32 $0x500, s4  }
0x8: {  	s8 =	sadd.s32 s8, s6;
	s9 =	ssub.s32 s9, s10;
	s31 =	sadd.s32 s11, s2  }
0x9: {  	s14 =	sshrl.u32 s11, $0x3;
	s10 =	simm.s32 $0x1;
	s11 =	simm.s32 $0x2800  }
0xa: {  	s13 =	sadd.s32 $0xC800, s8;
	s8 =	smax.u32 s9, $0x1;
	s9 =	sshrl.u32 s31, $0x3  }
0xb: {  	s7 =	sadd.s32 s4, s6;
	s4 =	sadd.s32 $0xC600, s6;
	s6 =	sor.u32 $0x1C01, s30  }
0xc: {  	s13 =	sadd.s32 s14, s13;
	s14 =	simm.s32 $0x0;
	s7 =	sadd.s32 $0x2000, s7  }
.LBB2_1:
0xd: {  	[spmem:s9], [sflag:s6] =	dma.local [hbm:s5], $0x500  }
0xe: {  	_ =	swait.ge [sflag:s10], $0x500  }
0xf: {  	[sflag:s10] =	ssyncset.done $0x0  }
0x10: {  	[sflag:s10] =	ssyncadd.s32 $0xFFFFFB00  }
0x11: {  	[tilespmem:s11], [sflag:$0x1] =	stream.linear.gather [hbm4b:s4+s3], $0x800, $0x38;
	[tilespmem:$0x5800] =	vst v63  }
0x12: {  	_ =	swait.ge [sflag:s10], $0x800  }
0x13: {  	[sflag:s10] =	ssyncset.done $0x0  }
0x14: {  	[sflag:s10] =	ssyncadd.s32 $0xFFFFF800  }
0x15: {  	[tilespmem:s3], [sflag:$0x1] =	stream.linear.gather [hbm4b:s7+s3], $0x2800, $0x38;
	[tilespmem:$0x5800] =	vst v63  }
0x16: {  	_ =	swait.ge [sflag:s10], $0x2800  }
0x17: {  	[sflag:s10] =	ssyncset.done $0x0  }
0x18: {  	[sflag:s10] =	ssyncadd.s32 $0xFFFFD800  }
0x19: {  	s15 =	simm.s32 $0x0;
	[bflag:$0x0] =	sbarrier.arrive $0xFFFF  }
0x1a: {  	[spmem:s2] =	stream.indirect.scatter.add.f32 [tilespmem:s11], [sflag:$0x1], $0x10, s15, s12, $0xb8;
	[tilespmem:$0x5800] =	vst v63  }
0x1b: {  	_ =	swait.ge [sflag:s10], $0x800  }
0x1c: {  	s15 =	simm.s32 $0x200;
	[sflag:s10] =	ssyncset.done $0x0  }
.LBB2_2:
0x1d: {  	s16 =	sshra.s32 s15, $0x2;
	[sflag:s10] =	ssyncadd.s32 $0xFFFFF800;
	p0 =	sne.s32 s15, $0x9E00  }
0x1e: {  	[spmem:s2] =	stream.indirect.scatter.add.f32 [tilespmem:s11], [sflag:$0x1], $0x10, s16, s12, $0xb8;
	[tilespmem:$0x5800] =	vst v63  }
.Ltmp0:
0x1f: {  	_ = 	snop;
	(pc) =	sbr.rel @p0 .LBB2_2-.Ltmp0, $4  }
0x20: {  	_ = 	snop  }
0x21: {  	s15 =	sadd.s32 $0x200, s15  }
0x22: {  	_ =	swait.ge [sflag:s10], $0x800  }
0x23: {  	[sflag:s10] =	ssyncset.done $0x0  }
0x24: {  	s14 =	sadd.s32 $0x1, s14  }
0x25: {  	[sflag:s10] =	ssyncadd.s32 $0xFFFFF800;
	p0 =	sne.s32 s14, s8  }
.Ltmp1:
0x26: {  	[bflag:$0x0] =	sbarrier.arrive $0xFFFF;
	(pc) =	sbr.rel @p0 .LBB2_1-.Ltmp1, $4  }
0x27: {  	[hbm:s13], [sflag:s6] =	dma.local [spmem:s9], $0x500  }
0x28: {  	_ =	swait.ge [sflag:s10], $0x500  }
0x29: {  	[sflag:s10] =	ssyncset.done $0x0  }
0x2a: {  	[sflag:s10] =	ssyncadd.s32 $0xFFFFFB00  }
0x2b: {  	_ =	sfence.sel $0x180000  }
0x2c: {  	[bflag:$0x0] =	sbarrier.arrive $0xFFFF  }
0x2d: {  	p0 =	sne.s32 s0, $0x0;
	_ =	strace $0x90000047  }
0x2e: {  	s0 =	sadd.s32 @!p0 $0x100000, s1;
	[bflag:$0x2] =	sbarrier.arrive $0xFFFF  }
0x2f: {  	[sflag:s0] =	ssyncadd.tile.s32 @!p0 $0x1;
	_ =	shalt  }
.Lfunc_end2:
_tile_overlayer_lowered:
.L_overlay_start_2:
0x30: {  	(tag) =	ssettag $0x2  }
0x31: {  	s0 =	rddreg [dreg:$0x0];
	s2 =	stileid.u32  }
0x32: {  	s1 =	rddreg [dreg:$0x1];
	p0 =	sne.s32 s2, $0x0  }
0x33: {  	s3 =	rddreg [dreg:$0x2];
	[bflag:$0x3] =	sbarrier.arrive $0xFFFF;
	s2 =	simm.s32 @!p0 $0x1C01  }
0x34: {  	[timem:s3], [sflag:s2] =	dma.local @!p0 [hbm:s0], s1  }
0x35: {  	s0 =	simm.s32 @!p0 $0x1  }
0x36: {  	_ =	swait.ge @!p0 [sflag:s0], s1  }
0x37: {  	s1 =	ssub.s32 @!p0 $0x0, s1;
	[sflag:s0] =	ssyncset.done @!p0 $0x0  }
0x38: {  	[sflag:s0] =	ssyncadd.s32 @!p0 s1  }
0x39: {  	[bflag:$0x3] =	sbarrier.arrive $0xFFFF  }
0x3a: {  	_ =	shalt  }

// kernel: kernel.13.cloned.1.call-start
scs
__scs_entry_jumppad:
0x0: {  	(pc) =	sbr.rel $0x88, $3  }
0x1: {  	(tag) =	ssettag $0x0;
	lr =	simm.s32 $0x1  }
0x2: {  	[smem:$0x3F9B] =	sst lr;
	_ =	strace $0xD0000000  }
0x3: {  	_ = 	snop  }
0x4: {  	_ = 	snop  }
0x5: {  	_ = 	snop  }
0x6: {  	_ = 	snop  }
0x7: {  	_ = 	snop  }
__scs_overlays_trampoline_lowered:
0x8: {  	[smem:$0x3FAA] =	sst s0  }
0x9: {  	[smem:$0x3FAB] =	sst s1  }
0xa: {  	[smem:$0x3FAC] =	sst s2  }
0xb: {  	[smem:$0x3FAD] =	sst s3  }
0xc: {  	[smem:$0x3FAE] =	sst s4  }
0xd: {  	[smem:$0x3FAF] =	sst s5  }
0xe: {  	[smem:$0x3FB0] =	sst s6  }
0xf: {  	[smem:$0x3FB1] =	sst s7  }
0x10: {  	[smem:$0x3FB2] =	sst s8  }
0x11: {  	[smem:$0x3FB3] =	sst s9;
	s0 =	simm.s32 @!p0 $0x0  }
0x12: {  	s1 =	sld [smem:$0x3F99];
	s0 =	simm.s32 @p0 $0x1  }
0x13: {  	[smem:$0x3FB4] =	sst s0;
	s0 =	simm.s32 @!p1 $0x0  }
0x14: {  	s2 =	sld [smem:$0x3F98];
	s0 =	simm.s32 @p1 $0x1  }
0x15: {  	[smem:$0x3FB5] =	sst s0;
	s0 =	simm.s32 @!p2 $0x0  }
0x16: {  	s3 =	sld [smem:$0x3FDB];
	s0 =	simm.s32 @p2 $0x1  }
0x17: {  	s4 =	simm.s32 $0x1BF5;
	[smem:$0x3FB7] =	sst s0  }
0x18: {  	s0 =	sld [smem:$0x3F9A];
	_ =	swait.ge [sflag:s4], $0x0  }
0x19: {  	s7 =	sld [smem:$0x3F9B]  }
0x1a: {  	s8 =	sadd.s32 $0xFFFFE003, lr  }
0x1b: {  	s9 =	sadd.s32 $0xFFFFFEF7, lr;
	s5 =	simm.s32 $0xFFFFFFFF;
	p2 =	slt.u32 s8, $0xFFFFF086  }
0x1c: {  	p1 =	slt.u32 s9, $0xF7A;
	s5 =	simm.s32 @!p2 $0x0  }
0x1d: {  	s5 =	simm.s32 @p1 $0x1;
	p0 =	seq.s32 s7, s2  }
0x1e: {  	s7 =	smul.u32 @!p0 $0xF7A, s2;
	p2 =	seq.s32 @!p0 s5, $0x0  }
0x1f: {  	s9 =	smul.u32 $0xF7A, s1;
	s8 =	simm.s32 @!p0 $0x1BF5;
	p2 =	por !p2, p0  }
0x20: {  	[sflag:s8] =	ssyncset.s32 @!p0 $0xFFFFF086;
	s6 =	sadd.s32 @!p0 s3, s7;
	s7 =	simm.s32 @!p0 $0x108  }
0x21: {  	s3 =	sadd.s32 s3, s9;
	s6 =	sadd.s32 @!p0 $0x88, s6;
	s7 =	simm.s32 @p2 $0x1082  }
0x22: {  	[simem:s7], [sflag:s8] =	dma.local @!p0 [hbm:s6], $0xF7A  }
0x23: {  	s9 =	sor.u32 $0xD0000000, s2;
	s6 =	simm.s32 $0x108;
	_ =	swait.ge @!p0 [sflag:s8], $0x0  }
0x24: {  	s3 =	sadd.s32 $0x88, s3;
	s6 =	simm.s32 @!p1 $0x1082;
	[sflag:s4] =	ssyncset.s32 $0xFFFFF086  }
0x25: {  	[simem:s6], [sflag:s4] =	dma.local [hbm:s3], $0xF7A  }
0x26: {  	[smem:$0x3F9B] =	sst s1;
	(tag) =	ssettag s2;
	_ =	strace s9  }
0x27: {  	s1 =	sld [smem:$0x3FAB]  }
0x28: {  	s2 =	sld [smem:$0x3FAC]  }
0x29: {  	s4 =	sld [smem:$0x3FAE]  }
0x2a: {  	p0 =	seq.s32 s5, $0x0;
	s5 =	sld [smem:$0x3FAF]  }
0x2b: {  	s6 =	sld [smem:$0x3FB0]  }
0x2c: {  	s7 =	sld [smem:$0x3FB1]  }
0x2d: {  	s3 =	simm.s32 $0x108;
	s8 =	sld [smem:$0x3FB2]  }
0x2e: {  	s3 =	simm.s32 @!p0 $0x1082;
	s9 =	sld [smem:$0x3FB3]  }
0x2f: {  	lr =	sadd.s32 s0, s3;
	s0 =	sld [smem:$0x3FAA]  }
0x30: {  	s3 =	sld [smem:$0x3FAD]  }
0x31: {  	[smem:$0x3FB6] =	sst s10  }
0x32: {  	s10 =	sld [smem:$0x3FB4];
	_ =	sdelay $0x3  }
0x33: {  	p0 =	seq.s32 s10, $0x1;
	s10 =	sld [smem:$0x3FB6];
	_ =	sdelay $0x3  }
0x34: {  	[smem:$0x3FB6] =	sst s10  }
0x35: {  	s10 =	sld [smem:$0x3FB5];
	_ =	sdelay $0x3  }
0x36: {  	p1 =	seq.s32 s10, $0x1;
	s10 =	sld [smem:$0x3FB6];
	_ =	sdelay $0x3  }
0x37: {  	[smem:$0x3FB6] =	sst s10  }
0x38: {  	s10 =	sld [smem:$0x3FB7]  }
0x39: {  	_ = 	snop;
	(pc) =	sbr.ind lr, $3  }
0x3a: {  	_ = 	snop  }
0x3b: {  	_ = 	snop  }
0x3c: {  	p2 =	seq.s32 s10, $0x1;
	s10 =	sld [smem:$0x3FB6]  }
0x3d: {  	_ =	shalt  }
0x3e: {  	_ =	shalt  }
0x3f: {  	_ =	shalt  }
0x40: {  	_ =	shalt  }
0x41: {  	_ =	shalt  }
0x42: {  	_ =	shalt  }
0x43: {  	_ =	shalt  }
0x44: {  	_ =	shalt  }
0x45: {  	_ =	shalt  }
0x46: {  	_ =	shalt  }
0x47: {  	_ =	shalt  }
0x48: {  	_ =	shalt  }
0x49: {  	_ =	shalt  }
0x4a: {  	_ =	shalt  }
0x4b: {  	_ =	shalt  }
0x4c: {  	_ =	shalt  }
0x4d: {  	_ =	shalt  }
0x4e: {  	_ =	shalt  }
0x4f: {  	_ =	shalt  }
0x50: {  	_ =	shalt  }
0x51: {  	_ =	shalt  }
0x52: {  	_ =	shalt  }
0x53: {  	_ =	shalt  }
0x54: {  	_ =	shalt  }
0x55: {  	_ =	shalt  }
0x56: {  	_ =	shalt  }
0x57: {  	_ =	shalt  }
0x58: {  	_ =	shalt  }
0x59: {  	_ =	shalt  }
0x5a: {  	_ =	shalt  }
0x5b: {  	_ =	shalt  }
0x5c: {  	_ =	shalt  }
0x5d: {  	_ =	shalt  }
0x5e: {  	_ =	shalt  }
0x5f: {  	_ =	shalt  }
0x60: {  	_ =	shalt  }
0x61: {  	_ =	shalt  }
0x62: {  	_ =	shalt  }
0x63: {  	_ =	shalt  }
0x64: {  	_ =	shalt  }
0x65: {  	_ =	shalt  }
0x66: {  	_ =	shalt  }
0x67: {  	_ =	shalt  }
0x68: {  	_ =	shalt  }
0x69: {  	_ =	shalt  }
0x6a: {  	_ =	shalt  }
0x6b: {  	_ =	shalt  }
0x6c: {  	_ =	shalt  }
0x6d: {  	_ =	shalt  }
0x6e: {  	_ =	shalt  }
0x6f: {  	_ =	shalt  }
0x70: {  	_ =	shalt  }
0x71: {  	_ =	shalt  }
0x72: {  	_ =	shalt  }
0x73: {  	_ =	shalt  }
0x74: {  	_ =	shalt  }
0x75: {  	_ =	shalt  }
0x76: {  	_ =	shalt  }
0x77: {  	_ =	shalt  }
0x78: {  	_ =	shalt  }
0x79: {  	_ =	shalt  }
0x7a: {  	_ =	shalt  }
0x7b: {  	_ =	shalt  }
0x7c: {  	_ =	shalt  }
0x7d: {  	_ =	shalt  }
0x7e: {  	_ =	shalt  }
0x7f: {  	_ =	shalt  }
0x80: {  	_ =	shalt  }
0x81: {  	_ =	shalt  }
0x82: {  	_ =	shalt  }
0x83: {  	_ =	shalt  }
0x84: {  	_ =	shalt  }
0x85: {  	_ =	shalt  }
0x86: {  	_ =	shalt  }
0x87: {  	_ =	shalt  }
.Lfunc_end0:
.L_simem_size_0:
called_computation.1_lowered:
.L_overlay_start_0:
0x88: {  	s2 =	sld [smem:$0x3FD9]  }
0x89: {  	s3 =	sld [smem:$0x3FFE];
	_ =	sdelay $0x1  }
0x8a: {  	s1 =	srdreg.scid  }
0x8b: {  	s0 =	sand.u32 $0x1, s1  }
0x8c: {  	s17 =	sshll.u32 s0, $0xA;
	s2 =	sadd.s32 s3, s2  }
0x8d: {  	s2 =	sadd.s32 s2, s17  }
0x8e: {  	[smem:$0x3FC2] =	sst s2  }
0x8f: {  	_ = 	snop  }
0x90: {  	s18 =	sld [smem:$0x3FD0];
	(tm) =	ssettm $0x1  }
0x91: {  	s19 =	sld [smem:$0x3FFB];
	_ =	sdelay $0x3  }
0x92: {  	_ =	strace s19  }
0x93: {  	s2 =	sld [smem:$0x3FFC];
	_ =	sdelay $0x3  }
0x94: {  	_ =	strace s2  }
0x95: {  	s2 =	sld [smem:$0x3FFD];
	_ =	sdelay $0x3  }
0x96: {  	_ =	strace s2  }
0x97: {  	_ =	strace $0x8FFFFFFF  }
0x98: {  	s20 =	sld [smem:$0x3FDB];
	_ =	sdelay $0x1  }
0x99: {  	s4 =	simm.s32 $_scs_section_size  }
0x9a: {  	s5 =	simm.s32 $_size__tile_overlayer_lowered;
	s6 =	simm.s32 $_tile_overlayer_lowered  }
0x9b: {  	s7 =	simm.s32 $0x1BFF;
	s21 =	sshll.u32 s6, $0x1;
	s4 =	sadd.s32 s4, s20  }
0x9c: {  	s22 =	simm.s32 $0x0;
	s5 =	sshll.u32 s5, $0x1;
	s6 =	sadd.s32 s21, s4  }
0x9d: {  	[timem:s22], [sflag:s7] =	dma.local [hbm:s6], s5  }
0x9e: {  	_ =	swait.ge [sflag:s7], s5  }
0x9f: {  	s5 =	ssub.s32 $0x0, s5;
	[sflag:s7] =	ssyncset.done $0x0  }
0xa0: {  	[sflag:s7] =	ssyncadd.s32 s5;
	_ =	sdelay $0x1  }
0xa1: {  	s23 =	simm.s32 $0x1B8B  }
0xa2: {  	_ =	swait.ge [sflag:s23], $0x1  }
0xa3: {  	[sflag:s23] =	ssyncset.done $0x0  }
0xa4: {  	[sflag:s23] =	ssyncadd.s32 $0xFFFFFFFF  }
0xa5: {  	s5 =	sld [smem:$0x0]  }
0xa6: {  	s6 =	sand.u32 $0xFFFFFFFE, s1  }
0xa7: {  	p0 =	sne.s32 s1, s6  }
0xa8: {  	s6 =	sshll.u32 @p0 s6, $0xE  }
0xa9: {  	s6 =	sadd.s32 @p0 $0x11B8D, s6;
	s7 =	sshll.u32 @p0 s5, $0x11  }
0xaa: {  	s6 =	sor.u32 @p0 s7, s6  }
0xab: {  	[sflag:s6] =	ssyncadd.remote.s32 @p0 $0x1;
	_ =	sdelay $0x1  }
0xac: {  	s6 =	simm.s32 @p0 $0x1B8D  }
0xad: {  	_ =	swait.eq @p0 [sflag:s6], $0x1  }
0xae: {  	[sflag:s6] =	ssyncadd.s32 @p0 $0xFFFFFFFF  }
0xaf: {  	s7 =	sshll.u32 @!p0 s1, $0xE  }
0xb0: {  	s7 =	sor.u32 @!p0 $0x4000, s7;
	s6 =	simm.s32 @!p0 $0x1B8D  }
0xb1: {  	s5 =	sshll.u32 @!p0 s5, $0x11;
	s7 =	sadd.s32 @!p0 $0x11B8D, s7;
	_ =	swait.eq @!p0 [sflag:s6], $0x1  }
0xb2: {  	s5 =	sor.u32 @!p0 s5, s7;
	[sflag:s6] =	ssyncadd.s32 @!p0 $0xFFFFFFFF  }
0xb3: {  	s25 =	simm.s32 $0x1B8E;
	s24 =	sld [smem:$0x3FFE];
	[sflag:s5] =	ssyncadd.remote.s32 @!p0 $0x1  }
0xb4: {  	s26 =	simm.s32 $execute0_lowered;
	[smem:$0x3FD2] =	sst s25  }
0xb5: {  	s6 =	sshll.u32 s26, $0x1;
	_ =	strace $0x80000049;
	[dreg:$0x1] =	wrdreg $0xFFFFFFFF  }
0xb6: {  	s28 =	simm.s32 $_size_execute0_lowered;
	s4 =	sadd.s32 s4, s6;
	[dreg:$0x0] =	wrdreg $0x0  }
0xb7: {  	s6 =	sshll.u32 s28, $0x1;
	[dreg:$0x2] =	wrdreg s4  }
0xb8: {  	[dreg:$0x3] =	wrdreg s6  }
0xb9: {  	[dreg:$0x4] =	wrdreg $0xC0  }
0xba: {  	_ =	task [dreg:s22], $0x5FFFF  }
0xbb: {  	[dreg:$0x1] =	wrdreg $0xFFFFFFFF  }
0xbc: {  	[dreg:$0x0] =	wrdreg $0x60  }
0xbd: {  	[dreg:$0x2] =	wrdreg s18  }
0xbe: {  	[dreg:$0x3] =	wrdreg s24  }
0xbf: {  	[dreg:$0x4] =	wrdreg $0x30000  }
0xc0: {  	[dreg:$0x5] =	wrdreg $0x9  }
0xc1: {  	_ =	task.clear_ibuf [dreg:s22], $0x6FFFF;
	_ =	strace $0x90000049  }
0xc2: {  	s29 =	simm.s32 $0x9;
	_ =	strace $0x8000004B  }
0xc3: {  	_ =	swait.ge [sflag:s29], $0x1  }
0xc4: {  	[sflag:s29] =	ssyncadd.s32 $0xFFFFFFFF  }
0xc5: {  	_ =	strace $0x9000004B  }
0xc6: {  	_ =	sfence  }
0xc7: {  	s30 =	sld [smem:$0x0];
	_ =	sdelay $0x2  }
0xc8: {  	s31 =	sshll.u32 s1, $0xD;
	s1 =	sshrl.u32 s1, $0x2  }
0xc9: {  	s4 =	sand.u32 $0x4000, s31;
	s1 =	sadd.s32 s1, s30  }
0xca: {  	s0 =	sor.u32 s4, s0;
	s1 =	sshll.u32 s1, $0x11  }
0xcb: {  	s0 =	sor.u32 s1, s0  }
0xcc: {  	s0 =	sadd.s32 $0x8F2B, s0  }
0xcd: {  	[sflag:s0] =	ssyncadd.remote.s32 $0x1  }
0xce: {  	_ =	sfence.sel $0xFFFF  }
0xcf: {  	[dreg:$0x0] =	wrdreg $0xFFFFFFFF;
	(pc) =	sbr.abs _section_cstart, $3  }
0xd0: {  	[dreg:$0x1] =	wrdreg $0xFFFFFFFF  }
0xd1: {  	_ =	task.clear_ibuf [dreg:s22], $0x2FFFF;
	_ =	strace $0x9FFFFFFF  }
0xd2: {  	(tm) =	ssettm $0x7FFFFFFF  }
0xd3: {  	_ =	shalt  }
tec
execute0_lowered:
.L_overlay_start_1:
0x0: {  	(tag) =	ssettag $0x1  }
0x1: {  	s7 =	rddreg [dreg:$0x0]  }
0x2: {  	s6 =	rddreg [dreg:$0x1]  }
0x3: {  	s1 =	rddreg [dreg:$0x2]  }
0x4: {  	s0 =	rddreg [dreg:$0x3];
	s2 =	simm.s32 $0x0  }
0x5: {  	s3 =	srdreg.scid;
	[smem:$0x7FF] =	sst s2  }
0x6: {  	s4 =	sadd.s32 $0xC600, s6;
	s5 =	sand.u32 $0x1, s3;
	s3 =	stileid.u32  }
0x7: {  	_ =	strace $0x8000004A;
	s8 =	smul.u32 $0x5000, s5;
	s9 =	sshll.u32 s5, $0x4  }
0x8: {  	s10 =	ssub.s32 $0x2, s5;
	s11 =	smul.u32 $0x2800, s3;
	s5 =	sadd.s32 $0xC000, s6  }
0x9: {  	s30 =	sshll.u32 s3, $0x6;
	s9 =	sor.u32 s3, s9;
	s12 =	sshrl.u32 s10, $0x1  }
0xa: {  	s9 =	smul.u32 $0x500, s9;
	s8 =	sadd.s32 s8, s6;
	s10 =	ssub.s32 s10, s12  }
0xb: {  	s31 =	sadd.s32 s11, s1;
	s6 =	sor.u32 $0x1C01, s30;
	s14 =	sshrl.u32 s11, $0x3  }
0xc: {  	s11 =	simm.s32 $0x2800;
	s12 =	simm.s32 $0x80;
	s13 =	sadd.s32 $0x16800, s8  }
0xd: {  	s8 =	smax.u32 s10, $0x1;
	s10 =	simm.s32 $0x1;
	s7 =	sadd.s32 s7, s9  }
0xe: {  	s9 =	sshrl.u32 s31, $0x3;
	s13 =	sadd.s32 s14, s13;
	s14 =	simm.s32 $0x0  }
.LBB2_1:
0xf: {  	[spmem:s9], [sflag:s6] =	dma.local [hbm:s5], $0x500  }
0x10: {  	_ =	swait.ge [sflag:s10], $0x500  }
0x11: {  	[sflag:s10] =	ssyncset.done $0x0  }
0x12: {  	[sflag:s10] =	ssyncadd.s32 $0xFFFFFB00  }
0x13: {  	[tilespmem:s11], [sflag:$0x1] =	stream.linear.gather [hbm4b:s4+s2], $0x800, $0x38;
	[tilespmem:$0x5800] =	vst v63  }
0x14: {  	_ =	swait.ge [sflag:s10], $0x800  }
0x15: {  	[sflag:s10] =	ssyncset.done $0x0  }
0x16: {  	[sflag:s10] =	ssyncadd.s32 $0xFFFFF800  }
0x17: {  	[tilespmem:s2], [sflag:$0x1] =	stream.linear.gather [hbm4b:s7+s2], $0x2800, $0x38;
	[tilespmem:$0x5800] =	vst v63  }
0x18: {  	_ =	swait.ge [sflag:s10], $0x2800  }
0x19: {  	[sflag:s10] =	ssyncset.done $0x0  }
0x1a: {  	[sflag:s10] =	ssyncadd.s32 $0xFFFFD800  }
0x1b: {  	s15 =	simm.s32 $0x0;
	[bflag:$0x0] =	sbarrier.arrive $0xFFFF  }
0x1c: {  	[spmem:s1] =	stream.indirect.scatter.add.f32 [tilespmem:s11], [sflag:$0x1], $0x10, s15, s12, $0xb8;
	[tilespmem:$0x5800] =	vst v63  }
0x1d: {  	_ =	swait.ge [sflag:s10], $0x800  }
0x1e: {  	s15 =	simm.s32 $0x200;
	[sflag:s10] =	ssyncset.done $0x0  }
.LBB2_2:
0x1f: {  	s16 =	sshra.s32 s15, $0x2;
	[sflag:s10] =	ssyncadd.s32 $0xFFFFF800;
	p0 =	sne.s32 s15, $0x9E00  }
0x20: {  	[spmem:s1] =	stream.indirect.scatter.add.f32 [tilespmem:s11], [sflag:$0x1], $0x10, s16, s12, $0xb8;
	[tilespmem:$0x5800] =	vst v63  }
.Ltmp0:
0x21: {  	_ = 	snop;
	(pc) =	sbr.rel @p0 .LBB2_2-.Ltmp0, $4  }
0x22: {  	_ = 	snop  }
0x23: {  	s15 =	sadd.s32 $0x200, s15  }
0x24: {  	_ =	swait.ge [sflag:s10], $0x800  }
0x25: {  	[sflag:s10] =	ssyncset.done $0x0  }
0x26: {  	s14 =	sadd.s32 $0x1, s14  }
0x27: {  	[sflag:s10] =	ssyncadd.s32 $0xFFFFF800;
	p0 =	sne.s32 s14, s8  }
.Ltmp1:
0x28: {  	[bflag:$0x0] =	sbarrier.arrive $0xFFFF;
	(pc) =	sbr.rel @p0 .LBB2_1-.Ltmp1, $4  }
0x29: {  	[hbm:s13], [sflag:s6] =	dma.local [spmem:s9], $0x500  }
0x2a: {  	_ =	swait.ge [sflag:s10], $0x500  }
0x2b: {  	[sflag:s10] =	ssyncset.done $0x0  }
0x2c: {  	[sflag:s10] =	ssyncadd.s32 $0xFFFFFB00  }
0x2d: {  	_ =	sfence.sel $0x180000  }
0x2e: {  	[bflag:$0x0] =	sbarrier.arrive $0xFFFF  }
0x2f: {  	p0 =	sne.s32 s3, $0x0;
	_ =	strace $0x9000004A  }
0x30: {  	s0 =	sadd.s32 @!p0 $0x100000, s0;
	[bflag:$0x2] =	sbarrier.arrive $0xFFFF  }
0x31: {  	[sflag:s0] =	ssyncadd.tile.s32 @!p0 $0x1;
	_ =	shalt  }
.Lfunc_end2:
_tile_overlayer_lowered:
.L_overlay_start_2:
0x32: {  	(tag) =	ssettag $0x2  }
0x33: {  	s0 =	rddreg [dreg:$0x0];
	s2 =	stileid.u32  }
0x34: {  	s1 =	rddreg [dreg:$0x1];
	p0 =	sne.s32 s2, $0x0  }
0x35: {  	s3 =	rddreg [dreg:$0x2];
	[bflag:$0x3] =	sbarrier.arrive $0xFFFF;
	s2 =	simm.s32 @!p0 $0x1C01  }
0x36: {  	[timem:s3], [sflag:s2] =	dma.local @!p0 [hbm:s0], s1  }
0x37: {  	s0 =	simm.s32 @!p0 $0x1  }
0x38: {  	_ =	swait.ge @!p0 [sflag:s0], s1  }
0x39: {  	s1 =	ssub.s32 @!p0 $0x0, s1;
	[sflag:s0] =	ssyncset.done @!p0 $0x0  }
0x3a: {  	[sflag:s0] =	ssyncadd.s32 @!p0 s1  }
0x3b: {  	[bflag:$0x3] =	sbarrier.arrive $0xFFFF  }
0x3c: {  	_ =	shalt  }

// kernel: kernel.16.cloned.1.call-start
scs
__scs_entry_jumppad:
0x0: {  	(pc) =	sbr.rel $0x88, $3  }
0x1: {  	(tag) =	ssettag $0x0;
	lr =	simm.s32 $0x1  }
0x2: {  	[smem:$0x3F9B] =	sst lr;
	_ =	strace $0xD0000000  }
0x3: {  	_ = 	snop  }
0x4: {  	_ = 	snop  }
0x5: {  	_ = 	snop  }
0x6: {  	_ = 	snop  }
0x7: {  	_ = 	snop  }
__scs_overlays_trampoline_lowered:
0x8: {  	[smem:$0x3FAA] =	sst s0  }
0x9: {  	[smem:$0x3FAB] =	sst s1  }
0xa: {  	[smem:$0x3FAC] =	sst s2  }
0xb: {  	[smem:$0x3FAD] =	sst s3  }
0xc: {  	[smem:$0x3FAE] =	sst s4  }
0xd: {  	[smem:$0x3FAF] =	sst s5  }
0xe: {  	[smem:$0x3FB0] =	sst s6  }
0xf: {  	[smem:$0x3FB1] =	sst s7  }
0x10: {  	[smem:$0x3FB2] =	sst s8  }
0x11: {  	[smem:$0x3FB3] =	sst s9;
	s0 =	simm.s32 @!p0 $0x0  }
0x12: {  	s1 =	sld [smem:$0x3F99];
	s0 =	simm.s32 @p0 $0x1  }
0x13: {  	[smem:$0x3FB4] =	sst s0;
	s0 =	simm.s32 @!p1 $0x0  }
0x14: {  	s2 =	sld [smem:$0x3F98];
	s0 =	simm.s32 @p1 $0x1  }
0x15: {  	[smem:$0x3FB5] =	sst s0;
	s0 =	simm.s32 @!p2 $0x0  }
0x16: {  	s3 =	sld [smem:$0x3FDB];
	s0 =	simm.s32 @p2 $0x1  }
0x17: {  	s4 =	simm.s32 $0x1BF5;
	[smem:$0x3FB7] =	sst s0  }
0x18: {  	s0 =	sld [smem:$0x3F9A];
	_ =	swait.ge [sflag:s4], $0x0  }
0x19: {  	s7 =	sld [smem:$0x3F9B]  }
0x1a: {  	s8 =	sadd.s32 $0xFFFFE003, lr  }
0x1b: {  	s9 =	sadd.s32 $0xFFFFFEF7, lr;
	s5 =	simm.s32 $0xFFFFFFFF;
	p2 =	slt.u32 s8, $0xFFFFF086  }
0x1c: {  	p1 =	slt.u32 s9, $0xF7A;
	s5 =	simm.s32 @!p2 $0x0  }
0x1d: {  	s5 =	simm.s32 @p1 $0x1;
	p0 =	seq.s32 s7, s2  }
0x1e: {  	s7 =	smul.u32 @!p0 $0xF7A, s2;
	p2 =	seq.s32 @!p0 s5, $0x0  }
0x1f: {  	s9 =	smul.u32 $0xF7A, s1;
	s8 =	simm.s32 @!p0 $0x1BF5;
	p2 =	por !p2, p0  }
0x20: {  	[sflag:s8] =	ssyncset.s32 @!p0 $0xFFFFF086;
	s6 =	sadd.s32 @!p0 s3, s7;
	s7 =	simm.s32 @!p0 $0x108  }
0x21: {  	s3 =	sadd.s32 s3, s9;
	s6 =	sadd.s32 @!p0 $0x88, s6;
	s7 =	simm.s32 @p2 $0x1082  }
0x22: {  	[simem:s7], [sflag:s8] =	dma.local @!p0 [hbm:s6], $0xF7A  }
0x23: {  	s9 =	sor.u32 $0xD0000000, s2;
	s6 =	simm.s32 $0x108;
	_ =	swait.ge @!p0 [sflag:s8], $0x0  }
0x24: {  	s3 =	sadd.s32 $0x88, s3;
	s6 =	simm.s32 @!p1 $0x1082;
	[sflag:s4] =	ssyncset.s32 $0xFFFFF086  }
0x25: {  	[simem:s6], [sflag:s4] =	dma.local [hbm:s3], $0xF7A  }
0x26: {  	[smem:$0x3F9B] =	sst s1;
	(tag) =	ssettag s2;
	_ =	strace s9  }
0x27: {  	s1 =	sld [smem:$0x3FAB]  }
0x28: {  	s2 =	sld [smem:$0x3FAC]  }
0x29: {  	s4 =	sld [smem:$0x3FAE]  }
0x2a: {  	p0 =	seq.s32 s5, $0x0;
	s5 =	sld [smem:$0x3FAF]  }
0x2b: {  	s6 =	sld [smem:$0x3FB0]  }
0x2c: {  	s7 =	sld [smem:$0x3FB1]  }
0x2d: {  	s3 =	simm.s32 $0x108;
	s8 =	sld [smem:$0x3FB2]  }
0x2e: {  	s3 =	simm.s32 @!p0 $0x1082;
	s9 =	sld [smem:$0x3FB3]  }
0x2f: {  	lr =	sadd.s32 s0, s3;
	s0 =	sld [smem:$0x3FAA]  }
0x30: {  	s3 =	sld [smem:$0x3FAD]  }
0x31: {  	[smem:$0x3FB6] =	sst s10  }
0x32: {  	s10 =	sld [smem:$0x3FB4];
	_ =	sdelay $0x3  }
0x33: {  	p0 =	seq.s32 s10, $0x1;
	s10 =	sld [smem:$0x3FB6];
	_ =	sdelay $0x3  }
0x34: {  	[smem:$0x3FB6] =	sst s10  }
0x35: {  	s10 =	sld [smem:$0x3FB5];
	_ =	sdelay $0x3  }
0x36: {  	p1 =	seq.s32 s10, $0x1;
	s10 =	sld [smem:$0x3FB6];
	_ =	sdelay $0x3  }
0x37: {  	[smem:$0x3FB6] =	sst s10  }
0x38: {  	s10 =	sld [smem:$0x3FB7]  }
0x39: {  	_ = 	snop;
	(pc) =	sbr.ind lr, $3  }
0x3a: {  	_ = 	snop  }
0x3b: {  	_ = 	snop  }
0x3c: {  	p2 =	seq.s32 s10, $0x1;
	s10 =	sld [smem:$0x3FB6]  }
0x3d: {  	_ =	shalt  }
0x3e: {  	_ =	shalt  }
0x3f: {  	_ =	shalt  }
0x40: {  	_ =	shalt  }
0x41: {  	_ =	shalt  }
0x42: {  	_ =	shalt  }
0x43: {  	_ =	shalt  }
0x44: {  	_ =	shalt  }
0x45: {  	_ =	shalt  }
0x46: {  	_ =	shalt  }
0x47: {  	_ =	shalt  }
0x48: {  	_ =	shalt  }
0x49: {  	_ =	shalt  }
0x4a: {  	_ =	shalt  }
0x4b: {  	_ =	shalt  }
0x4c: {  	_ =	shalt  }
0x4d: {  	_ =	shalt  }
0x4e: {  	_ =	shalt  }
0x4f: {  	_ =	shalt  }
0x50: {  	_ =	shalt  }
0x51: {  	_ =	shalt  }
0x52: {  	_ =	shalt  }
0x53: {  	_ =	shalt  }
0x54: {  	_ =	shalt  }
0x55: {  	_ =	shalt  }
0x56: {  	_ =	shalt  }
0x57: {  	_ =	shalt  }
0x58: {  	_ =	shalt  }
0x59: {  	_ =	shalt  }
0x5a: {  	_ =	shalt  }
0x5b: {  	_ =	shalt  }
0x5c: {  	_ =	shalt  }
0x5d: {  	_ =	shalt  }
0x5e: {  	_ =	shalt  }
0x5f: {  	_ =	shalt  }
0x60: {  	_ =	shalt  }
0x61: {  	_ =	shalt  }
0x62: {  	_ =	shalt  }
0x63: {  	_ =	shalt  }
0x64: {  	_ =	shalt  }
0x65: {  	_ =	shalt  }
0x66: {  	_ =	shalt  }
0x67: {  	_ =	shalt  }
0x68: {  	_ =	shalt  }
0x69: {  	_ =	shalt  }
0x6a: {  	_ =	shalt  }
0x6b: {  	_ =	shalt  }
0x6c: {  	_ =	shalt  }
0x6d: {  	_ =	shalt  }
0x6e: {  	_ =	shalt  }
0x6f: {  	_ =	shalt  }
0x70: {  	_ =	shalt  }
0x71: {  	_ =	shalt  }
0x72: {  	_ =	shalt  }
0x73: {  	_ =	shalt  }
0x74: {  	_ =	shalt  }
0x75: {  	_ =	shalt  }
0x76: {  	_ =	shalt  }
0x77: {  	_ =	shalt  }
0x78: {  	_ =	shalt  }
0x79: {  	_ =	shalt  }
0x7a: {  	_ =	shalt  }
0x7b: {  	_ =	shalt  }
0x7c: {  	_ =	shalt  }
0x7d: {  	_ =	shalt  }
0x7e: {  	_ =	shalt  }
0x7f: {  	_ =	shalt  }
0x80: {  	_ =	shalt  }
0x81: {  	_ =	shalt  }
0x82: {  	_ =	shalt  }
0x83: {  	_ =	shalt  }
0x84: {  	_ =	shalt  }
0x85: {  	_ =	shalt  }
0x86: {  	_ =	shalt  }
0x87: {  	_ =	shalt  }
.Lfunc_end0:
.L_simem_size_0:
called_computation.2_lowered:
.L_overlay_start_0:
0x88: {  	s2 =	sld [smem:$0x3FD9]  }
0x89: {  	s3 =	sld [smem:$0x3FFE];
	_ =	sdelay $0x1  }
0x8a: {  	s1 =	srdreg.scid  }
0x8b: {  	s0 =	sand.u32 $0x1, s1  }
0x8c: {  	s17 =	sshll.u32 s0, $0xA;
	s2 =	sadd.s32 s3, s2  }
0x8d: {  	s2 =	sadd.s32 s2, s17  }
0x8e: {  	[smem:$0x3FC2] =	sst s2  }
0x8f: {  	_ = 	snop  }
0x90: {  	s18 =	sld [smem:$0x3FD0];
	(tm) =	ssettm $0x1  }
0x91: {  	s19 =	sld [smem:$0x3FFB];
	_ =	sdelay $0x3  }
0x92: {  	_ =	strace s19  }
0x93: {  	s2 =	sld [smem:$0x3FFC];
	_ =	sdelay $0x3  }
0x94: {  	_ =	strace s2  }
0x95: {  	s2 =	sld [smem:$0x3FFD];
	_ =	sdelay $0x3  }
0x96: {  	_ =	strace s2  }
0x97: {  	_ =	strace $0x8FFFFFFF  }
0x98: {  	s20 =	sld [smem:$0x3FDB];
	_ =	sdelay $0x1  }
0x99: {  	s4 =	simm.s32 $_scs_section_size  }
0x9a: {  	s5 =	simm.s32 $_size__tile_overlayer_lowered;
	s6 =	simm.s32 $_tile_overlayer_lowered  }
0x9b: {  	s7 =	simm.s32 $0x1BFF;
	s21 =	sshll.u32 s6, $0x1;
	s4 =	sadd.s32 s4, s20  }
0x9c: {  	s22 =	simm.s32 $0x0;
	s5 =	sshll.u32 s5, $0x1;
	s6 =	sadd.s32 s21, s4  }
0x9d: {  	[timem:s22], [sflag:s7] =	dma.local [hbm:s6], s5  }
0x9e: {  	_ =	swait.ge [sflag:s7], s5  }
0x9f: {  	s5 =	ssub.s32 $0x0, s5;
	[sflag:s7] =	ssyncset.done $0x0  }
0xa0: {  	[sflag:s7] =	ssyncadd.s32 s5;
	_ =	sdelay $0x1  }
0xa1: {  	s23 =	simm.s32 $0x1B8B  }
0xa2: {  	_ =	swait.ge [sflag:s23], $0x1  }
0xa3: {  	[sflag:s23] =	ssyncset.done $0x0  }
0xa4: {  	[sflag:s23] =	ssyncadd.s32 $0xFFFFFFFF  }
0xa5: {  	s5 =	sld [smem:$0x0]  }
0xa6: {  	s6 =	sand.u32 $0xFFFFFFFE, s1  }
0xa7: {  	p0 =	sne.s32 s1, s6  }
0xa8: {  	s6 =	sshll.u32 @p0 s6, $0xE  }
0xa9: {  	s6 =	sadd.s32 @p0 $0x11B8D, s6;
	s7 =	sshll.u32 @p0 s5, $0x11  }
0xaa: {  	s6 =	sor.u32 @p0 s7, s6  }
0xab: {  	[sflag:s6] =	ssyncadd.remote.s32 @p0 $0x1;
	_ =	sdelay $0x1  }
0xac: {  	s6 =	simm.s32 @p0 $0x1B8D  }
0xad: {  	_ =	swait.eq @p0 [sflag:s6], $0x1  }
0xae: {  	[sflag:s6] =	ssyncadd.s32 @p0 $0xFFFFFFFF  }
0xaf: {  	s7 =	sshll.u32 @!p0 s1, $0xE  }
0xb0: {  	s7 =	sor.u32 @!p0 $0x4000, s7;
	s6 =	simm.s32 @!p0 $0x1B8D  }
0xb1: {  	s5 =	sshll.u32 @!p0 s5, $0x11;
	s7 =	sadd.s32 @!p0 $0x11B8D, s7;
	_ =	swait.eq @!p0 [sflag:s6], $0x1  }
0xb2: {  	s5 =	sor.u32 @!p0 s5, s7;
	[sflag:s6] =	ssyncadd.s32 @!p0 $0xFFFFFFFF  }
0xb3: {  	s25 =	simm.s32 $0x1B8E;
	s24 =	sld [smem:$0x3FFE];
	[sflag:s5] =	ssyncadd.remote.s32 @!p0 $0x1  }
0xb4: {  	s26 =	simm.s32 $execute0_lowered;
	[smem:$0x3FD2] =	sst s25  }
0xb5: {  	s6 =	sshll.u32 s26, $0x1;
	_ =	strace $0x8000004C;
	[dreg:$0x1] =	wrdreg $0xFFFFFFFF  }
0xb6: {  	s28 =	simm.s32 $_size_execute0_lowered;
	s4 =	sadd.s32 s4, s6;
	[dreg:$0x0] =	wrdreg $0x0  }
0xb7: {  	s6 =	sshll.u32 s28, $0x1;
	[dreg:$0x2] =	wrdreg s4  }
0xb8: {  	[dreg:$0x3] =	wrdreg s6  }
0xb9: {  	[dreg:$0x4] =	wrdreg $0xC0  }
0xba: {  	_ =	task [dreg:s22], $0x5FFFF  }
0xbb: {  	[dreg:$0x1] =	wrdreg $0xFFFFFFFF  }
0xbc: {  	[dreg:$0x0] =	wrdreg $0x60  }
0xbd: {  	[dreg:$0x2] =	wrdreg s24  }
0xbe: {  	[dreg:$0x3] =	wrdreg s18  }
0xbf: {  	[dreg:$0x4] =	wrdreg $0xA8000  }
0xc0: {  	[dreg:$0x5] =	wrdreg $0xA  }
0xc1: {  	_ =	task.clear_ibuf [dreg:s22], $0x6FFFF;
	_ =	strace $0x9000004C  }
0xc2: {  	s29 =	simm.s32 $0xA;
	_ =	strace $0x8000004E  }
0xc3: {  	_ =	swait.ge [sflag:s29], $0x1  }
0xc4: {  	[sflag:s29] =	ssyncadd.s32 $0xFFFFFFFF  }
0xc5: {  	_ =	strace $0x9000004E  }
0xc6: {  	_ =	sfence  }
0xc7: {  	s30 =	sld [smem:$0x0];
	_ =	sdelay $0x2  }
0xc8: {  	s31 =	sshll.u32 s1, $0xD;
	s1 =	sshrl.u32 s1, $0x2  }
0xc9: {  	s4 =	sand.u32 $0x4000, s31;
	s1 =	sadd.s32 s1, s30  }
0xca: {  	s0 =	sor.u32 s4, s0;
	s1 =	sshll.u32 s1, $0x11  }
0xcb: {  	s0 =	sor.u32 s1, s0  }
0xcc: {  	s0 =	sadd.s32 $0x8F2B, s0  }
0xcd: {  	[sflag:s0] =	ssyncadd.remote.s32 $0x1  }
0xce: {  	_ =	sfence.sel $0xFFFF  }
0xcf: {  	[dreg:$0x0] =	wrdreg $0xFFFFFFFF;
	(pc) =	sbr.abs _section_cstart, $3  }
0xd0: {  	[dreg:$0x1] =	wrdreg $0xFFFFFFFF  }
0xd1: {  	_ =	task.clear_ibuf [dreg:s22], $0x2FFFF;
	_ =	strace $0x9FFFFFFF  }
0xd2: {  	(tm) =	ssettm $0x7FFFFFFF  }
0xd3: {  	_ =	shalt  }
tec
execute0_lowered:
.L_overlay_start_1:
0x0: {  	(tag) =	ssettag $0x1  }
0x1: {  	s6 =	rddreg [dreg:$0x0]  }
0x2: {  	s0 =	srdreg.scid;
	s8 =	rddreg [dreg:$0x1]  }
0x3: {  	s2 =	rddreg [dreg:$0x2];
	s1 =	stileid.u32;
	s3 =	simm.s32 $0x0  }
0x4: {  	s14 =	simm.s32 $0x2800;
	s15 =	simm.s32 $0x6800;
	s16 =	simm.s32 $0x1  }
0x5: {  	s17 =	simm.s32 $0x2;
	s18 =	simm.s32 $0x2700;
	s19 =	simm.s32 $0x2780  }
0x6: {  	s5 =	sand.u32 $0x1, s0;
	s0 =	rddreg [dreg:$0x3];
	s12 =	smul.u32 $0x50000, s1  }
0x7: {  	[smem:$0x7FF] =	sst s3;
	s31 =	sshll.u32 s1, $0x6;
	s23 =	smul.u32 $0x2800, s1  }
0x8: {  	s4 =	sshll.u32 s5, $0x4;
	_ =	strace $0x8000004D;
	s7 =	smul.u32 $0x28000, s5  }
0x9: {  	s11 =	ssub.s32 $0x2, s5;
	s5 =	sadd.s32 $0xC800, s6;
	s4 =	sor.u32 s1, s4  }
0xa: {  	s29 =	sshrl.u32 s11, $0x1;
	s30 =	sshrl.u32 s12, $0x2;
	s9 =	smul.u32 $0x500, s4  }
0xb: {  	s4 =	sadd.s32 $0x70800, s6;
	s13 =	sadd.s32 s7, s6;
	s11 =	ssub.s32 s11, s29  }
0xc: {  	s12 =	sadd.s32 s30, s2;
	s22 =	sadd.s32 $0x98800, s13;
	s13 =	simm.s32 $0x80  }
0xd: {  	s10 =	sadd.s32 s9, s6;
	s6 =	sor.u32 $0x1C03, s31;
	s8 =	sadd.s32 s8, s9  }
0xe: {  	s9 =	smax.u32 s11, $0x1;
	s11 =	simm.s32 $0x3;
	s22 =	sadd.s32 s23, s22  }
0xf: {  	s23 =	simm.s32 $0x0;
	s7 =	sadd.s32 $0x2000, s10;
	s10 =	sshrl.u32 s12, $0x3  }
0x10: {  	s12 =	simm.s32 $0x1400;
	s21 =	sadd.s32 $0x280, s8;
	s20 =	sadd.s32 $0x280, s7  }
.LBB2_1:
0x11: {  	[spmem:s10], [sflag:s6] =	dma.local [hbm:s5], $0x2800  }
0x12: {  	_ =	swait.ge [sflag:s11], $0x2800  }
0x13: {  	[sflag:s11] =	ssyncset.done $0x0  }
0x14: {  	[sflag:s11] =	ssyncadd.s32 $0xFFFFD800  }
0x15: {  	[bflag:$0x0] =	sbarrier.arrive $0xFFFF  }
0x16: {  	[tilespmem:s3], [sflag:$0x3] =	stream.linear.gather [hbm4b:s7+s3], $0x1400, $0x38;
	[tilespmem:$0x1E800] =	vst v63  }
0x17: {  	_ =	swait.ge [sflag:s11], $0x1400  }
0x18: {  	[sflag:s11] =	ssyncset.done $0x0  }
0x19: {  	[sflag:s11] =	ssyncadd.s32 $0xFFFFEC00  }
0x1a: {  	[tilespmem:s12], [sflag:$0x3] =	stream.linear.gather [hbm4b:s8+s3], $0x1400, $0x38;
	[tilespmem:$0x1E800] =	vst v63  }
0x1b: {  	_ =	swait.ge [sflag:s11], $0x1400  }
0x1c: {  	[sflag:s11] =	ssyncset.done $0x0  }
0x1d: {  	[sflag:s11] =	ssyncadd.s32 $0xFFFFEC00  }
0x1e: {  	[tilespmem:s14], [sflag:$0x1] =	stream.indirect.gather [hbm4b:s4+s13], $0x80, s3, s13, $0xb8;
	[tilespmem:$0x1E800] =	vst v63  }
0x1f: {  	_ = 	snop  }
0x20: {  	[tilespmem:s15], [sflag:$0x2] =	stream.indirect.gather [hbm4b:s4+s13], $0x80, s13, s13, $0xb8;
	[tilespmem:$0x1E800] =	vst v63  }
0x21: {  	_ =	swait.ge [sflag:s16], $0x4000  }
0x22: {  	[sflag:s16] =	ssyncset.done $0x0  }
0x23: {  	s24 =	simm.s32 $0x1400;
	[sflag:s16] =	ssyncadd.s32 $0xFFFFC000  }
0x24: {  	[spmem:s2] =	stream.indirect.scatter.add.f32 [tilespmem:s14], [sflag:$0x3], $0x80, s24, s13, $0xb8;
	[tilespmem:$0x1E800] =	vst v63  }
0x25: {  	_ =	swait.ge [sflag:s11], $0x4000  }
0x26: {  	[sflag:s11] =	ssyncset.done $0x0  }
0x27: {  	s30 =	simm.s32 $0x100;
	[sflag:s11] =	ssyncadd.s32 $0xFFFFC000  }
0x28: {  	[tilespmem:s14], [sflag:$0x1] =	stream.indirect.gather [hbm4b:s4+s13], $0x80, s30, s13, $0xb8;
	[tilespmem:$0x1E800] =	vst v63  }
0x29: {  	_ =	swait.ge [sflag:s17], $0x4000  }
0x2a: {  	[sflag:s17] =	ssyncset.done $0x0  }
0x2b: {  	s31 =	simm.s32 $0x1480;
	[sflag:s17] =	ssyncadd.s32 $0xFFFFC000  }
0x2c: {  	[spmem:s2] =	stream.indirect.scatter.add.f32 [tilespmem:s15], [sflag:$0x3], $0x80, s31, s13, $0xb8;
	[tilespmem:$0x1E800] =	vst v63  }
0x2d: {  	_ =	swait.ge [sflag:s11], $0x4000  }
0x2e: {  	[sflag:s11] =	ssyncset.done $0x0  }
0x2f: {  	s25 =	simm.s32 $0x180;
	s24 =	simm.s32 $0x400;
	[sflag:s11] =	ssyncadd.s32 $0xFFFFC000  }
.LBB2_2:
0x30: {  	[tilespmem:s15], [sflag:$0x2] =	stream.indirect.gather [hbm4b:s4+s13], $0x80, s25, s13, $0xb8;
	[tilespmem:$0x1E800] =	vst v63  }
0x31: {  	s25 =	smov.u32 s24  }
0x32: {  	p0 =	sne.s32 s24, $0x4800;
	s24 =	sadd.s32 $0x400, s24;
	_ =	swait.ge [sflag:s16], $0x4000  }
0x33: {  	s25 =	sshra.s32 s25, $0x2;
	[sflag:s16] =	ssyncset.done $0x0  }
0x34: {  	s26 =	sadd.s32 $0x1400, s25;
	[sflag:s16] =	ssyncadd.s32 $0xFFFFC000  }
0x35: {  	[spmem:s2] =	stream.indirect.scatter.add.f32 [tilespmem:s14], [sflag:$0x3], $0x80, s26, s13, $0xb8;
	[tilespmem:$0x1E800] =	vst v63  }
0x36: {  	_ =	swait.ge [sflag:s11], $0x4000  }
0x37: {  	[sflag:s11] =	ssyncset.done $0x0  }
0x38: {  	s26 =	sadd.s32 $0x100, s25;
	[sflag:s11] =	ssyncadd.s32 $0xFFFFC000  }
0x39: {  	[tilespmem:s14], [sflag:$0x1] =	stream.indirect.gather [hbm4b:s4+s13], $0x80, s26, s13, $0xb8;
	[tilespmem:$0x1E800] =	vst v63  }
0x3a: {  	_ =	swait.ge [sflag:s17], $0x4000  }
0x3b: {  	[sflag:s17] =	ssyncset.done $0x0  }
.Ltmp0:
0x3c: {  	s26 =	sadd.s32 $0x1480, s25;
	[sflag:s17] =	ssyncadd.s32 $0xFFFFC000;
	(pc) =	sbr.rel @p0 .LBB2_2-.Ltmp0, $4  }
0x3d: {  	[spmem:s2] =	stream.indirect.scatter.add.f32 [tilespmem:s15], [sflag:$0x3], $0x80, s26, s13, $0xb8;
	[tilespmem:$0x1E800] =	vst v63  }
0x3e: {  	_ =	swait.ge [sflag:s11], $0x4000  }
0x3f: {  	[sflag:s11] =	ssyncset.done $0x0  }
0x40: {  	s25 =	sadd.s32 $0x180, s25;
	[sflag:s11] =	ssyncadd.s32 $0xFFFFC000  }
0x41: {  	[tilespmem:s15], [sflag:$0x2] =	stream.indirect.gather [hbm4b:s4+s13], $0x80, s25, s13, $0xb8;
	[tilespmem:$0x1E800] =	vst v63  }
0x42: {  	_ =	swait.ge [sflag:s16], $0x4000  }
0x43: {  	[sflag:s16] =	ssyncset.done $0x0  }
0x44: {  	[sflag:s16] =	ssyncadd.s32 $0xFFFFC000  }
0x45: {  	[spmem:s2] =	stream.indirect.scatter.add.f32 [tilespmem:s14], [sflag:$0x3], $0x80, s18, s13, $0xb8;
	[tilespmem:$0x1E800] =	vst v63  }
0x46: {  	_ =	swait.ge [sflag:s11], $0x4000  }
0x47: {  	[sflag:s11] =	ssyncset.done $0x0  }
0x48: {  	[sflag:s11] =	ssyncadd.s32 $0xFFFFC000  }
0x49: {  	_ =	swait.ge [sflag:s17], $0x4000  }
0x4a: {  	[sflag:s17] =	ssyncset.done $0x0  }
0x4b: {  	[sflag:s17] =	ssyncadd.s32 $0xFFFFC000  }
0x4c: {  	[spmem:s2] =	stream.indirect.scatter.add.f32 [tilespmem:s15], [sflag:$0x3], $0x80, s19, s13, $0xb8;
	[tilespmem:$0x1E800] =	vst v63  }
0x4d: {  	_ =	swait.ge [sflag:s11], $0x4000  }
0x4e: {  	[sflag:s11] =	ssyncset.done $0x0  }
0x4f: {  	s24 =	simm.s32 $0x0;
	[sflag:s11] =	ssyncadd.s32 $0xFFFFC000  }
0x50: {  	[tilespmem:s24], [sflag:$0x3] =	stream.linear.gather [hbm4b:s20+s24], $0x1400, $0x38;
	[tilespmem:$0x1E800] =	vst v63  }
0x51: {  	_ =	swait.ge [sflag:s11], $0x1400  }
0x52: {  	[sflag:s11] =	ssyncset.done $0x0  }
0x53: {  	[sflag:s11] =	ssyncadd.s32 $0xFFFFEC00  }
0x54: {  	[tilespmem:s12], [sflag:$0x3] =	stream.linear.gather [hbm4b:s21+s24], $0x1400, $0x38;
	[tilespmem:$0x1E800] =	vst v63  }
0x55: {  	_ =	swait.ge [sflag:s11], $0x1400  }
0x56: {  	[sflag:s11] =	ssyncset.done $0x0  }
0x57: {  	[sflag:s11] =	ssyncadd.s32 $0xFFFFEC00  }
0x58: {  	[tilespmem:s14], [sflag:$0x1] =	stream.indirect.gather [hbm4b:s4+s13], $0x80, s24, s13, $0xb8;
	[tilespmem:$0x1E800] =	vst v63  }
0x59: {  	_ = 	snop  }
0x5a: {  	[tilespmem:s15], [sflag:$0x2] =	stream.indirect.gather [hbm4b:s4+s13], $0x80, s13, s13, $0xb8;
	[tilespmem:$0x1E800] =	vst v63  }
0x5b: {  	_ =	swait.ge [sflag:s16], $0x4000  }
0x5c: {  	[sflag:s16] =	ssyncset.done $0x0  }
0x5d: {  	s29 =	simm.s32 $0x1400;
	[sflag:s16] =	ssyncadd.s32 $0xFFFFC000  }
0x5e: {  	[spmem:s2] =	stream.indirect.scatter.add.f32 [tilespmem:s14], [sflag:$0x3], $0x80, s29, s13, $0xb8;
	[tilespmem:$0x1E800] =	vst v63  }
0x5f: {  	_ =	swait.ge [sflag:s11], $0x4000  }
0x60: {  	[sflag:s11] =	ssyncset.done $0x0  }
0x61: {  	s30 =	simm.s32 $0x100;
	[sflag:s11] =	ssyncadd.s32 $0xFFFFC000  }
0x62: {  	[tilespmem:s14], [sflag:$0x1] =	stream.indirect.gather [hbm4b:s4+s13], $0x80, s30, s13, $0xb8;
	[tilespmem:$0x1E800] =	vst v63  }
0x63: {  	_ =	swait.ge [sflag:s17], $0x4000  }
0x64: {  	[sflag:s17] =	ssyncset.done $0x0  }
0x65: {  	s31 =	simm.s32 $0x1480;
	[sflag:s17] =	ssyncadd.s32 $0xFFFFC000  }
0x66: {  	[spmem:s2] =	stream.indirect.scatter.add.f32 [tilespmem:s15], [sflag:$0x3], $0x80, s31, s13, $0xb8;
	[tilespmem:$0x1E800] =	vst v63  }
0x67: {  	_ =	swait.ge [sflag:s11], $0x4000  }
0x68: {  	[sflag:s11] =	ssyncset.done $0x0  }
0x69: {  	s25 =	simm.s32 $0x180;
	s24 =	simm.s32 $0x400;
	[sflag:s11] =	ssyncadd.s32 $0xFFFFC000  }
.LBB2_4:
0x6a: {  	[tilespmem:s15], [sflag:$0x2] =	stream.indirect.gather [hbm4b:s4+s13], $0x80, s25, s13, $0xb8;
	[tilespmem:$0x1E800] =	vst v63  }
0x6b: {  	s25 =	smov.u32 s24  }
0x6c: {  	p0 =	sne.s32 s24, $0x4800;
	s24 =	sadd.s32 $0x400, s24;
	_ =	swait.ge [sflag:s16], $0x4000  }
0x6d: {  	s25 =	sshra.s32 s25, $0x2;
	[sflag:s16] =	ssyncset.done $0x0  }
0x6e: {  	s26 =	sadd.s32 $0x1400, s25;
	[sflag:s16] =	ssyncadd.s32 $0xFFFFC000  }
0x6f: {  	[spmem:s2] =	stream.indirect.scatter.add.f32 [tilespmem:s14], [sflag:$0x3], $0x80, s26, s13, $0xb8;
	[tilespmem:$0x1E800] =	vst v63  }
0x70: {  	_ =	swait.ge [sflag:s11], $0x4000  }
0x71: {  	[sflag:s11] =	ssyncset.done $0x0  }
0x72: {  	s26 =	sadd.s32 $0x100, s25;
	[sflag:s11] =	ssyncadd.s32 $0xFFFFC000  }
0x73: {  	[tilespmem:s14], [sflag:$0x1] =	stream.indirect.gather [hbm4b:s4+s13], $0x80, s26, s13, $0xb8;
	[tilespmem:$0x1E800] =	vst v63  }
0x74: {  	_ =	swait.ge [sflag:s17], $0x4000  }
0x75: {  	[sflag:s17] =	ssyncset.done $0x0  }
.Ltmp1:
0x76: {  	s26 =	sadd.s32 $0x1480, s25;
	[sflag:s17] =	ssyncadd.s32 $0xFFFFC000;
	(pc) =	sbr.rel @p0 .LBB2_4-.Ltmp1, $4  }
0x77: {  	[spmem:s2] =	stream.indirect.scatter.add.f32 [tilespmem:s15], [sflag:$0x3], $0x80, s26, s13, $0xb8;
	[tilespmem:$0x1E800] =	vst v63  }
0x78: {  	_ =	swait.ge [sflag:s11], $0x4000  }
0x79: {  	[sflag:s11] =	ssyncset.done $0x0  }
0x7a: {  	s25 =	sadd.s32 $0x180, s25;
	[sflag:s11] =	ssyncadd.s32 $0xFFFFC000  }
0x7b: {  	[tilespmem:s15], [sflag:$0x2] =	stream.indirect.gather [hbm4b:s4+s13], $0x80, s25, s13, $0xb8;
	[tilespmem:$0x1E800] =	vst v63  }
0x7c: {  	_ =	swait.ge [sflag:s16], $0x4000  }
0x7d: {  	[sflag:s16] =	ssyncset.done $0x0  }
0x7e: {  	[sflag:s16] =	ssyncadd.s32 $0xFFFFC000  }
0x7f: {  	[spmem:s2] =	stream.indirect.scatter.add.f32 [tilespmem:s14], [sflag:$0x3], $0x80, s18, s13, $0xb8;
	[tilespmem:$0x1E800] =	vst v63  }
0x80: {  	_ =	swait.ge [sflag:s11], $0x4000  }
0x81: {  	[sflag:s11] =	ssyncset.done $0x0  }
0x82: {  	[sflag:s11] =	ssyncadd.s32 $0xFFFFC000  }
0x83: {  	_ =	swait.ge [sflag:s17], $0x4000  }
0x84: {  	[sflag:s17] =	ssyncset.done $0x0  }
0x85: {  	[sflag:s17] =	ssyncadd.s32 $0xFFFFC000  }
0x86: {  	[spmem:s2] =	stream.indirect.scatter.add.f32 [tilespmem:s15], [sflag:$0x3], $0x80, s19, s13, $0xb8;
	[tilespmem:$0x1E800] =	vst v63  }
0x87: {  	_ =	swait.ge [sflag:s11], $0x4000  }
0x88: {  	s23 =	sadd.s32 $0x1, s23;
	[sflag:s11] =	ssyncset.done $0x0  }
0x89: {  	p0 =	sne.s32 s23, s9;
	[sflag:s11] =	ssyncadd.s32 $0xFFFFC000  }
.Ltmp2:
0x8a: {  	[bflag:$0x0] =	sbarrier.arrive $0xFFFF;
	(pc) =	sbr.rel @p0 .LBB2_1-.Ltmp2, $4  }
0x8b: {  	[hbm:s22], [sflag:s6] =	dma.local [spmem:s10], $0x2800  }
0x8c: {  	_ =	swait.ge [sflag:s11], $0x2800  }
0x8d: {  	[sflag:s11] =	ssyncset.done $0x0  }
0x8e: {  	[sflag:s11] =	ssyncadd.s32 $0xFFFFD800  }
0x8f: {  	_ =	sfence.sel $0x180000  }
0x90: {  	[bflag:$0x0] =	sbarrier.arrive $0xFFFF  }
0x91: {  	p0 =	sne.s32 s1, $0x0;
	_ =	strace $0x9000004D  }
0x92: {  	s0 =	sadd.s32 @!p0 $0x100000, s0;
	[bflag:$0x2] =	sbarrier.arrive $0xFFFF  }
0x93: {  	[sflag:s0] =	ssyncadd.tile.s32 @!p0 $0x1;
	_ =	shalt  }
.Lfunc_end2:
_tile_overlayer_lowered:
.L_overlay_start_2:
0x94: {  	(tag) =	ssettag $0x2  }
0x95: {  	s0 =	rddreg [dreg:$0x0];
	s2 =	stileid.u32  }
0x96: {  	s1 =	rddreg [dreg:$0x1];
	p0 =	sne.s32 s2, $0x0  }
0x97: {  	s3 =	rddreg [dreg:$0x2];
	[bflag:$0x3] =	sbarrier.arrive $0xFFFF;
	s2 =	simm.s32 @!p0 $0x1C03  }
0x98: {  	[timem:s3], [sflag:s2] =	dma.local @!p0 [hbm:s0], s1  }
0x99: {  	s0 =	simm.s32 @!p0 $0x3  }
0x9a: {  	_ =	swait.ge @!p0 [sflag:s0], s1  }
0x9b: {  	s1 =	ssub.s32 @!p0 $0x0, s1;
	[sflag:s0] =	ssyncset.done @!p0 $0x0  }
0x9c: {  	[sflag:s0] =	ssyncadd.s32 @!p0 s1  }
0x9d: {  	[bflag:$0x3] =	sbarrier.arrive $0xFFFF  }
0x9e: {  	_ =	shalt  }

// kernel: kernel.19.cloned.1.call-start
scs
__scs_entry_jumppad:
0x0: {  	(pc) =	sbr.rel $0x88, $3  }
0x1: {  	(tag) =	ssettag $0x0;
	lr =	simm.s32 $0x1  }
0x2: {  	[smem:$0x3F9B] =	sst lr;
	_ =	strace $0xD0000000  }
0x3: {  	_ = 	snop  }
0x4: {  	_ = 	snop  }
0x5: {  	_ = 	snop  }
0x6: {  	_ = 	snop  }
0x7: {  	_ = 	snop  }
__scs_overlays_trampoline_lowered:
0x8: {  	[smem:$0x3FAA] =	sst s0  }
0x9: {  	[smem:$0x3FAB] =	sst s1  }
0xa: {  	[smem:$0x3FAC] =	sst s2  }
0xb: {  	[smem:$0x3FAD] =	sst s3  }
0xc: {  	[smem:$0x3FAE] =	sst s4  }
0xd: {  	[smem:$0x3FAF] =	sst s5  }
0xe: {  	[smem:$0x3FB0] =	sst s6  }
0xf: {  	[smem:$0x3FB1] =	sst s7  }
0x10: {  	[smem:$0x3FB2] =	sst s8  }
0x11: {  	[smem:$0x3FB3] =	sst s9;
	s0 =	simm.s32 @!p0 $0x0  }
0x12: {  	s1 =	sld [smem:$0x3F99];
	s0 =	simm.s32 @p0 $0x1  }
0x13: {  	[smem:$0x3FB4] =	sst s0;
	s0 =	simm.s32 @!p1 $0x0  }
0x14: {  	s2 =	sld [smem:$0x3F98];
	s0 =	simm.s32 @p1 $0x1  }
0x15: {  	[smem:$0x3FB5] =	sst s0;
	s0 =	simm.s32 @!p2 $0x0  }
0x16: {  	s3 =	sld [smem:$0x3FDB];
	s0 =	simm.s32 @p2 $0x1  }
0x17: {  	s4 =	simm.s32 $0x1BF5;
	[smem:$0x3FB7] =	sst s0  }
0x18: {  	s0 =	sld [smem:$0x3F9A];
	_ =	swait.ge [sflag:s4], $0x0  }
0x19: {  	s7 =	sld [smem:$0x3F9B]  }
0x1a: {  	s8 =	sadd.s32 $0xFFFFE003, lr  }
0x1b: {  	s9 =	sadd.s32 $0xFFFFFEF7, lr;
	s5 =	simm.s32 $0xFFFFFFFF;
	p2 =	slt.u32 s8, $0xFFFFF086  }
0x1c: {  	p1 =	slt.u32 s9, $0xF7A;
	s5 =	simm.s32 @!p2 $0x0  }
0x1d: {  	s5 =	simm.s32 @p1 $0x1;
	p0 =	seq.s32 s7, s2  }
0x1e: {  	s7 =	smul.u32 @!p0 $0xF7A, s2;
	p2 =	seq.s32 @!p0 s5, $0x0  }
0x1f: {  	s9 =	smul.u32 $0xF7A, s1;
	s8 =	simm.s32 @!p0 $0x1BF5;
	p2 =	por !p2, p0  }
0x20: {  	[sflag:s8] =	ssyncset.s32 @!p0 $0xFFFFF086;
	s6 =	sadd.s32 @!p0 s3, s7;
	s7 =	simm.s32 @!p0 $0x108  }
0x21: {  	s3 =	sadd.s32 s3, s9;
	s6 =	sadd.s32 @!p0 $0x88, s6;
	s7 =	simm.s32 @p2 $0x1082  }
0x22: {  	[simem:s7], [sflag:s8] =	dma.local @!p0 [hbm:s6], $0xF7A  }
0x23: {  	s9 =	sor.u32 $0xD0000000, s2;
	s6 =	simm.s32 $0x108;
	_ =	swait.ge @!p0 [sflag:s8], $0x0  }
0x24: {  	s3 =	sadd.s32 $0x88, s3;
	s6 =	simm.s32 @!p1 $0x1082;
	[sflag:s4] =	ssyncset.s32 $0xFFFFF086  }
0x25: {  	[simem:s6], [sflag:s4] =	dma.local [hbm:s3], $0xF7A  }
0x26: {  	[smem:$0x3F9B] =	sst s1;
	(tag) =	ssettag s2;
	_ =	strace s9  }
0x27: {  	s1 =	sld [smem:$0x3FAB]  }
0x28: {  	s2 =	sld [smem:$0x3FAC]  }
0x29: {  	s4 =	sld [smem:$0x3FAE]  }
0x2a: {  	p0 =	seq.s32 s5, $0x0;
	s5 =	sld [smem:$0x3FAF]  }
0x2b: {  	s6 =	sld [smem:$0x3FB0]  }
0x2c: {  	s7 =	sld [smem:$0x3FB1]  }
0x2d: {  	s3 =	simm.s32 $0x108;
	s8 =	sld [smem:$0x3FB2]  }
0x2e: {  	s3 =	simm.s32 @!p0 $0x1082;
	s9 =	sld [smem:$0x3FB3]  }
0x2f: {  	lr =	sadd.s32 s0, s3;
	s0 =	sld [smem:$0x3FAA]  }
0x30: {  	s3 =	sld [smem:$0x3FAD]  }
0x31: {  	[smem:$0x3FB6] =	sst s10  }
0x32: {  	s10 =	sld [smem:$0x3FB4];
	_ =	sdelay $0x3  }
0x33: {  	p0 =	seq.s32 s10, $0x1;
	s10 =	sld [smem:$0x3FB6];
	_ =	sdelay $0x3  }
0x34: {  	[smem:$0x3FB6] =	sst s10  }
0x35: {  	s10 =	sld [smem:$0x3FB5];
	_ =	sdelay $0x3  }
0x36: {  	p1 =	seq.s32 s10, $0x1;
	s10 =	sld [smem:$0x3FB6];
	_ =	sdelay $0x3  }
0x37: {  	[smem:$0x3FB6] =	sst s10  }
0x38: {  	s10 =	sld [smem:$0x3FB7]  }
0x39: {  	_ = 	snop;
	(pc) =	sbr.ind lr, $3  }
0x3a: {  	_ = 	snop  }
0x3b: {  	_ = 	snop  }
0x3c: {  	p2 =	seq.s32 s10, $0x1;
	s10 =	sld [smem:$0x3FB6]  }
0x3d: {  	_ =	shalt  }
0x3e: {  	_ =	shalt  }
0x3f: {  	_ =	shalt  }
0x40: {  	_ =	shalt  }
0x41: {  	_ =	shalt  }
0x42: {  	_ =	shalt  }
0x43: {  	_ =	shalt  }
0x44: {  	_ =	shalt  }
0x45: {  	_ =	shalt  }
0x46: {  	_ =	shalt  }
0x47: {  	_ =	shalt  }
0x48: {  	_ =	shalt  }
0x49: {  	_ =	shalt  }
0x4a: {  	_ =	shalt  }
0x4b: {  	_ =	shalt  }
0x4c: {  	_ =	shalt  }
0x4d: {  	_ =	shalt  }
0x4e: {  	_ =	shalt  }
0x4f: {  	_ =	shalt  }
0x50: {  	_ =	shalt  }
0x51: {  	_ =	shalt  }
0x52: {  	_ =	shalt  }
0x53: {  	_ =	shalt  }
0x54: {  	_ =	shalt  }
0x55: {  	_ =	shalt  }
0x56: {  	_ =	shalt  }
0x57: {  	_ =	shalt  }
0x58: {  	_ =	shalt  }
0x59: {  	_ =	shalt  }
0x5a: {  	_ =	shalt  }
0x5b: {  	_ =	shalt  }
0x5c: {  	_ =	shalt  }
0x5d: {  	_ =	shalt  }
0x5e: {  	_ =	shalt  }
0x5f: {  	_ =	shalt  }
0x60: {  	_ =	shalt  }
0x61: {  	_ =	shalt  }
0x62: {  	_ =	shalt  }
0x63: {  	_ =	shalt  }
0x64: {  	_ =	shalt  }
0x65: {  	_ =	shalt  }
0x66: {  	_ =	shalt  }
0x67: {  	_ =	shalt  }
0x68: {  	_ =	shalt  }
0x69: {  	_ =	shalt  }
0x6a: {  	_ =	shalt  }
0x6b: {  	_ =	shalt  }
0x6c: {  	_ =	shalt  }
0x6d: {  	_ =	shalt  }
0x6e: {  	_ =	shalt  }
0x6f: {  	_ =	shalt  }
0x70: {  	_ =	shalt  }
0x71: {  	_ =	shalt  }
0x72: {  	_ =	shalt  }
0x73: {  	_ =	shalt  }
0x74: {  	_ =	shalt  }
0x75: {  	_ =	shalt  }
0x76: {  	_ =	shalt  }
0x77: {  	_ =	shalt  }
0x78: {  	_ =	shalt  }
0x79: {  	_ =	shalt  }
0x7a: {  	_ =	shalt  }
0x7b: {  	_ =	shalt  }
0x7c: {  	_ =	shalt  }
0x7d: {  	_ =	shalt  }
0x7e: {  	_ =	shalt  }
0x7f: {  	_ =	shalt  }
0x80: {  	_ =	shalt  }
0x81: {  	_ =	shalt  }
0x82: {  	_ =	shalt  }
0x83: {  	_ =	shalt  }
0x84: {  	_ =	shalt  }
0x85: {  	_ =	shalt  }
0x86: {  	_ =	shalt  }
0x87: {  	_ =	shalt  }
.Lfunc_end0:
.L_simem_size_0:
called_computation.3_lowered:
.L_overlay_start_0:
0x88: {  	s2 =	sld [smem:$0x3FD9]  }
0x89: {  	s3 =	sld [smem:$0x3FFE];
	_ =	sdelay $0x1  }
0x8a: {  	s1 =	srdreg.scid  }
0x8b: {  	s0 =	sand.u32 $0x1, s1  }
0x8c: {  	s17 =	sshll.u32 s0, $0xA;
	s2 =	sadd.s32 s3, s2  }
0x8d: {  	s2 =	sadd.s32 s2, s17  }
0x8e: {  	[smem:$0x3FC2] =	sst s2  }
0x8f: {  	_ = 	snop  }
0x90: {  	s2 =	sld [smem:$0x3FD0];
	(tm) =	ssettm $0x1  }
0x91: {  	s18 =	sld [smem:$0x3FFB];
	_ =	sdelay $0x3  }
0x92: {  	_ =	strace s18  }
0x93: {  	s3 =	sld [smem:$0x3FFC];
	_ =	sdelay $0x3  }
0x94: {  	_ =	strace s3  }
0x95: {  	s3 =	sld [smem:$0x3FFD];
	_ =	sdelay $0x3  }
0x96: {  	_ =	strace s3  }
0x97: {  	_ =	strace $0x8FFFFFFF  }
0x98: {  	s19 =	sld [smem:$0x3FDB];
	_ =	sdelay $0x1  }
0x99: {  	s4 =	simm.s32 $_scs_section_size  }
0x9a: {  	s5 =	simm.s32 $_size__tile_overlayer_lowered;
	s6 =	simm.s32 $_tile_overlayer_lowered  }
0x9b: {  	s22 =	simm.s32 $0x1BFF;
	s21 =	sshll.u32 s6, $0x1;
	s3 =	sadd.s32 s4, s19  }
0x9c: {  	s7 =	simm.s32 $0x0;
	s20 =	sshll.u32 s5, $0x1;
	s5 =	sadd.s32 s21, s3  }
0x9d: {  	[timem:s7], [sflag:s22] =	dma.local [hbm:s5], s20  }
0x9e: {  	_ =	swait.ge [sflag:s22], s20  }
0x9f: {  	s4 =	ssub.s32 $0x0, s20;
	[sflag:s22] =	ssyncset.done $0x0  }
0xa0: {  	[sflag:s22] =	ssyncadd.s32 s4;
	_ =	sdelay $0x1  }
0xa1: {  	s23 =	simm.s32 $0x1B8B  }
0xa2: {  	_ =	swait.ge [sflag:s23], $0x1  }
0xa3: {  	[sflag:s23] =	ssyncset.done $0x0  }
0xa4: {  	s25 =	simm.s32 $0x1B8E;
	s24 =	sld [smem:$0x3FFE];
	[sflag:s23] =	ssyncadd.s32 $0xFFFFFFFF  }
0xa5: {  	s26 =	simm.s32 $execute0_lowered;
	[smem:$0x3FD2] =	sst s25  }
0xa6: {  	s5 =	sshll.u32 s26, $0x1;
	_ =	strace $0x8000004F;
	[dreg:$0x1] =	wrdreg $0xFFFFFFFF  }
0xa7: {  	s28 =	simm.s32 $_size_execute0_lowered;
	s3 =	sadd.s32 s3, s5;
	[dreg:$0x0] =	wrdreg $0x0  }
0xa8: {  	s5 =	sshll.u32 s28, $0x1;
	[dreg:$0x2] =	wrdreg s3  }
0xa9: {  	[dreg:$0x3] =	wrdreg s5  }
0xaa: {  	[dreg:$0x4] =	wrdreg $0xC0  }
0xab: {  	_ =	task [dreg:s7], $0x5FFFF  }
0xac: {  	[dreg:$0x1] =	wrdreg $0xFFFFFFFF  }
0xad: {  	[dreg:$0x0] =	wrdreg $0x60  }
0xae: {  	[dreg:$0x2] =	wrdreg s24  }
0xaf: {  	[dreg:$0x3] =	wrdreg s2  }
0xb0: {  	[dreg:$0x4] =	wrdreg $0x68000  }
0xb1: {  	[dreg:$0x5] =	wrdreg $0x9  }
0xb2: {  	_ =	task.clear_ibuf [dreg:s7], $0x6FFFF;
	_ =	strace $0x9000004F  }
0xb3: {  	s29 =	simm.s32 $0x9;
	_ =	strace $0x80000051  }
0xb4: {  	_ =	swait.ge [sflag:s29], $0x1  }
0xb5: {  	[sflag:s29] =	ssyncadd.s32 $0xFFFFFFFF  }
0xb6: {  	_ =	strace $0x90000051  }
0xb7: {  	_ =	sfence  }
0xb8: {  	s30 =	sld [smem:$0x0];
	_ =	sdelay $0x2  }
0xb9: {  	s31 =	sshll.u32 s1, $0xD;
	s1 =	sshrl.u32 s1, $0x2  }
0xba: {  	s3 =	sand.u32 $0x4000, s31;
	s1 =	sadd.s32 s1, s30  }
0xbb: {  	s0 =	sor.u32 s3, s0;
	s1 =	sshll.u32 s1, $0x11  }
0xbc: {  	s0 =	sor.u32 s1, s0  }
0xbd: {  	s0 =	sadd.s32 $0x8F2B, s0  }
0xbe: {  	[sflag:s0] =	ssyncadd.remote.s32 $0x1  }
0xbf: {  	_ =	sfence.sel $0xFFFF  }
0xc0: {  	[dreg:$0x0] =	wrdreg $0xFFFFFFFF;
	(pc) =	sbr.abs _section_cstart, $3  }
0xc1: {  	[dreg:$0x1] =	wrdreg $0xFFFFFFFF  }
0xc2: {  	_ =	task.clear_ibuf [dreg:s7], $0x2FFFF;
	_ =	strace $0x9FFFFFFF  }
0xc3: {  	(tm) =	ssettm $0x7FFFFFFF  }
tec
execute0_lowered:
.L_overlay_start_1:
0x0: {  	(tag) =	ssettag $0x1  }
0x1: {  	s6 =	rddreg [dreg:$0x0]  }
0x2: {  	s0 =	srdreg.scid;
	s8 =	rddreg [dreg:$0x1]  }
0x3: {  	s2 =	rddreg [dreg:$0x2];
	s1 =	stileid.u32  }
0x4: {  	s3 =	simm.s32 $0x0;
	s14 =	simm.s32 $0x2800;
	s15 =	simm.s32 $0x4800  }
0x5: {  	s16 =	simm.s32 $0x1;
	s17 =	simm.s32 $0x2;
	s18 =	simm.s32 $0x2700  }
0x6: {  	s19 =	simm.s32 $0x2780;
	s5 =	sand.u32 $0x1, s0;
	s0 =	rddreg [dreg:$0x3]  }
0x7: {  	[smem:$0x7FF] =	sst s3;
	s13 =	smul.u32 $0xA000, s1;
	s30 =	sshll.u32 s1, $0x6  }
0x8: {  	s4 =	sshll.u32 s5, $0x4;
	_ =	strace $0x80000050;
	s10 =	smul.u32 $0x14000, s5  }
0x9: {  	s11 =	ssub.s32 $0x2, s5;
	s5 =	sadd.s32 $0x20000, s6;
	s4 =	sor.u32 s1, s4  }
0xa: {  	s12 =	sshrl.u32 s11, $0x1;
	s31 =	sadd.s32 s13, s2;
	s23 =	sshrl.u32 s13, $0x3  }
0xb: {  	s13 =	simm.s32 $0x80;
	s9 =	smul.u32 $0x500, s4;
	s4 =	sadd.s32 $0xC000, s6  }
0xc: {  	s10 =	sadd.s32 s10, s6;
	s11 =	ssub.s32 s11, s12;
	s12 =	simm.s32 $0x1400  }
0xd: {  	s22 =	sadd.s32 $0x21400, s10;
	s10 =	sshrl.u32 s31, $0x3;
	s7 =	sadd.s32 s9, s6  }
0xe: {  	s6 =	sor.u32 $0x1C03, s30;
	s8 =	sadd.s32 s8, s9;
	s9 =	smax.u32 s11, $0x1  }
0xf: {  	s11 =	simm.s32 $0x3;
	s22 =	sadd.s32 s23, s22;
	s7 =	sadd.s32 $0x2000, s7  }
0x10: {  	s23 =	simm.s32 $0x0;
	s21 =	sadd.s32 $0x280, s8;
	s20 =	sadd.s32 $0x280, s7  }
.LBB2_1:
0x11: {  	[spmem:s10], [sflag:s6] =	dma.local [hbm:s5], $0x1400  }
0x12: {  	_ =	swait.ge [sflag:s11], $0x1400  }
0x13: {  	[sflag:s11] =	ssyncset.done $0x0  }
0x14: {  	[sflag:s11] =	ssyncadd.s32 $0xFFFFEC00  }
0x15: {  	[bflag:$0x0] =	sbarrier.arrive $0xFFFF  }
0x16: {  	[tilespmem:s3], [sflag:$0x3] =	stream.linear.gather [hbm4b:s7+s3], $0x1400, $0x38;
	[tilespmem:$0x10800] =	vst v63  }
0x17: {  	_ =	swait.ge [sflag:s11], $0x1400  }
0x18: {  	[sflag:s11] =	ssyncset.done $0x0  }
0x19: {  	[sflag:s11] =	ssyncadd.s32 $0xFFFFEC00  }
0x1a: {  	[tilespmem:s12], [sflag:$0x3] =	stream.linear.gather [hbm4b:s8+s3], $0x1400, $0x38;
	[tilespmem:$0x10800] =	vst v63  }
0x1b: {  	_ =	swait.ge [sflag:s11], $0x1400  }
0x1c: {  	[sflag:s11] =	ssyncset.done $0x0  }
0x1d: {  	[sflag:s11] =	ssyncadd.s32 $0xFFFFEC00  }
0x1e: {  	[tilespmem:s14], [sflag:$0x1] =	stream.indirect.gather [hbm4b:s4+s13], $0x40, s3, s13, $0xb8;
	[tilespmem:$0x10800] =	vst v63  }
0x1f: {  	_ = 	snop  }
0x20: {  	[tilespmem:s15], [sflag:$0x2] =	stream.indirect.gather [hbm4b:s4+s13], $0x40, s13, s13, $0xb8;
	[tilespmem:$0x10800] =	vst v63  }
0x21: {  	_ =	swait.ge [sflag:s16], $0x2000  }
0x22: {  	[sflag:s16] =	ssyncset.done $0x0  }
0x23: {  	s24 =	simm.s32 $0x1400;
	[sflag:s16] =	ssyncadd.s32 $0xFFFFE000  }
0x24: {  	[spmem:s2] =	stream.indirect.scatter.add.f32 [tilespmem:s14], [sflag:$0x3], $0x40, s24, s13, $0xb8;
	[tilespmem:$0x10800] =	vst v63  }
0x25: {  	_ =	swait.ge [sflag:s11], $0x2000  }
0x26: {  	[sflag:s11] =	ssyncset.done $0x0  }
0x27: {  	s30 =	simm.s32 $0x100;
	[sflag:s11] =	ssyncadd.s32 $0xFFFFE000  }
0x28: {  	[tilespmem:s14], [sflag:$0x1] =	stream.indirect.gather [hbm4b:s4+s13], $0x40, s30, s13, $0xb8;
	[tilespmem:$0x10800] =	vst v63  }
0x29: {  	_ =	swait.ge [sflag:s17], $0x2000  }
0x2a: {  	[sflag:s17] =	ssyncset.done $0x0  }
0x2b: {  	s31 =	simm.s32 $0x1480;
	[sflag:s17] =	ssyncadd.s32 $0xFFFFE000  }
0x2c: {  	[spmem:s2] =	stream.indirect.scatter.add.f32 [tilespmem:s15], [sflag:$0x3], $0x40, s31, s13, $0xb8;
	[tilespmem:$0x10800] =	vst v63  }
0x2d: {  	_ =	swait.ge [sflag:s11], $0x2000  }
0x2e: {  	[sflag:s11] =	ssyncset.done $0x0  }
0x2f: {  	s25 =	simm.s32 $0x180;
	s24 =	simm.s32 $0x400;
	[sflag:s11] =	ssyncadd.s32 $0xFFFFE000  }
.LBB2_2:
0x30: {  	[tilespmem:s15], [sflag:$0x2] =	stream.indirect.gather [hbm4b:s4+s13], $0x40, s25, s13, $0xb8;
	[tilespmem:$0x10800] =	vst v63  }
0x31: {  	s25 =	smov.u32 s24  }
0x32: {  	p0 =	sne.s32 s24, $0x4800;
	s24 =	sadd.s32 $0x400, s24;
	_ =	swait.ge [sflag:s16], $0x2000  }
0x33: {  	s25 =	sshra.s32 s25, $0x2;
	[sflag:s16] =	ssyncset.done $0x0  }
0x34: {  	s26 =	sadd.s32 $0x1400, s25;
	[sflag:s16] =	ssyncadd.s32 $0xFFFFE000  }
0x35: {  	[spmem:s2] =	stream.indirect.scatter.add.f32 [tilespmem:s14], [sflag:$0x3], $0x40, s26, s13, $0xb8;
	[tilespmem:$0x10800] =	vst v63  }
0x36: {  	_ =	swait.ge [sflag:s11], $0x2000  }
0x37: {  	[sflag:s11] =	ssyncset.done $0x0  }
0x38: {  	s26 =	sadd.s32 $0x100, s25;
	[sflag:s11] =	ssyncadd.s32 $0xFFFFE000  }
0x39: {  	[tilespmem:s14], [sflag:$0x1] =	stream.indirect.gather [hbm4b:s4+s13], $0x40, s26, s13, $0xb8;
	[tilespmem:$0x10800] =	vst v63  }
0x3a: {  	_ =	swait.ge [sflag:s17], $0x2000  }
0x3b: {  	[sflag:s17] =	ssyncset.done $0x0  }
.Ltmp0:
0x3c: {  	s26 =	sadd.s32 $0x1480, s25;
	[sflag:s17] =	ssyncadd.s32 $0xFFFFE000;
	(pc) =	sbr.rel @p0 .LBB2_2-.Ltmp0, $4  }
0x3d: {  	[spmem:s2] =	stream.indirect.scatter.add.f32 [tilespmem:s15], [sflag:$0x3], $0x40, s26, s13, $0xb8;
	[tilespmem:$0x10800] =	vst v63  }
0x3e: {  	_ =	swait.ge [sflag:s11], $0x2000  }
0x3f: {  	[sflag:s11] =	ssyncset.done $0x0  }
0x40: {  	s25 =	sadd.s32 $0x180, s25;
	[sflag:s11] =	ssyncadd.s32 $0xFFFFE000  }
0x41: {  	[tilespmem:s15], [sflag:$0x2] =	stream.indirect.gather [hbm4b:s4+s13], $0x40, s25, s13, $0xb8;
	[tilespmem:$0x10800] =	vst v63  }
0x42: {  	_ =	swait.ge [sflag:s16], $0x2000  }
0x43: {  	[sflag:s16] =	ssyncset.done $0x0  }
0x44: {  	[sflag:s16] =	ssyncadd.s32 $0xFFFFE000  }
0x45: {  	[spmem:s2] =	stream.indirect.scatter.add.f32 [tilespmem:s14], [sflag:$0x3], $0x40, s18, s13, $0xb8;
	[tilespmem:$0x10800] =	vst v63  }
0x46: {  	_ =	swait.ge [sflag:s11], $0x2000  }
0x47: {  	[sflag:s11] =	ssyncset.done $0x0  }
0x48: {  	[sflag:s11] =	ssyncadd.s32 $0xFFFFE000  }
0x49: {  	_ =	swait.ge [sflag:s17], $0x2000  }
0x4a: {  	[sflag:s17] =	ssyncset.done $0x0  }
0x4b: {  	[sflag:s17] =	ssyncadd.s32 $0xFFFFE000  }
0x4c: {  	[spmem:s2] =	stream.indirect.scatter.add.f32 [tilespmem:s15], [sflag:$0x3], $0x40, s19, s13, $0xb8;
	[tilespmem:$0x10800] =	vst v63  }
0x4d: {  	_ =	swait.ge [sflag:s11], $0x2000  }
0x4e: {  	[sflag:s11] =	ssyncset.done $0x0  }
0x4f: {  	s24 =	simm.s32 $0x0;
	[sflag:s11] =	ssyncadd.s32 $0xFFFFE000  }
0x50: {  	[tilespmem:s24], [sflag:$0x3] =	stream.linear.gather [hbm4b:s20+s24], $0x1400, $0x38;
	[tilespmem:$0x10800] =	vst v63  }
0x51: {  	_ =	swait.ge [sflag:s11], $0x1400  }
0x52: {  	[sflag:s11] =	ssyncset.done $0x0  }
0x53: {  	[sflag:s11] =	ssyncadd.s32 $0xFFFFEC00  }
0x54: {  	[tilespmem:s12], [sflag:$0x3] =	stream.linear.gather [hbm4b:s21+s24], $0x1400, $0x38;
	[tilespmem:$0x10800] =	vst v63  }
0x55: {  	_ =	swait.ge [sflag:s11], $0x1400  }
0x56: {  	[sflag:s11] =	ssyncset.done $0x0  }
0x57: {  	[sflag:s11] =	ssyncadd.s32 $0xFFFFEC00  }
0x58: {  	[tilespmem:s14], [sflag:$0x1] =	stream.indirect.gather [hbm4b:s4+s13], $0x40, s24, s13, $0xb8;
	[tilespmem:$0x10800] =	vst v63  }
0x59: {  	_ = 	snop  }
0x5a: {  	[tilespmem:s15], [sflag:$0x2] =	stream.indirect.gather [hbm4b:s4+s13], $0x40, s13, s13, $0xb8;
	[tilespmem:$0x10800] =	vst v63  }
0x5b: {  	_ =	swait.ge [sflag:s16], $0x2000  }
0x5c: {  	[sflag:s16] =	ssyncset.done $0x0  }
0x5d: {  	s29 =	simm.s32 $0x1400;
	[sflag:s16] =	ssyncadd.s32 $0xFFFFE000  }
0x5e: {  	[spmem:s2] =	stream.indirect.scatter.add.f32 [tilespmem:s14], [sflag:$0x3], $0x40, s29, s13, $0xb8;
	[tilespmem:$0x10800] =	vst v63  }
0x5f: {  	_ =	swait.ge [sflag:s11], $0x2000  }
0x60: {  	[sflag:s11] =	ssyncset.done $0x0  }
0x61: {  	s30 =	simm.s32 $0x100;
	[sflag:s11] =	ssyncadd.s32 $0xFFFFE000  }
0x62: {  	[tilespmem:s14], [sflag:$0x1] =	stream.indirect.gather [hbm4b:s4+s13], $0x40, s30, s13, $0xb8;
	[tilespmem:$0x10800] =	vst v63  }
0x63: {  	_ =	swait.ge [sflag:s17], $0x2000  }
0x64: {  	[sflag:s17] =	ssyncset.done $0x0  }
0x65: {  	s31 =	simm.s32 $0x1480;
	[sflag:s17] =	ssyncadd.s32 $0xFFFFE000  }
0x66: {  	[spmem:s2] =	stream.indirect.scatter.add.f32 [tilespmem:s15], [sflag:$0x3], $0x40, s31, s13, $0xb8;
	[tilespmem:$0x10800] =	vst v63  }
0x67: {  	_ =	swait.ge [sflag:s11], $0x2000  }
0x68: {  	[sflag:s11] =	ssyncset.done $0x0  }
0x69: {  	s25 =	simm.s32 $0x180;
	s24 =	simm.s32 $0x400;
	[sflag:s11] =	ssyncadd.s32 $0xFFFFE000  }
.LBB2_4:
0x6a: {  	[tilespmem:s15], [sflag:$0x2] =	stream.indirect.gather [hbm4b:s4+s13], $0x40, s25, s13, $0xb8;
	[tilespmem:$0x10800] =	vst v63  }
0x6b: {  	s25 =	smov.u32 s24  }
0x6c: {  	p0 =	sne.s32 s24, $0x4800;
	s24 =	sadd.s32 $0x400, s24;
	_ =	swait.ge [sflag:s16], $0x2000  }
0x6d: {  	s25 =	sshra.s32 s25, $0x2;
	[sflag:s16] =	ssyncset.done $0x0  }
0x6e: {  	s26 =	sadd.s32 $0x1400, s25;
	[sflag:s16] =	ssyncadd.s32 $0xFFFFE000  }
0x6f: {  	[spmem:s2] =	stream.indirect.scatter.add.f32 [tilespmem:s14], [sflag:$0x3], $0x40, s26, s13, $0xb8;
	[tilespmem:$0x10800] =	vst v63  }
0x70: {  	_ =	swait.ge [sflag:s11], $0x2000  }
0x71: {  	[sflag:s11] =	ssyncset.done $0x0  }
0x72: {  	s26 =	sadd.s32 $0x100, s25;
	[sflag:s11] =	ssyncadd.s32 $0xFFFFE000  }
0x73: {  	[tilespmem:s14], [sflag:$0x1] =	stream.indirect.gather [hbm4b:s4+s13], $0x40, s26, s13, $0xb8;
	[tilespmem:$0x10800] =	vst v63  }
0x74: {  	_ =	swait.ge [sflag:s17], $0x2000  }
0x75: {  	[sflag:s17] =	ssyncset.done $0x0  }
.Ltmp1:
0x76: {  	s26 =	sadd.s32 $0x1480, s25;
	[sflag:s17] =	ssyncadd.s32 $0xFFFFE000;
	(pc) =	sbr.rel @p0 .LBB2_4-.Ltmp1, $4  }
0x77: {  	[spmem:s2] =	stream.indirect.scatter.add.f32 [tilespmem:s15], [sflag:$0x3], $0x40, s26, s13, $0xb8;
	[tilespmem:$0x10800] =	vst v63  }
0x78: {  	_ =	swait.ge [sflag:s11], $0x2000  }
0x79: {  	[sflag:s11] =	ssyncset.done $0x0  }
0x7a: {  	s25 =	sadd.s32 $0x180, s25;
	[sflag:s11] =	ssyncadd.s32 $0xFFFFE000  }
0x7b: {  	[tilespmem:s15], [sflag:$0x2] =	stream.indirect.gather [hbm4b:s4+s13], $0x40, s25, s13, $0xb8;
	[tilespmem:$0x10800] =	vst v63  }
0x7c: {  	_ =	swait.ge [sflag:s16], $0x2000  }
0x7d: {  	[sflag:s16] =	ssyncset.done $0x0  }
0x7e: {  	[sflag:s16] =	ssyncadd.s32 $0xFFFFE000  }
0x7f: {  	[spmem:s2] =	stream.indirect.scatter.add.f32 [tilespmem:s14], [sflag:$0x3], $0x40, s18, s13, $0xb8;
	[tilespmem:$0x10800] =	vst v63  }
0x80: {  	_ =	swait.ge [sflag:s11], $0x2000  }
0x81: {  	[sflag:s11] =	ssyncset.done $0x0  }
0x82: {  	[sflag:s11] =	ssyncadd.s32 $0xFFFFE000  }
0x83: {  	_ =	swait.ge [sflag:s17], $0x2000  }
0x84: {  	[sflag:s17] =	ssyncset.done $0x0  }
0x85: {  	[sflag:s17] =	ssyncadd.s32 $0xFFFFE000  }
0x86: {  	[spmem:s2] =	stream.indirect.scatter.add.f32 [tilespmem:s15], [sflag:$0x3], $0x40, s19, s13, $0xb8;
	[tilespmem:$0x10800] =	vst v63  }
0x87: {  	_ =	swait.ge [sflag:s11], $0x2000  }
0x88: {  	s23 =	sadd.s32 $0x1, s23;
	[sflag:s11] =	ssyncset.done $0x0  }
0x89: {  	p0 =	sne.s32 s23, s9;
	[sflag:s11] =	ssyncadd.s32 $0xFFFFE000  }
.Ltmp2:
0x8a: {  	[bflag:$0x0] =	sbarrier.arrive $0xFFFF;
	(pc) =	sbr.rel @p0 .LBB2_1-.Ltmp2, $4  }
0x8b: {  	[hbm:s22], [sflag:s6] =	dma.local [spmem:s10], $0x1400  }
0x8c: {  	_ =	swait.ge [sflag:s11], $0x1400  }
0x8d: {  	[sflag:s11] =	ssyncset.done $0x0  }
0x8e: {  	[sflag:s11] =	ssyncadd.s32 $0xFFFFEC00  }
0x8f: {  	_ =	sfence.sel $0x180000  }
0x90: {  	[bflag:$0x0] =	sbarrier.arrive $0xFFFF  }
0x91: {  	p0 =	sne.s32 s1, $0x0;
	_ =	strace $0x90000050  }
0x92: {  	s0 =	sadd.s32 @!p0 $0x100000, s0;
	[bflag:$0x2] =	sbarrier.arrive $0xFFFF  }
0x93: {  	[sflag:s0] =	ssyncadd.tile.s32 @!p0 $0x1;
	_ =	shalt  }
.Lfunc_end2:
_tile_overlayer_lowered:
.L_overlay_start_2:
0x94: {  	(tag) =	ssettag $0x2  }
0x95: {  	s0 =	rddreg [dreg:$0x0];
	s2 =	stileid.u32  }
0x96: {  	s1 =	rddreg [dreg:$0x1];
	p0 =	sne.s32 s2, $0x0  }
0x97: {  	s3 =	rddreg [dreg:$0x2];
	[bflag:$0x3] =	sbarrier.arrive $0xFFFF;
	s2 =	simm.s32 @!p0 $0x1C03  }
0x98: {  	[timem:s3], [sflag:s2] =	dma.local @!p0 [hbm:s0], s1  }
0x99: {  	s0 =	simm.s32 @!p0 $0x3  }
0x9a: {  	_ =	swait.ge @!p0 [sflag:s0], s1  }
0x9b: {  	s1 =	ssub.s32 @!p0 $0x0, s1;
	[sflag:s0] =	ssyncset.done @!p0 $0x0  }
0x9c: {  	[sflag:s0] =	ssyncadd.s32 @!p0 s1  }
0x9d: {  	[bflag:$0x3] =	sbarrier.arrive $0xFFFF  }
0x9e: {  	_ =	shalt  }

</sc_bundles>
